<compile_context>
chip_gen: v7x
topology: tpu7x:2x2x1
jax: 0.10.2.dev20260603
libtpu: 0.0.44.dev20260713+nightly
codegen_flags: <defaults>
</compile_context>

<pallas_src>
import functools

import jax
import jax.numpy as jnp
from jax import lax
from jax.experimental import pallas as pl
from jax.experimental.pallas import tpu as pltpu
from jax.experimental.pallas import tpu_sc as plsc

NC = 2
NS = 16
L = 16
CHUNK = 128


def _rsqrt(x):
    i = plsc.bitcast(x, jnp.int32)
    i = jnp.int32(0x5F3759DF) - lax.shift_right_logical(i, 1)
    y = plsc.bitcast(i, jnp.float32)
    for _ in range(3):
        y = y * (1.5 - 0.5 * x * y * y)
    return y


def _col(ref, rows, c):
    return plsc.load_gather(ref, [rows, jnp.full((L,), c, jnp.int32)])


def _sc_kernel_body(V, V8, NCH, VPT,
                    pv_hbm, gv_hbm, pfg_hbm, pfs_hbm, gfg_hbm, zero_hbm,
                    out_hbm,
                    acc, pgi, psi, ggi, p0r, p1r, p2r, g0r, g1r, g2r,
                    srows, accv, vrtv, psum, sem, ssem):
    c = lax.axis_index("c")
    s = lax.axis_index("s")
    iota16 = lax.iota(jnp.int32, L)
    ones16 = jnp.full((L,), 1.0, jnp.float32)
    zeros16 = jnp.zeros((L,), jnp.float32)

    psum[0, :] = zeros16
    psum[1, :] = zeros16

    def normal(x0, y0, z0, x1, y1, z1, x2, y2, z2):
        e1x, e1y, e1z = x1 - x0, y1 - y0, z1 - z0
        e2x, e2y, e2z = x2 - x0, y2 - y0, z2 - z0
        nx = e1y * e2z - e1z * e2y
        ny = e1z * e2x - e1x * e2z
        nz = e1x * e2y - e1y * e2x
        ss = nx * nx + ny * ny + nz * nz
        r = jnp.where(ss <= 1e-24, 1e12, _rsqrt(ss))
        return nx * r, ny * r, nz * r

    def batch_body(sb, carry):
        b = c * 4 + sb
        pltpu.sync_copy(zero_hbm, acc.at[pl.ds(s * VPT, VPT), :])
        for j in range(3):
            pltpu.sync_copy(pfg_hbm.at[b, j, s], pgi.at[pl.ds(j * NCH, NCH)])
            pltpu.sync_copy(pfs_hbm.at[b, j, s], psi.at[pl.ds(j * NCH, NCH)])
            pltpu.sync_copy(gfg_hbm.at[b, j, s], ggi.at[pl.ds(j * NCH, NCH)])
        plsc.subcore_barrier()

        def chunk_body(ck, carry2):
            ds = [pltpu.async_copy(pv_hbm.at[pgi.at[ck]], p0r, sem),
                  pltpu.async_copy(pv_hbm.at[pgi.at[NCH + ck]], p1r, sem),
                  pltpu.async_copy(pv_hbm.at[pgi.at[2 * NCH + ck]], p2r, sem),
                  pltpu.async_copy(gv_hbm.at[ggi.at[ck]], g0r, sem),
                  pltpu.async_copy(gv_hbm.at[ggi.at[NCH + ck]], g1r, sem),
                  pltpu.async_copy(gv_hbm.at[ggi.at[2 * NCH + ck]], g2r, sem)]
            @pl.when(ck > 0)
            def _():
                for _ in range(3):
                    pltpu.make_async_copy(
                        zero_hbm.at[pl.ds(0, CHUNK), :], srows, ssem).wait()
            for d in ds:
                d.wait()
            gacc = zeros16
            for j8 in range(CHUNK // L):
                rows = j8 * L + iota16
                x0, y0, z0 = _col(p0r, rows, 0), _col(p0r, rows, 1), _col(p0r, rows, 2)
                x1, y1, z1 = _col(p1r, rows, 0), _col(p1r, rows, 1), _col(p1r, rows, 2)
                x2, y2, z2 = _col(p2r, rows, 0), _col(p2r, rows, 1), _col(p2r, rows, 2)
                plsc.store_scatter(srows, [rows, jnp.full((L,), 0, jnp.int32)], x0 + x1 + x2)
                plsc.store_scatter(srows, [rows, jnp.full((L,), 1, jnp.int32)], y0 + y1 + y2)
                plsc.store_scatter(srows, [rows, jnp.full((L,), 2, jnp.int32)], z0 + z1 + z2)
                plsc.store_scatter(srows, [rows, jnp.full((L,), 3, jnp.int32)], ones16)
                pnx, pny, pnz = normal(x0, y0, z0, x1, y1, z1, x2, y2, z2)
                a0, b0, c0 = _col(g0r, rows, 0), _col(g0r, rows, 1), _col(g0r, rows, 2)
                a1, b1, c1 = _col(g1r, rows, 0), _col(g1r, rows, 1), _col(g1r, rows, 2)
                a2, b2, c2 = _col(g2r, rows, 0), _col(g2r, rows, 1), _col(g2r, rows, 2)
                gnx, gny, gnz = normal(a0, b0, c0, a1, b1, c1, a2, b2, c2)
                dx, dy, dz = pnx - gnx, pny - gny, pnz - gnz
                gacc = gacc + dx * dx + dy * dy + dz * dz
            plsc.addupdate(psum.at[1], gacc)
            pltpu.async_copy(srows, acc.at[psi.at[ck]], ssem, add=True)
            pltpu.async_copy(srows, acc.at[psi.at[NCH + ck]], ssem, add=True)
            pltpu.async_copy(srows, acc.at[psi.at[2 * NCH + ck]], ssem, add=True)
            return carry2

        lax.fori_loop(0, NCH, chunk_body, 0)
        for _ in range(3):
            pltpu.make_async_copy(zero_hbm.at[pl.ds(0, CHUNK), :], srows, ssem).wait()
        plsc.subcore_barrier()

        HVPT = VPT // 2

        def half_body(h, carry2):
            base = s * VPT + h * HVPT
            pltpu.sync_copy(acc.at[pl.ds(base, HVPT), :], accv)
            pltpu.sync_copy(pv_hbm.at[pl.ds(b * V8 + base, HVPT), :], vrtv)
            vid0 = base

            def row_body(i, carry3):
                rows = i * L + iota16
                ax, ay, az = _col(accv, rows, 0), _col(accv, rows, 1), _col(accv, rows, 2)
                an = _col(accv, rows, 3)
                vx, vy, vz = _col(vrtv, rows, 0), _col(vrtv, rows, 1), _col(vrtv, rows, 2)
                inv = 1.0 / jnp.maximum(an + an, 1.0)
                lx = (ax - an * vx) * inv - vx
                ly = (ay - an * vy) * inv - vy
                lz = (az - an * vz) * inv - vz
                ss = lx * lx + ly * ly + lz * lz + 1e-12
                nrm = ss * _rsqrt(ss)
                nrm = jnp.where(vid0 + rows < V, nrm, 0.0)
                plsc.addupdate(psum.at[0], nrm)
                return carry3

            return lax.fori_loop(0, HVPT // L, row_body, carry2)

        lax.fori_loop(0, 2, half_body, 0)
        plsc.subcore_barrier()
        return carry

    lax.fori_loop(0, 4, batch_body, 0)
    pltpu.sync_copy(psum, out_hbm.at[c, s])


def kernel(pred_verts, pred_faces, gt_verts, gt_faces):
    B, V, _ = pred_verts.shape
    F = pred_faces.shape[1]
    VPT = ((V + L * NS - 1) // (L * NS)) * L
    V8 = VPT * NS
    FPT = ((F + CHUNK * NS - 1) // (CHUNK * NS)) * CHUNK
    FP = FPT * NS
    NCH = FPT // CHUNK

    f32 = jnp.float32
    pv8 = jnp.pad(pred_verts, ((0, 0), (0, V8 - V), (0, 5))).reshape(B * V8, 8)
    gv8 = jnp.pad(gt_verts, ((0, 0), (0, V8 - V), (0, 5))).reshape(B * V8, 8)
    boff = (jnp.arange(B, dtype=jnp.int32) * V8)[:, None, None]

    def blocks(faces, off):
        fp = jnp.pad(faces.astype(jnp.int32), ((0, 0), (0, FP - F), (0, 0)),
                     constant_values=V) + off
        return jnp.transpose(fp, (0, 2, 1)).reshape(B, 3, NS, NCH, CHUNK)

    pfg = blocks(pred_faces, boff)
    pfs = blocks(pred_faces, 0)
    gfg = blocks(gt_faces, boff)
    zero_rows = jnp.zeros((VPT, 8), f32)

    mesh = plsc.VectorSubcoreMesh(core_axis_name="c", subcore_axis_name="s",
                                  num_cores=NC, num_subcores=NS)
    body = functools.partial(_sc_kernel_body, V, V8, NCH, VPT)
    out = pl.kernel(
        body,
        out_type=jax.ShapeDtypeStruct((NC, NS, 2, L), f32),
        mesh=mesh,
        compiler_params=pltpu.CompilerParams(
            needs_layout_passes=False, use_tc_tiling_on_sc=False),
        scratch_types=[
            pltpu.VMEM_SHARED((V8, 8), f32),
            pltpu.VMEM((3 * NCH, CHUNK), jnp.int32),
            pltpu.VMEM((3 * NCH, CHUNK), jnp.int32),
            pltpu.VMEM((3 * NCH, CHUNK), jnp.int32),
            pltpu.VMEM((CHUNK, 8), f32),
            pltpu.VMEM((CHUNK, 8), f32),
            pltpu.VMEM((CHUNK, 8), f32),
            pltpu.VMEM((CHUNK, 8), f32),
            pltpu.VMEM((CHUNK, 8), f32),
            pltpu.VMEM((CHUNK, 8), f32),
            pltpu.VMEM((CHUNK, 8), f32),
            pltpu.VMEM((VPT // 2, 8), f32),
            pltpu.VMEM((VPT // 2, 8), f32),
            pltpu.VMEM((2, L), f32),
            pltpu.SemaphoreType.DMA,
            pltpu.SemaphoreType.DMA,
        ],
    )(pv8, gv8, pfg, pfs, gfg, zero_rows)

    lap_sum = jnp.sum(out[:, :, 0, :])
    grad_sum = jnp.sum(out[:, :, 1, :])
    return 0.1 * lap_sum / (B * V) + 0.05 * grad_sum / (B * F * 3)

# --- scband reference (transcript-rebuilt; emitter-appended) ---
"""Pipeline reference for scband-edge-aware-loss-386547057305 (READ-ONLY COPY).

The authoritative reference and input builder live on the scoring server;
editing this copy changes nothing except your own understanding.
"""

import jax, jax.numpy as jnp
import numpy as np


def setup_inputs(seed: int = 0) -> dict:
    key = jax.random.key(seed)
    k1, k2, k3, k4 = jax.random.split(key, 4)
    B, V, F = 8, 50000, 100000
    pred_verts = jax.random.normal(k1, (B, V, 3), dtype=jnp.float32)
    gt_verts = jax.random.normal(k2, (B, V, 3), dtype=jnp.float32)
    pred_faces = jax.random.randint(k3, (B, F, 3), 0, V)
    gt_faces = jax.random.randint(k4, (B, F, 3), 0, V)
    return {"pred_verts": pred_verts, "pred_faces": pred_faces, "gt_verts": gt_verts, "gt_faces": gt_faces}


def _laplacian_loss_one(verts, faces):
    # uniform mesh laplacian smoothing: per-vertex neighbor mean minus vertex
    V = verts.shape[0]
    i0, i1, i2 = faces[:, 0], faces[:, 1], faces[:, 2]
    src = jnp.concatenate([i0, i1, i1, i2, i2, i0])
    dst = jnp.concatenate([i1, i0, i2, i1, i0, i2])
    nbr_sum = jax.ops.segment_sum(verts[src], dst, num_segments=V)
    deg = jax.ops.segment_sum(jnp.ones(src.shape[0], dtype=verts.dtype), dst, num_segments=V)
    deg = jnp.maximum(deg, 1.0)
    lap = nbr_sum / deg[:, None] - verts
    # per-vertex L2 norm, mean over vertices (pytorch3d uniform laplacian smoothing)
    return jnp.mean(jnp.sqrt(jnp.sum(lap * lap, axis=1) + 1e-12))


def _face_normals_one(verts, faces):
    v0 = verts[faces[:, 0]]
    v1 = verts[faces[:, 1]]
    v2 = verts[faces[:, 2]]
    n = jnp.cross(v1 - v0, v2 - v0)
    # F.normalize(dim=-1) semantics: x / max(||x||, eps)
    nn = jnp.maximum(jnp.sqrt(jnp.sum(n * n, axis=-1, keepdims=True)), 1e-12)
    return n / nn


def reference(pred_verts, pred_faces, gt_verts, gt_faces):
    lambda_lap = 0.1
    beta_grad = 0.05
    # laplacian loss over batch, then abs().mean() as in the torch module
    lap = jax.vmap(_laplacian_loss_one)(pred_verts, pred_faces)
    lap_loss = jnp.mean(jnp.abs(lap))
    # edge-aware gradient (face-normal) mse between pred and gt meshes
    pred_grad = jax.vmap(_face_normals_one)(pred_verts, pred_faces)
    gt_grad = jax.vmap(_face_normals_one)(gt_verts, gt_faces)
    grad_loss = jnp.mean((pred_grad - gt_grad) ** 2)
    total_loss = lambda_lap * lap_loss + beta_grad * grad_loss
    return total_loss

if __name__ == "__main__":
    import jax
    _d = setup_inputs()
    print(jax.jit(kernel)(*tuple(_d.values())))

</pallas_src>

<mosaic_0001>
#map = affine_map<(d0, d1) -> (0, 0)>
#map1 = affine_map<(d0, d1) -> (0, 0, 0, 0, 0)>
#map2 = affine_map<(d0, d1) -> (0, 0, 0, 0)>
module attributes {stable_mosaic.version = 14 : i64} {
  func.func @_sc_kernel_body(%arg0: i32, %arg1: i32, %arg2: memref<401408x8xf32, #tpu.memory_space<hbm>>, %arg3: memref<401408x8xf32, #tpu.memory_space<hbm>>, %arg4: memref<8x3x16x49x128xi32, #tpu.memory_space<hbm>>, %arg5: memref<8x3x16x49x128xi32, #tpu.memory_space<hbm>>, %arg6: memref<8x3x16x49x128xi32, #tpu.memory_space<hbm>>, %arg7: memref<3136x8xf32, #tpu.memory_space<hbm>>, %arg8: memref<2x16x2x16xf32, #tpu.memory_space<hbm>>, %arg9: memref<50176x8xf32, #tpu.memory_space<vmem_shared>>, %arg10: memref<147x128xi32, #tpu.memory_space<vmem>>, %arg11: memref<147x128xi32, #tpu.memory_space<vmem>>, %arg12: memref<147x128xi32, #tpu.memory_space<vmem>>, %arg13: memref<128x8xf32, #tpu.memory_space<vmem>>, %arg14: memref<128x8xf32, #tpu.memory_space<vmem>>, %arg15: memref<128x8xf32, #tpu.memory_space<vmem>>, %arg16: memref<128x8xf32, #tpu.memory_space<vmem>>, %arg17: memref<128x8xf32, #tpu.memory_space<vmem>>, %arg18: memref<128x8xf32, #tpu.memory_space<vmem>>, %arg19: memref<128x8xf32, #tpu.memory_space<vmem>>, %arg20: memref<1568x8xf32, #tpu.memory_space<vmem>>, %arg21: memref<1568x8xf32, #tpu.memory_space<vmem>>, %arg22: memref<2x16xf32, #tpu.memory_space<vmem>>, %arg23: memref<!tpu.dma_semaphore, #tpu.memory_space<semaphore_mem>>, %arg24: memref<!tpu.dma_semaphore, #tpu.memory_space<semaphore_mem>>) attributes {dimension_semantics = [#tpu.dimension_semantics<core_parallel>, #tpu.dimension_semantics<subcore_parallel>], iteration_bounds = array<i64: 2, 16>, scalar_prefetch = 0 : i64, scratch_operands = 16 : i64, tpu.core_type = #tpu.core_type<sc_vector_subcore>, window_params = [{transform_indices = #map}, {transform_indices = #map}, {transform_indices = #map1}, {transform_indices = #map1}, {transform_indices = #map1}, {transform_indices = #map}, {transform_indices = #map2}]} {
    %iota3A = tpu.iota {dimensions = array<i32: 0>} : vector<16xi32>
    %broadcast_in_dim3A = arith.constant 1.000000e+00 : f32
    %broadcast_in_dim3A_0 = vector.broadcast %broadcast_in_dim3A : f32 to vector<16xf32>
    %broadcast_in_dim3A_1 = arith.constant 0.000000e+00 : f32
    %broadcast_in_dim3A_2 = vector.broadcast %broadcast_in_dim3A_1 : f32 to vector<16xf32>
    %swap3A = arith.constant 0 : i32
    %swap3A_3 = arith.index_cast %swap3A : i32 to index
    %swap3A_4 = arith.constant 0 : index
    %swap3A_5 = tpu.vector_load %arg22[%swap3A_3, %swap3A_4] {strides = array<i32>} : memref<2x16xf32, #tpu.memory_space<vmem>>, vector<16xf32>,
    tpu.vector_store %arg22[%swap3A_3, %swap3A_4], %broadcast_in_dim3A_2 {strides = array<i32>} : memref<2x16xf32, #tpu.memory_space<vmem>>, vector<16xf32>,
    %swap3A_6 = arith.constant 1 : i32
    %swap3A_7 = arith.index_cast %swap3A_6 : i32 to index
    %swap3A_8 = arith.constant 0 : index
    %swap3A_9 = tpu.vector_load %arg22[%swap3A_7, %swap3A_8] {strides = array<i32>} : memref<2x16xf32, #tpu.memory_space<vmem>>, vector<16xf32>,
    tpu.vector_store %arg22[%swap3A_7, %swap3A_8], %broadcast_in_dim3A_2 {strides = array<i32>} : memref<2x16xf32, #tpu.memory_space<vmem>>, vector<16xf32>,
    %scan3A = arith.constant 0 : i32
    %scan3A_10 = arith.constant 0 : i32
    %scan3A_11 = arith.constant 4 : i32
    %scan3A_12 = arith.addi %scan3A_10, %scan3A_11 : i32
    %scan3A_13 = arith.constant 1 : i32
    scf.for %scan3A_15 = %scan3A_10 to %scan3A_12 step %scan3A_13  : i32 {
      %mul3A = arith.constant 4 : i32
      %mul3A_16 = arith.muli %arg0, %mul3A : i32
      %add3A = arith.addi %mul3A_16, %scan3A_15 : i32
      %mul3A_17 = arith.constant 3136 : i32
      %mul3A_18 = arith.muli %arg1, %mul3A_17 : i32
      "tpu.region"() ({
        %run_scoped3A_58 = tpu.sem_alloc : memref<!tpu.dma_semaphore, #tpu.memory_space<semaphore_mem>>
        %dma_start3A = arith.constant 0 : i32
        %dma_start3A_59 = tpu.memref_slice %arg9[%mul3A_18, %dma_start3A] : memref<50176x8xf32, #tpu.memory_space<vmem_shared>> -> memref<3136x8xf32, #tpu.memory_space<vmem_shared>>
        tpu.enqueue_dma source(%arg7 : memref<3136x8xf32, #tpu.memory_space<hbm>>) target(%dma_start3A_59 : memref<3136x8xf32, #tpu.memory_space<vmem_shared>>) target_semaphore(%run_scoped3A_58 : memref<!tpu.dma_semaphore, #tpu.memory_space<semaphore_mem>>)
        %dma_wait3A_60 = arith.constant 0 : i32
        %dma_wait3A_61 = tpu.memref_slice %arg9[%mul3A_18, %dma_wait3A_60] : memref<50176x8xf32, #tpu.memory_space<vmem_shared>> -> memref<3136x8xf32, #tpu.memory_space<vmem_shared>>
        tpu.wait_dma2 semaphore(%run_scoped3A_58 : memref<!tpu.dma_semaphore, #tpu.memory_space<semaphore_mem>>) src(%arg7 : memref<3136x8xf32, #tpu.memory_space<hbm>>) dst(%dma_wait3A_61 : memref<3136x8xf32, #tpu.memory_space<vmem_shared>>)
        tpu.yield
      }) : () -> ()
      %run_scoped3A = arith.constant 0 : i32
      "tpu.region"() ({
        %run_scoped3A_58 = tpu.sem_alloc : memref<!tpu.dma_semaphore, #tpu.memory_space<semaphore_mem>>
        %dma_start3A = arith.constant 0 : i32
        %dma_start3A_59 = arith.constant 0 : i32
        %dma_start3A_60 = tpu.memref_slice %arg10[%dma_start3A, %dma_start3A_59] : memref<147x128xi32, #tpu.memory_space<vmem>> -> memref<49x128xi32, #tpu.memory_space<vmem>>
        %dma_start3A_61 = arith.constant 0 : i32
        %dma_start3A_62 = arith.constant 0 : i32
        %dma_start3A_63 = tpu.memref_slice %arg4[%add3A, %run_scoped3A, %arg1, %dma_start3A_61, %dma_start3A_62] : memref<8x3x16x49x128xi32, #tpu.memory_space<hbm>> -> memref<1x1x1x49x128xi32, #tpu.memory_space<hbm>>
        %dma_start3A_64 = tpu.memref_squeeze %dma_start3A_63 : memref<1x1x1x49x128xi32, #tpu.memory_space<hbm>> -> memref<49x128xi32, #tpu.memory_space<hbm>>
        %dma_start3A_65 = arith.constant 0 : i32
        %dma_start3A_66 = arith.constant 0 : i32
        %dma_start3A_67 = tpu.memref_slice %arg10[%dma_start3A_65, %dma_start3A_66] : memref<147x128xi32, #tpu.memory_space<vmem>> -> memref<49x128xi32, #tpu.memory_space<vmem>>
        %dma_start3A_68 = arith.constant 0 : i32
        %dma_start3A_69 = arith.constant 0 : i32
        %dma_start3A_70 = tpu.memref_slice %arg4[%add3A, %run_scoped3A, %arg1, %dma_start3A_68, %dma_start3A_69] : memref<8x3x16x49x128xi32, #tpu.memory_space<hbm>> -> memref<1x1x1x49x128xi32, #tpu.memory_space<hbm>>
        %dma_start3A_71 = tpu.memref_squeeze %dma_start3A_70 : memref<1x1x1x49x128xi32, #tpu.memory_space<hbm>> -> memref<49x128xi32, #tpu.memory_space<hbm>>
        tpu.enqueue_dma source(%dma_start3A_71 : memref<49x128xi32, #tpu.memory_space<hbm>>) target(%dma_start3A_67 : memref<49x128xi32, #tpu.memory_space<vmem>>) target_semaphore(%run_scoped3A_58 : memref<!tpu.dma_semaphore, #tpu.memory_space<semaphore_mem>>)
        %dma_wait3A_72 = arith.constant 0 : i32
        %dma_wait3A_73 = arith.constant 0 : i32
        %dma_wait3A_74 = tpu.memref_slice %arg10[%dma_wait3A_72, %dma_wait3A_73] : memref<147x128xi32, #tpu.memory_space<vmem>> -> memref<49x128xi32, #tpu.memory_space<vmem>>
        %dma_wait3A_75 = arith.constant 0 : i32
        %dma_wait3A_76 = arith.constant 0 : i32
        %dma_wait3A_77 = tpu.memref_slice %arg4[%add3A, %run_scoped3A, %arg1, %dma_wait3A_75, %dma_wait3A_76] : memref<8x3x16x49x128xi32, #tpu.memory_space<hbm>> -> memref<1x1x1x49x128xi32, #tpu.memory_space<hbm>>
        %dma_wait3A_78 = tpu.memref_squeeze %dma_wait3A_77 : memref<1x1x1x49x128xi32, #tpu.memory_space<hbm>> -> memref<49x128xi32, #tpu.memory_space<hbm>>
        %dma_wait3A_79 = arith.constant 0 : i32
        %dma_wait3A_80 = arith.constant 0 : i32
        %dma_wait3A_81 = tpu.memref_slice %arg10[%dma_wait3A_79, %dma_wait3A_80] : memref<147x128xi32, #tpu.memory_space<vmem>> -> memref<49x128xi32, #tpu.memory_space<vmem>>
        %dma_wait3A_82 = arith.constant 0 : i32
        %dma_wait3A_83 = arith.constant 0 : i32
        %dma_wait3A_84 = tpu.memref_slice %arg4[%add3A, %run_scoped3A, %arg1, %dma_wait3A_82, %dma_wait3A_83] : memref<8x3x16x49x128xi32, #tpu.memory_space<hbm>> -> memref<1x1x1x49x128xi32, #tpu.memory_space<hbm>>
        %dma_wait3A_85 = tpu.memref_squeeze %dma_wait3A_84 : memref<1x1x1x49x128xi32, #tpu.memory_space<hbm>> -> memref<49x128xi32, #tpu.memory_space<hbm>>
        tpu.wait_dma2 semaphore(%run_scoped3A_58 : memref<!tpu.dma_semaphore, #tpu.memory_space<semaphore_mem>>) src(%dma_wait3A_85 : memref<49x128xi32, #tpu.memory_space<hbm>>) dst(%dma_wait3A_81 : memref<49x128xi32, #tpu.memory_space<vmem>>)
        tpu.yield
      }) : () -> ()
      %run_scoped3A_19 = arith.constant 0 : i32
      "tpu.region"() ({
        %run_scoped3A_58 = tpu.sem_alloc : memref<!tpu.dma_semaphore, #tpu.memory_space<semaphore_mem>>
        %dma_start3A = arith.constant 0 : i32
        %dma_start3A_59 = arith.constant 0 : i32
        %dma_start3A_60 = tpu.memref_slice %arg11[%dma_start3A, %dma_start3A_59] : memref<147x128xi32, #tpu.memory_space<vmem>> -> memref<49x128xi32, #tpu.memory_space<vmem>>
        %dma_start3A_61 = arith.constant 0 : i32
        %dma_start3A_62 = arith.constant 0 : i32
        %dma_start3A_63 = tpu.memref_slice %arg5[%add3A, %run_scoped3A_19, %arg1, %dma_start3A_61, %dma_start3A_62] : memref<8x3x16x49x128xi32, #tpu.memory_space<hbm>> -> memref<1x1x1x49x128xi32, #tpu.memory_space<hbm>>
        %dma_start3A_64 = tpu.memref_squeeze %dma_start3A_63 : memref<1x1x1x49x128xi32, #tpu.memory_space<hbm>> -> memref<49x128xi32, #tpu.memory_space<hbm>>
        %dma_start3A_65 = arith.constant 0 : i32
        %dma_start3A_66 = arith.constant 0 : i32
        %dma_start3A_67 = tpu.memref_slice %arg11[%dma_start3A_65, %dma_start3A_66] : memref<147x128xi32, #tpu.memory_space<vmem>> -> memref<49x128xi32, #tpu.memory_space<vmem>>
        %dma_start3A_68 = arith.constant 0 : i32
        %dma_start3A_69 = arith.constant 0 : i32
        %dma_start3A_70 = tpu.memref_slice %arg5[%add3A, %run_scoped3A_19, %arg1, %dma_start3A_68, %dma_start3A_69] : memref<8x3x16x49x128xi32, #tpu.memory_space<hbm>> -> memref<1x1x1x49x128xi32, #tpu.memory_space<hbm>>
        %dma_start3A_71 = tpu.memref_squeeze %dma_start3A_70 : memref<1x1x1x49x128xi32, #tpu.memory_space<hbm>> -> memref<49x128xi32, #tpu.memory_space<hbm>>
        tpu.enqueue_dma source(%dma_start3A_71 : memref<49x128xi32, #tpu.memory_space<hbm>>) target(%dma_start3A_67 : memref<49x128xi32, #tpu.memory_space<vmem>>) target_semaphore(%run_scoped3A_58 : memref<!tpu.dma_semaphore, #tpu.memory_space<semaphore_mem>>)
        %dma_wait3A_72 = arith.constant 0 : i32
        %dma_wait3A_73 = arith.constant 0 : i32
        %dma_wait3A_74 = tpu.memref_slice %arg11[%dma_wait3A_72, %dma_wait3A_73] : memref<147x128xi32, #tpu.memory_space<vmem>> -> memref<49x128xi32, #tpu.memory_space<vmem>>
        %dma_wait3A_75 = arith.constant 0 : i32
        %dma_wait3A_76 = arith.constant 0 : i32
        %dma_wait3A_77 = tpu.memref_slice %arg5[%add3A, %run_scoped3A_19, %arg1, %dma_wait3A_75, %dma_wait3A_76] : memref<8x3x16x49x128xi32, #tpu.memory_space<hbm>> -> memref<1x1x1x49x128xi32, #tpu.memory_space<hbm>>
        %dma_wait3A_78 = tpu.memref_squeeze %dma_wait3A_77 : memref<1x1x1x49x128xi32, #tpu.memory_space<hbm>> -> memref<49x128xi32, #tpu.memory_space<hbm>>
        %dma_wait3A_79 = arith.constant 0 : i32
        %dma_wait3A_80 = arith.constant 0 : i32
        %dma_wait3A_81 = tpu.memref_slice %arg11[%dma_wait3A_79, %dma_wait3A_80] : memref<147x128xi32, #tpu.memory_space<vmem>> -> memref<49x128xi32, #tpu.memory_space<vmem>>
        %dma_wait3A_82 = arith.constant 0 : i32
        %dma_wait3A_83 = arith.constant 0 : i32
        %dma_wait3A_84 = tpu.memref_slice %arg5[%add3A, %run_scoped3A_19, %arg1, %dma_wait3A_82, %dma_wait3A_83] : memref<8x3x16x49x128xi32, #tpu.memory_space<hbm>> -> memref<1x1x1x49x128xi32, #tpu.memory_space<hbm>>
        %dma_wait3A_85 = tpu.memref_squeeze %dma_wait3A_84 : memref<1x1x1x49x128xi32, #tpu.memory_space<hbm>> -> memref<49x128xi32, #tpu.memory_space<hbm>>
        tpu.wait_dma2 semaphore(%run_scoped3A_58 : memref<!tpu.dma_semaphore, #tpu.memory_space<semaphore_mem>>) src(%dma_wait3A_85 : memref<49x128xi32, #tpu.memory_space<hbm>>) dst(%dma_wait3A_81 : memref<49x128xi32, #tpu.memory_space<vmem>>)
        tpu.yield
      }) : () -> ()
      %run_scoped3A_20 = arith.constant 0 : i32
      "tpu.region"() ({
        %run_scoped3A_58 = tpu.sem_alloc : memref<!tpu.dma_semaphore, #tpu.memory_space<semaphore_mem>>
        %dma_start3A = arith.constant 0 : i32
        %dma_start3A_59 = arith.constant 0 : i32
        %dma_start3A_60 = tpu.memref_slice %arg12[%dma_start3A, %dma_start3A_59] : memref<147x128xi32, #tpu.memory_space<vmem>> -> memref<49x128xi32, #tpu.memory_space<vmem>>
        %dma_start3A_61 = arith.constant 0 : i32
        %dma_start3A_62 = arith.constant 0 : i32
        %dma_start3A_63 = tpu.memref_slice %arg6[%add3A, %run_scoped3A_20, %arg1, %dma_start3A_61, %dma_start3A_62] : memref<8x3x16x49x128xi32, #tpu.memory_space<hbm>> -> memref<1x1x1x49x128xi32, #tpu.memory_space<hbm>>
        %dma_start3A_64 = tpu.memref_squeeze %dma_start3A_63 : memref<1x1x1x49x128xi32, #tpu.memory_space<hbm>> -> memref<49x128xi32, #tpu.memory_space<hbm>>
        %dma_start3A_65 = arith.constant 0 : i32
        %dma_start3A_66 = arith.constant 0 : i32
        %dma_start3A_67 = tpu.memref_slice %arg12[%dma_start3A_65, %dma_start3A_66] : memref<147x128xi32, #tpu.memory_space<vmem>> -> memref<49x128xi32, #tpu.memory_space<vmem>>
        %dma_start3A_68 = arith.constant 0 : i32
        %dma_start3A_69 = arith.constant 0 : i32
        %dma_start3A_70 = tpu.memref_slice %arg6[%add3A, %run_scoped3A_20, %arg1, %dma_start3A_68, %dma_start3A_69] : memref<8x3x16x49x128xi32, #tpu.memory_space<hbm>> -> memref<1x1x1x49x128xi32, #tpu.memory_space<hbm>>
        %dma_start3A_71 = tpu.memref_squeeze %dma_start3A_70 : memref<1x1x1x49x128xi32, #tpu.memory_space<hbm>> -> memref<49x128xi32, #tpu.memory_space<hbm>>
        tpu.enqueue_dma source(%dma_start3A_71 : memref<49x128xi32, #tpu.memory_space<hbm>>) target(%dma_start3A_67 : memref<49x128xi32, #tpu.memory_space<vmem>>) target_semaphore(%run_scoped3A_58 : memref<!tpu.dma_semaphore, #tpu.memory_space<semaphore_mem>>)
        %dma_wait3A_72 = arith.constant 0 : i32
        %dma_wait3A_73 = arith.constant 0 : i32
        %dma_wait3A_74 = tpu.memref_slice %arg12[%dma_wait3A_72, %dma_wait3A_73] : memref<147x128xi32, #tpu.memory_space<vmem>> -> memref<49x128xi32, #tpu.memory_space<vmem>>
        %dma_wait3A_75 = arith.constant 0 : i32
        %dma_wait3A_76 = arith.constant 0 : i32
        %dma_wait3A_77 = tpu.memref_slice %arg6[%add3A, %run_scoped3A_20, %arg1, %dma_wait3A_75, %dma_wait3A_76] : memref<8x3x16x49x128xi32, #tpu.memory_space<hbm>> -> memref<1x1x1x49x128xi32, #tpu.memory_space<hbm>>
        %dma_wait3A_78 = tpu.memref_squeeze %dma_wait3A_77 : memref<1x1x1x49x128xi32, #tpu.memory_space<hbm>> -> memref<49x128xi32, #tpu.memory_space<hbm>>
        %dma_wait3A_79 = arith.constant 0 : i32
        %dma_wait3A_80 = arith.constant 0 : i32
        %dma_wait3A_81 = tpu.memref_slice %arg12[%dma_wait3A_79, %dma_wait3A_80] : memref<147x128xi32, #tpu.memory_space<vmem>> -> memref<49x128xi32, #tpu.memory_space<vmem>>
        %dma_wait3A_82 = arith.constant 0 : i32
        %dma_wait3A_83 = arith.constant 0 : i32
        %dma_wait3A_84 = tpu.memref_slice %arg6[%add3A, %run_scoped3A_20, %arg1, %dma_wait3A_82, %dma_wait3A_83] : memref<8x3x16x49x128xi32, #tpu.memory_space<hbm>> -> memref<1x1x1x49x128xi32, #tpu.memory_space<hbm>>
        %dma_wait3A_85 = tpu.memref_squeeze %dma_wait3A_84 : memref<1x1x1x49x128xi32, #tpu.memory_space<hbm>> -> memref<49x128xi32, #tpu.memory_space<hbm>>
        tpu.wait_dma2 semaphore(%run_scoped3A_58 : memref<!tpu.dma_semaphore, #tpu.memory_space<semaphore_mem>>) src(%dma_wait3A_85 : memref<49x128xi32, #tpu.memory_space<hbm>>) dst(%dma_wait3A_81 : memref<49x128xi32, #tpu.memory_space<vmem>>)
        tpu.yield
      }) : () -> ()
      %run_scoped3A_21 = arith.constant 1 : i32
      "tpu.region"() ({
        %run_scoped3A_58 = tpu.sem_alloc : memref<!tpu.dma_semaphore, #tpu.memory_space<semaphore_mem>>
        %dma_start3A = arith.constant 49 : i32
        %dma_start3A_59 = arith.constant 0 : i32
        %dma_start3A_60 = tpu.memref_slice %arg10[%dma_start3A, %dma_start3A_59] : memref<147x128xi32, #tpu.memory_space<vmem>> -> memref<49x128xi32, #tpu.memory_space<vmem>>
        %dma_start3A_61 = arith.constant 0 : i32
        %dma_start3A_62 = arith.constant 0 : i32
        %dma_start3A_63 = tpu.memref_slice %arg4[%add3A, %run_scoped3A_21, %arg1, %dma_start3A_61, %dma_start3A_62] : memref<8x3x16x49x128xi32, #tpu.memory_space<hbm>> -> memref<1x1x1x49x128xi32, #tpu.memory_space<hbm>>
        %dma_start3A_64 = tpu.memref_squeeze %dma_start3A_63 : memref<1x1x1x49x128xi32, #tpu.memory_space<hbm>> -> memref<49x128xi32, #tpu.memory_space<hbm>>
        %dma_start3A_65 = arith.constant 49 : i32
        %dma_start3A_66 = arith.constant 0 : i32
        %dma_start3A_67 = tpu.memref_slice %arg10[%dma_start3A_65, %dma_start3A_66] : memref<147x128xi32, #tpu.memory_space<vmem>> -> memref<49x128xi32, #tpu.memory_space<vmem>>
        %dma_start3A_68 = arith.constant 0 : i32
        %dma_start3A_69 = arith.constant 0 : i32
        %dma_start3A_70 = tpu.memref_slice %arg4[%add3A, %run_scoped3A_21, %arg1, %dma_start3A_68, %dma_start3A_69] : memref<8x3x16x49x128xi32, #tpu.memory_space<hbm>> -> memref<1x1x1x49x128xi32, #tpu.memory_space<hbm>>
        %dma_start3A_71 = tpu.memref_squeeze %dma_start3A_70 : memref<1x1x1x49x128xi32, #tpu.memory_space<hbm>> -> memref<49x128xi32, #tpu.memory_space<hbm>>
        tpu.enqueue_dma source(%dma_start3A_71 : memref<49x128xi32, #tpu.memory_space<hbm>>) target(%dma_start3A_67 : memref<49x128xi32, #tpu.memory_space<vmem>>) target_semaphore(%run_scoped3A_58 : memref<!tpu.dma_semaphore, #tpu.memory_space<semaphore_mem>>)
        %dma_wait3A_72 = arith.constant 49 : i32
        %dma_wait3A_73 = arith.constant 0 : i32
        %dma_wait3A_74 = tpu.memref_slice %arg10[%dma_wait3A_72, %dma_wait3A_73] : memref<147x128xi32, #tpu.memory_space<vmem>> -> memref<49x128xi32, #tpu.memory_space<vmem>>
        %dma_wait3A_75 = arith.constant 0 : i32
        %dma_wait3A_76 = arith.constant 0 : i32
        %dma_wait3A_77 = tpu.memref_slice %arg4[%add3A, %run_scoped3A_21, %arg1, %dma_wait3A_75, %dma_wait3A_76] : memref<8x3x16x49x128xi32, #tpu.memory_space<hbm>> -> memref<1x1x1x49x128xi32, #tpu.memory_space<hbm>>
        %dma_wait3A_78 = tpu.memref_squeeze %dma_wait3A_77 : memref<1x1x1x49x128xi32, #tpu.memory_space<hbm>> -> memref<49x128xi32, #tpu.memory_space<hbm>>
        %dma_wait3A_79 = arith.constant 49 : i32
        %dma_wait3A_80 = arith.constant 0 : i32
        %dma_wait3A_81 = tpu.memref_slice %arg10[%dma_wait3A_79, %dma_wait3A_80] : memref<147x128xi32, #tpu.memory_space<vmem>> -> memref<49x128xi32, #tpu.memory_space<vmem>>
        %dma_wait3A_82 = arith.constant 0 : i32
        %dma_wait3A_83 = arith.constant 0 : i32
        %dma_wait3A_84 = tpu.memref_slice %arg4[%add3A, %run_scoped3A_21, %arg1, %dma_wait3A_82, %dma_wait3A_83] : memref<8x3x16x49x128xi32, #tpu.memory_space<hbm>> -> memref<1x1x1x49x128xi32, #tpu.memory_space<hbm>>
        %dma_wait3A_85 = tpu.memref_squeeze %dma_wait3A_84 : memref<1x1x1x49x128xi32, #tpu.memory_space<hbm>> -> memref<49x128xi32, #tpu.memory_space<hbm>>
        tpu.wait_dma2 semaphore(%run_scoped3A_58 : memref<!tpu.dma_semaphore, #tpu.memory_space<semaphore_mem>>) src(%dma_wait3A_85 : memref<49x128xi32, #tpu.memory_space<hbm>>) dst(%dma_wait3A_81 : memref<49x128xi32, #tpu.memory_space<vmem>>)
        tpu.yield
      }) : () -> ()
      %run_scoped3A_22 = arith.constant 1 : i32
      "tpu.region"() ({
        %run_scoped3A_58 = tpu.sem_alloc : memref<!tpu.dma_semaphore, #tpu.memory_space<semaphore_mem>>
        %dma_start3A = arith.constant 49 : i32
        %dma_start3A_59 = arith.constant 0 : i32
        %dma_start3A_60 = tpu.memref_slice %arg11[%dma_start3A, %dma_start3A_59] : memref<147x128xi32, #tpu.memory_space<vmem>> -> memref<49x128xi32, #tpu.memory_space<vmem>>
        %dma_start3A_61 = arith.constant 0 : i32
        %dma_start3A_62 = arith.constant 0 : i32
        %dma_start3A_63 = tpu.memref_slice %arg5[%add3A, %run_scoped3A_22, %arg1, %dma_start3A_61, %dma_start3A_62] : memref<8x3x16x49x128xi32, #tpu.memory_space<hbm>> -> memref<1x1x1x49x128xi32, #tpu.memory_space<hbm>>
        %dma_start3A_64 = tpu.memref_squeeze %dma_start3A_63 : memref<1x1x1x49x128xi32, #tpu.memory_space<hbm>> -> memref<49x128xi32, #tpu.memory_space<hbm>>
        %dma_start3A_65 = arith.constant 49 : i32
        %dma_start3A_66 = arith.constant 0 : i32
        %dma_start3A_67 = tpu.memref_slice %arg11[%dma_start3A_65, %dma_start3A_66] : memref<147x128xi32, #tpu.memory_space<vmem>> -> memref<49x128xi32, #tpu.memory_space<vmem>>
        %dma_start3A_68 = arith.constant 0 : i32
        %dma_start3A_69 = arith.constant 0 : i32
        %dma_start3A_70 = tpu.memref_slice %arg5[%add3A, %run_scoped3A_22, %arg1, %dma_start3A_68, %dma_start3A_69] : memref<8x3x16x49x128xi32, #tpu.memory_space<hbm>> -> memref<1x1x1x49x128xi32, #tpu.memory_space<hbm>>
        %dma_start3A_71 = tpu.memref_squeeze %dma_start3A_70 : memref<1x1x1x49x128xi32, #tpu.memory_space<hbm>> -> memref<49x128xi32, #tpu.memory_space<hbm>>
        tpu.enqueue_dma source(%dma_start3A_71 : memref<49x128xi32, #tpu.memory_space<hbm>>) target(%dma_start3A_67 : memref<49x128xi32, #tpu.memory_space<vmem>>) target_semaphore(%run_scoped3A_58 : memref<!tpu.dma_semaphore, #tpu.memory_space<semaphore_mem>>)
        %dma_wait3A_72 = arith.constant 49 : i32
        %dma_wait3A_73 = arith.constant 0 : i32
        %dma_wait3A_74 = tpu.memref_slice %arg11[%dma_wait3A_72, %dma_wait3A_73] : memref<147x128xi32, #tpu.memory_space<vmem>> -> memref<49x128xi32, #tpu.memory_space<vmem>>
        %dma_wait3A_75 = arith.constant 0 : i32
        %dma_wait3A_76 = arith.constant 0 : i32
        %dma_wait3A_77 = tpu.memref_slice %arg5[%add3A, %run_scoped3A_22, %arg1, %dma_wait3A_75, %dma_wait3A_76] : memref<8x3x16x49x128xi32, #tpu.memory_space<hbm>> -> memref<1x1x1x49x128xi32, #tpu.memory_space<hbm>>
        %dma_wait3A_78 = tpu.memref_squeeze %dma_wait3A_77 : memref<1x1x1x49x128xi32, #tpu.memory_space<hbm>> -> memref<49x128xi32, #tpu.memory_space<hbm>>
        %dma_wait3A_79 = arith.constant 49 : i32
        %dma_wait3A_80 = arith.constant 0 : i32
        %dma_wait3A_81 = tpu.memref_slice %arg11[%dma_wait3A_79, %dma_wait3A_80] : memref<147x128xi32, #tpu.memory_space<vmem>> -> memref<49x128xi32, #tpu.memory_space<vmem>>
        %dma_wait3A_82 = arith.constant 0 : i32
        %dma_wait3A_83 = arith.constant 0 : i32
        %dma_wait3A_84 = tpu.memref_slice %arg5[%add3A, %run_scoped3A_22, %arg1, %dma_wait3A_82, %dma_wait3A_83] : memref<8x3x16x49x128xi32, #tpu.memory_space<hbm>> -> memref<1x1x1x49x128xi32, #tpu.memory_space<hbm>>
        %dma_wait3A_85 = tpu.memref_squeeze %dma_wait3A_84 : memref<1x1x1x49x128xi32, #tpu.memory_space<hbm>> -> memref<49x128xi32, #tpu.memory_space<hbm>>
        tpu.wait_dma2 semaphore(%run_scoped3A_58 : memref<!tpu.dma_semaphore, #tpu.memory_space<semaphore_mem>>) src(%dma_wait3A_85 : memref<49x128xi32, #tpu.memory_space<hbm>>) dst(%dma_wait3A_81 : memref<49x128xi32, #tpu.memory_space<vmem>>)
        tpu.yield
      }) : () -> ()
      %run_scoped3A_23 = arith.constant 1 : i32
      "tpu.region"() ({
        %run_scoped3A_58 = tpu.sem_alloc : memref<!tpu.dma_semaphore, #tpu.memory_space<semaphore_mem>>
        %dma_start3A = arith.constant 49 : i32
        %dma_start3A_59 = arith.constant 0 : i32
        %dma_start3A_60 = tpu.memref_slice %arg12[%dma_start3A, %dma_start3A_59] : memref<147x128xi32, #tpu.memory_space<vmem>> -> memref<49x128xi32, #tpu.memory_space<vmem>>
        %dma_start3A_61 = arith.constant 0 : i32
        %dma_start3A_62 = arith.constant 0 : i32
        %dma_start3A_63 = tpu.memref_slice %arg6[%add3A, %run_scoped3A_23, %arg1, %dma_start3A_61, %dma_start3A_62] : memref<8x3x16x49x128xi32, #tpu.memory_space<hbm>> -> memref<1x1x1x49x128xi32, #tpu.memory_space<hbm>>
        %dma_start3A_64 = tpu.memref_squeeze %dma_start3A_63 : memref<1x1x1x49x128xi32, #tpu.memory_space<hbm>> -> memref<49x128xi32, #tpu.memory_space<hbm>>
        %dma_start3A_65 = arith.constant 49 : i32
        %dma_start3A_66 = arith.constant 0 : i32
        %dma_start3A_67 = tpu.memref_slice %arg12[%dma_start3A_65, %dma_start3A_66] : memref<147x128xi32, #tpu.memory_space<vmem>> -> memref<49x128xi32, #tpu.memory_space<vmem>>
        %dma_start3A_68 = arith.constant 0 : i32
        %dma_start3A_69 = arith.constant 0 : i32
        %dma_start3A_70 = tpu.memref_slice %arg6[%add3A, %run_scoped3A_23, %arg1, %dma_start3A_68, %dma_start3A_69] : memref<8x3x16x49x128xi32, #tpu.memory_space<hbm>> -> memref<1x1x1x49x128xi32, #tpu.memory_space<hbm>>
        %dma_start3A_71 = tpu.memref_squeeze %dma_start3A_70 : memref<1x1x1x49x128xi32, #tpu.memory_space<hbm>> -> memref<49x128xi32, #tpu.memory_space<hbm>>
        tpu.enqueue_dma source(%dma_start3A_71 : memref<49x128xi32, #tpu.memory_space<hbm>>) target(%dma_start3A_67 : memref<49x128xi32, #tpu.memory_space<vmem>>) target_semaphore(%run_scoped3A_58 : memref<!tpu.dma_semaphore, #tpu.memory_space<semaphore_mem>>)
        %dma_wait3A_72 = arith.constant 49 : i32
        %dma_wait3A_73 = arith.constant 0 : i32
        %dma_wait3A_74 = tpu.memref_slice %arg12[%dma_wait3A_72, %dma_wait3A_73] : memref<147x128xi32, #tpu.memory_space<vmem>> -> memref<49x128xi32, #tpu.memory_space<vmem>>
        %dma_wait3A_75 = arith.constant 0 : i32
        %dma_wait3A_76 = arith.constant 0 : i32
        %dma_wait3A_77 = tpu.memref_slice %arg6[%add3A, %run_scoped3A_23, %arg1, %dma_wait3A_75, %dma_wait3A_76] : memref<8x3x16x49x128xi32, #tpu.memory_space<hbm>> -> memref<1x1x1x49x128xi32, #tpu.memory_space<hbm>>
        %dma_wait3A_78 = tpu.memref_squeeze %dma_wait3A_77 : memref<1x1x1x49x128xi32, #tpu.memory_space<hbm>> -> memref<49x128xi32, #tpu.memory_space<hbm>>
        %dma_wait3A_79 = arith.constant 49 : i32
        %dma_wait3A_80 = arith.constant 0 : i32
        %dma_wait3A_81 = tpu.memref_slice %arg12[%dma_wait3A_79, %dma_wait3A_80] : memref<147x128xi32, #tpu.memory_space<vmem>> -> memref<49x128xi32, #tpu.memory_space<vmem>>
        %dma_wait3A_82 = arith.constant 0 : i32
        %dma_wait3A_83 = arith.constant 0 : i32
        %dma_wait3A_84 = tpu.memref_slice %arg6[%add3A, %run_scoped3A_23, %arg1, %dma_wait3A_82, %dma_wait3A_83] : memref<8x3x16x49x128xi32, #tpu.memory_space<hbm>> -> memref<1x1x1x49x128xi32, #tpu.memory_space<hbm>>
        %dma_wait3A_85 = tpu.memref_squeeze %dma_wait3A_84 : memref<1x1x1x49x128xi32, #tpu.memory_space<hbm>> -> memref<49x128xi32, #tpu.memory_space<hbm>>
        tpu.wait_dma2 semaphore(%run_scoped3A_58 : memref<!tpu.dma_semaphore, #tpu.memory_space<semaphore_mem>>) src(%dma_wait3A_85 : memref<49x128xi32, #tpu.memory_space<hbm>>) dst(%dma_wait3A_81 : memref<49x128xi32, #tpu.memory_space<vmem>>)
        tpu.yield
      }) : () -> ()
      %run_scoped3A_24 = arith.constant 2 : i32
      "tpu.region"() ({
        %run_scoped3A_58 = tpu.sem_alloc : memref<!tpu.dma_semaphore, #tpu.memory_space<semaphore_mem>>
        %dma_start3A = arith.constant 98 : i32
        %dma_start3A_59 = arith.constant 0 : i32
        %dma_start3A_60 = tpu.memref_slice %arg10[%dma_start3A, %dma_start3A_59] : memref<147x128xi32, #tpu.memory_space<vmem>> -> memref<49x128xi32, #tpu.memory_space<vmem>>
        %dma_start3A_61 = arith.constant 0 : i32
        %dma_start3A_62 = arith.constant 0 : i32
        %dma_start3A_63 = tpu.memref_slice %arg4[%add3A, %run_scoped3A_24, %arg1, %dma_start3A_61, %dma_start3A_62] : memref<8x3x16x49x128xi32, #tpu.memory_space<hbm>> -> memref<1x1x1x49x128xi32, #tpu.memory_space<hbm>>
        %dma_start3A_64 = tpu.memref_squeeze %dma_start3A_63 : memref<1x1x1x49x128xi32, #tpu.memory_space<hbm>> -> memref<49x128xi32, #tpu.memory_space<hbm>>
        %dma_start3A_65 = arith.constant 98 : i32
        %dma_start3A_66 = arith.constant 0 : i32
        %dma_start3A_67 = tpu.memref_slice %arg10[%dma_start3A_65, %dma_start3A_66] : memref<147x128xi32, #tpu.memory_space<vmem>> -> memref<49x128xi32, #tpu.memory_space<vmem>>
        %dma_start3A_68 = arith.constant 0 : i32
        %dma_start3A_69 = arith.constant 0 : i32
        %dma_start3A_70 = tpu.memref_slice %arg4[%add3A, %run_scoped3A_24, %arg1, %dma_start3A_68, %dma_start3A_69] : memref<8x3x16x49x128xi32, #tpu.memory_space<hbm>> -> memref<1x1x1x49x128xi32, #tpu.memory_space<hbm>>
        %dma_start3A_71 = tpu.memref_squeeze %dma_start3A_70 : memref<1x1x1x49x128xi32, #tpu.memory_space<hbm>> -> memref<49x128xi32, #tpu.memory_space<hbm>>
        tpu.enqueue_dma source(%dma_start3A_71 : memref<49x128xi32, #tpu.memory_space<hbm>>) target(%dma_start3A_67 : memref<49x128xi32, #tpu.memory_space<vmem>>) target_semaphore(%run_scoped3A_58 : memref<!tpu.dma_semaphore, #tpu.memory_space<semaphore_mem>>)
        %dma_wait3A_72 = arith.constant 98 : i32
        %dma_wait3A_73 = arith.constant 0 : i32
        %dma_wait3A_74 = tpu.memref_slice %arg10[%dma_wait3A_72, %dma_wait3A_73] : memref<147x128xi32, #tpu.memory_space<vmem>> -> memref<49x128xi32, #tpu.memory_space<vmem>>
        %dma_wait3A_75 = arith.constant 0 : i32
        %dma_wait3A_76 = arith.constant 0 : i32
        %dma_wait3A_77 = tpu.memref_slice %arg4[%add3A, %run_scoped3A_24, %arg1, %dma_wait3A_75, %dma_wait3A_76] : memref<8x3x16x49x128xi32, #tpu.memory_space<hbm>> -> memref<1x1x1x49x128xi32, #tpu.memory_space<hbm>>
        %dma_wait3A_78 = tpu.memref_squeeze %dma_wait3A_77 : memref<1x1x1x49x128xi32, #tpu.memory_space<hbm>> -> memref<49x128xi32, #tpu.memory_space<hbm>>
        %dma_wait3A_79 = arith.constant 98 : i32
        %dma_wait3A_80 = arith.constant 0 : i32
        %dma_wait3A_81 = tpu.memref_slice %arg10[%dma_wait3A_79, %dma_wait3A_80] : memref<147x128xi32, #tpu.memory_space<vmem>> -> memref<49x128xi32, #tpu.memory_space<vmem>>
        %dma_wait3A_82 = arith.constant 0 : i32
        %dma_wait3A_83 = arith.constant 0 : i32
        %dma_wait3A_84 = tpu.memref_slice %arg4[%add3A, %run_scoped3A_24, %arg1, %dma_wait3A_82, %dma_wait3A_83] : memref<8x3x16x49x128xi32, #tpu.memory_space<hbm>> -> memref<1x1x1x49x128xi32, #tpu.memory_space<hbm>>
        %dma_wait3A_85 = tpu.memref_squeeze %dma_wait3A_84 : memref<1x1x1x49x128xi32, #tpu.memory_space<hbm>> -> memref<49x128xi32, #tpu.memory_space<hbm>>
        tpu.wait_dma2 semaphore(%run_scoped3A_58 : memref<!tpu.dma_semaphore, #tpu.memory_space<semaphore_mem>>) src(%dma_wait3A_85 : memref<49x128xi32, #tpu.memory_space<hbm>>) dst(%dma_wait3A_81 : memref<49x128xi32, #tpu.memory_space<vmem>>)
        tpu.yield
      }) : () -> ()
      %run_scoped3A_25 = arith.constant 2 : i32
      "tpu.region"() ({
        %run_scoped3A_58 = tpu.sem_alloc : memref<!tpu.dma_semaphore, #tpu.memory_space<semaphore_mem>>
        %dma_start3A = arith.constant 98 : i32
        %dma_start3A_59 = arith.constant 0 : i32
        %dma_start3A_60 = tpu.memref_slice %arg11[%dma_start3A, %dma_start3A_59] : memref<147x128xi32, #tpu.memory_space<vmem>> -> memref<49x128xi32, #tpu.memory_space<vmem>>
        %dma_start3A_61 = arith.constant 0 : i32
        %dma_start3A_62 = arith.constant 0 : i32
        %dma_start3A_63 = tpu.memref_slice %arg5[%add3A, %run_scoped3A_25, %arg1, %dma_start3A_61, %dma_start3A_62] : memref<8x3x16x49x128xi32, #tpu.memory_space<hbm>> -> memref<1x1x1x49x128xi32, #tpu.memory_space<hbm>>
        %dma_start3A_64 = tpu.memref_squeeze %dma_start3A_63 : memref<1x1x1x49x128xi32, #tpu.memory_space<hbm>> -> memref<49x128xi32, #tpu.memory_space<hbm>>
        %dma_start3A_65 = arith.constant 98 : i32
        %dma_start3A_66 = arith.constant 0 : i32
        %dma_start3A_67 = tpu.memref_slice %arg11[%dma_start3A_65, %dma_start3A_66] : memref<147x128xi32, #tpu.memory_space<vmem>> -> memref<49x128xi32, #tpu.memory_space<vmem>>
        %dma_start3A_68 = arith.constant 0 : i32
        %dma_start3A_69 = arith.constant 0 : i32
        %dma_start3A_70 = tpu.memref_slice %arg5[%add3A, %run_scoped3A_25, %arg1, %dma_start3A_68, %dma_start3A_69] : memref<8x3x16x49x128xi32, #tpu.memory_space<hbm>> -> memref<1x1x1x49x128xi32, #tpu.memory_space<hbm>>
        %dma_start3A_71 = tpu.memref_squeeze %dma_start3A_70 : memref<1x1x1x49x128xi32, #tpu.memory_space<hbm>> -> memref<49x128xi32, #tpu.memory_space<hbm>>
        tpu.enqueue_dma source(%dma_start3A_71 : memref<49x128xi32, #tpu.memory_space<hbm>>) target(%dma_start3A_67 : memref<49x128xi32, #tpu.memory_space<vmem>>) target_semaphore(%run_scoped3A_58 : memref<!tpu.dma_semaphore, #tpu.memory_space<semaphore_mem>>)
        %dma_wait3A_72 = arith.constant 98 : i32
        %dma_wait3A_73 = arith.constant 0 : i32
        %dma_wait3A_74 = tpu.memref_slice %arg11[%dma_wait3A_72, %dma_wait3A_73] : memref<147x128xi32, #tpu.memory_space<vmem>> -> memref<49x128xi32, #tpu.memory_space<vmem>>
        %dma_wait3A_75 = arith.constant 0 : i32
        %dma_wait3A_76 = arith.constant 0 : i32
        %dma_wait3A_77 = tpu.memref_slice %arg5[%add3A, %run_scoped3A_25, %arg1, %dma_wait3A_75, %dma_wait3A_76] : memref<8x3x16x49x128xi32, #tpu.memory_space<hbm>> -> memref<1x1x1x49x128xi32, #tpu.memory_space<hbm>>
        %dma_wait3A_78 = tpu.memref_squeeze %dma_wait3A_77 : memref<1x1x1x49x128xi32, #tpu.memory_space<hbm>> -> memref<49x128xi32, #tpu.memory_space<hbm>>
        %dma_wait3A_79 = arith.constant 98 : i32
        %dma_wait3A_80 = arith.constant 0 : i32
        %dma_wait3A_81 = tpu.memref_slice %arg11[%dma_wait3A_79, %dma_wait3A_80] : memref<147x128xi32, #tpu.memory_space<vmem>> -> memref<49x128xi32, #tpu.memory_space<vmem>>
        %dma_wait3A_82 = arith.constant 0 : i32
        %dma_wait3A_83 = arith.constant 0 : i32
        %dma_wait3A_84 = tpu.memref_slice %arg5[%add3A, %run_scoped3A_25, %arg1, %dma_wait3A_82, %dma_wait3A_83] : memref<8x3x16x49x128xi32, #tpu.memory_space<hbm>> -> memref<1x1x1x49x128xi32, #tpu.memory_space<hbm>>
        %dma_wait3A_85 = tpu.memref_squeeze %dma_wait3A_84 : memref<1x1x1x49x128xi32, #tpu.memory_space<hbm>> -> memref<49x128xi32, #tpu.memory_space<hbm>>
        tpu.wait_dma2 semaphore(%run_scoped3A_58 : memref<!tpu.dma_semaphore, #tpu.memory_space<semaphore_mem>>) src(%dma_wait3A_85 : memref<49x128xi32, #tpu.memory_space<hbm>>) dst(%dma_wait3A_81 : memref<49x128xi32, #tpu.memory_space<vmem>>)
        tpu.yield
      }) : () -> ()
      %run_scoped3A_26 = arith.constant 2 : i32
      "tpu.region"() ({
        %run_scoped3A_58 = tpu.sem_alloc : memref<!tpu.dma_semaphore, #tpu.memory_space<semaphore_mem>>
        %dma_start3A = arith.constant 98 : i32
        %dma_start3A_59 = arith.constant 0 : i32
        %dma_start3A_60 = tpu.memref_slice %arg12[%dma_start3A, %dma_start3A_59] : memref<147x128xi32, #tpu.memory_space<vmem>> -> memref<49x128xi32, #tpu.memory_space<vmem>>
        %dma_start3A_61 = arith.constant 0 : i32
        %dma_start3A_62 = arith.constant 0 : i32
        %dma_start3A_63 = tpu.memref_slice %arg6[%add3A, %run_scoped3A_26, %arg1, %dma_start3A_61, %dma_start3A_62] : memref<8x3x16x49x128xi32, #tpu.memory_space<hbm>> -> memref<1x1x1x49x128xi32, #tpu.memory_space<hbm>>
        %dma_start3A_64 = tpu.memref_squeeze %dma_start3A_63 : memref<1x1x1x49x128xi32, #tpu.memory_space<hbm>> -> memref<49x128xi32, #tpu.memory_space<hbm>>
        %dma_start3A_65 = arith.constant 98 : i32
        %dma_start3A_66 = arith.constant 0 : i32
        %dma_start3A_67 = tpu.memref_slice %arg12[%dma_start3A_65, %dma_start3A_66] : memref<147x128xi32, #tpu.memory_space<vmem>> -> memref<49x128xi32, #tpu.memory_space<vmem>>
        %dma_start3A_68 = arith.constant 0 : i32
        %dma_start3A_69 = arith.constant 0 : i32
        %dma_start3A_70 = tpu.memref_slice %arg6[%add3A, %run_scoped3A_26, %arg1, %dma_start3A_68, %dma_start3A_69] : memref<8x3x16x49x128xi32, #tpu.memory_space<hbm>> -> memref<1x1x1x49x128xi32, #tpu.memory_space<hbm>>
        %dma_start3A_71 = tpu.memref_squeeze %dma_start3A_70 : memref<1x1x1x49x128xi32, #tpu.memory_space<hbm>> -> memref<49x128xi32, #tpu.memory_space<hbm>>
        tpu.enqueue_dma source(%dma_start3A_71 : memref<49x128xi32, #tpu.memory_space<hbm>>) target(%dma_start3A_67 : memref<49x128xi32, #tpu.memory_space<vmem>>) target_semaphore(%run_scoped3A_58 : memref<!tpu.dma_semaphore, #tpu.memory_space<semaphore_mem>>)
        %dma_wait3A_72 = arith.constant 98 : i32
        %dma_wait3A_73 = arith.constant 0 : i32
        %dma_wait3A_74 = tpu.memref_slice %arg12[%dma_wait3A_72, %dma_wait3A_73] : memref<147x128xi32, #tpu.memory_space<vmem>> -> memref<49x128xi32, #tpu.memory_space<vmem>>
        %dma_wait3A_75 = arith.constant 0 : i32
        %dma_wait3A_76 = arith.constant 0 : i32
        %dma_wait3A_77 = tpu.memref_slice %arg6[%add3A, %run_scoped3A_26, %arg1, %dma_wait3A_75, %dma_wait3A_76] : memref<8x3x16x49x128xi32, #tpu.memory_space<hbm>> -> memref<1x1x1x49x128xi32, #tpu.memory_space<hbm>>
        %dma_wait3A_78 = tpu.memref_squeeze %dma_wait3A_77 : memref<1x1x1x49x128xi32, #tpu.memory_space<hbm>> -> memref<49x128xi32, #tpu.memory_space<hbm>>
        %dma_wait3A_79 = arith.constant 98 : i32
        %dma_wait3A_80 = arith.constant 0 : i32
        %dma_wait3A_81 = tpu.memref_slice %arg12[%dma_wait3A_79, %dma_wait3A_80] : memref<147x128xi32, #tpu.memory_space<vmem>> -> memref<49x128xi32, #tpu.memory_space<vmem>>
        %dma_wait3A_82 = arith.constant 0 : i32
        %dma_wait3A_83 = arith.constant 0 : i32
        %dma_wait3A_84 = tpu.memref_slice %arg6[%add3A, %run_scoped3A_26, %arg1, %dma_wait3A_82, %dma_wait3A_83] : memref<8x3x16x49x128xi32, #tpu.memory_space<hbm>> -> memref<1x1x1x49x128xi32, #tpu.memory_space<hbm>>
        %dma_wait3A_85 = tpu.memref_squeeze %dma_wait3A_84 : memref<1x1x1x49x128xi32, #tpu.memory_space<hbm>> -> memref<49x128xi32, #tpu.memory_space<hbm>>
        tpu.wait_dma2 semaphore(%run_scoped3A_58 : memref<!tpu.dma_semaphore, #tpu.memory_space<semaphore_mem>>) src(%dma_wait3A_85 : memref<49x128xi32, #tpu.memory_space<hbm>>) dst(%dma_wait3A_81 : memref<49x128xi32, #tpu.memory_space<vmem>>)
        tpu.yield
      }) : () -> ()
      %barrier3A = arith.constant 0 : index
      tpu.barrier barrier_id(%barrier3A)
      %scan3A_27 = arith.constant 0 : i32
      %scan3A_28 = arith.constant 0 : i32
      %scan3A_29 = arith.constant 49 : i32
      %scan3A_30 = arith.addi %scan3A_28, %scan3A_29 : i32
      %scan3A_31 = arith.constant 1 : i32
      scf.for %scan3A_58 = %scan3A_28 to %scan3A_30 step %scan3A_31  : i32 {
        %dma_start3A = arith.constant 0 : i32
        %dma_start3A_59 = tpu.memref_slice %arg10[%scan3A_58, %dma_start3A] : memref<147x128xi32, #tpu.memory_space<vmem>> -> memref<1x128xi32, #tpu.memory_space<vmem>>
        %dma_start3A_60 = tpu.memref_squeeze %dma_start3A_59 : memref<1x128xi32, #tpu.memory_space<vmem>> -> memref<128xi32, #tpu.memory_space<vmem>>
        %dma_start3A_61 = arith.constant 0 : i32
        %dma_start3A_62 = arith.constant 0 : i32
        %dma_start3A_63 = tpu.memref_slice %arg2[%dma_start3A_61, %dma_start3A_62] : memref<401408x8xf32, #tpu.memory_space<hbm>> -> memref<401408x8xf32, #tpu.memory_space<hbm>>
        tpu.enqueue_indirect_dma source(%dma_start3A_63 : memref<401408x8xf32, #tpu.memory_space<hbm>>) target(%arg13 : memref<128x8xf32, #tpu.memory_space<vmem>>) offsets(%dma_start3A_60 : memref<128xi32, #tpu.memory_space<vmem>>) semaphore(%arg23 : memref<!tpu.dma_semaphore, #tpu.memory_space<semaphore_mem>>)
        %add3A_64 = arith.constant 49 : i32
        %add3A_65 = arith.addi %add3A_64, %scan3A_58 : i32
        %dma_start3A_66 = arith.constant 0 : i32
        %dma_start3A_67 = tpu.memref_slice %arg10[%add3A_65, %dma_start3A_66] : memref<147x128xi32, #tpu.memory_space<vmem>> -> memref<1x128xi32, #tpu.memory_space<vmem>>
        %dma_start3A_68 = tpu.memref_squeeze %dma_start3A_67 : memref<1x128xi32, #tpu.memory_space<vmem>> -> memref<128xi32, #tpu.memory_space<vmem>>
        %dma_start3A_69 = arith.constant 0 : i32
        %dma_start3A_70 = arith.constant 0 : i32
        %dma_start3A_71 = tpu.memref_slice %arg2[%dma_start3A_69, %dma_start3A_70] : memref<401408x8xf32, #tpu.memory_space<hbm>> -> memref<401408x8xf32, #tpu.memory_space<hbm>>
        tpu.enqueue_indirect_dma source(%dma_start3A_71 : memref<401408x8xf32, #tpu.memory_space<hbm>>) target(%arg14 : memref<128x8xf32, #tpu.memory_space<vmem>>) offsets(%dma_start3A_68 : memref<128xi32, #tpu.memory_space<vmem>>) semaphore(%arg23 : memref<!tpu.dma_semaphore, #tpu.memory_space<semaphore_mem>>)
        %add3A_72 = arith.constant 98 : i32
        %add3A_73 = arith.addi %add3A_72, %scan3A_58 : i32
        %dma_start3A_74 = arith.constant 0 : i32
        %dma_start3A_75 = tpu.memref_slice %arg10[%add3A_73, %dma_start3A_74] : memref<147x128xi32, #tpu.memory_space<vmem>> -> memref<1x128xi32, #tpu.memory_space<vmem>>
        %dma_start3A_76 = tpu.memref_squeeze %dma_start3A_75 : memref<1x128xi32, #tpu.memory_space<vmem>> -> memref<128xi32, #tpu.memory_space<vmem>>
        %dma_start3A_77 = arith.constant 0 : i32
        %dma_start3A_78 = arith.constant 0 : i32
        %dma_start3A_79 = tpu.memref_slice %arg2[%dma_start3A_77, %dma_start3A_78] : memref<401408x8xf32, #tpu.memory_space<hbm>> -> memref<401408x8xf32, #tpu.memory_space<hbm>>
        tpu.enqueue_indirect_dma source(%dma_start3A_79 : memref<401408x8xf32, #tpu.memory_space<hbm>>) target(%arg15 : memref<128x8xf32, #tpu.memory_space<vmem>>) offsets(%dma_start3A_76 : memref<128xi32, #tpu.memory_space<vmem>>) semaphore(%arg23 : memref<!tpu.dma_semaphore, #tpu.memory_space<semaphore_mem>>)
        %dma_start3A_80 = arith.constant 0 : i32
        %dma_start3A_81 = tpu.memref_slice %arg12[%scan3A_58, %dma_start3A_80] : memref<147x128xi32, #tpu.memory_space<vmem>> -> memref<1x128xi32, #tpu.memory_space<vmem>>
        %dma_start3A_82 = tpu.memref_squeeze %dma_start3A_81 : memref<1x128xi32, #tpu.memory_space<vmem>> -> memref<128xi32, #tpu.memory_space<vmem>>
        %dma_start3A_83 = arith.constant 0 : i32
        %dma_start3A_84 = arith.constant 0 : i32
        %dma_start3A_85 = tpu.memref_slice %arg3[%dma_start3A_83, %dma_start3A_84] : memref<401408x8xf32, #tpu.memory_space<hbm>> -> memref<401408x8xf32, #tpu.memory_space<hbm>>
        tpu.enqueue_indirect_dma source(%dma_start3A_85 : memref<401408x8xf32, #tpu.memory_space<hbm>>) target(%arg16 : memref<128x8xf32, #tpu.memory_space<vmem>>) offsets(%dma_start3A_82 : memref<128xi32, #tpu.memory_space<vmem>>) semaphore(%arg23 : memref<!tpu.dma_semaphore, #tpu.memory_space<semaphore_mem>>)
        %add3A_86 = arith.constant 49 : i32
        %add3A_87 = arith.addi %add3A_86, %scan3A_58 : i32
        %dma_start3A_88 = arith.constant 0 : i32
        %dma_start3A_89 = tpu.memref_slice %arg12[%add3A_87, %dma_start3A_88] : memref<147x128xi32, #tpu.memory_space<vmem>> -> memref<1x128xi32, #tpu.memory_space<vmem>>
        %dma_start3A_90 = tpu.memref_squeeze %dma_start3A_89 : memref<1x128xi32, #tpu.memory_space<vmem>> -> memref<128xi32, #tpu.memory_space<vmem>>
        %dma_start3A_91 = arith.constant 0 : i32
        %dma_start3A_92 = arith.constant 0 : i32
        %dma_start3A_93 = tpu.memref_slice %arg3[%dma_start3A_91, %dma_start3A_92] : memref<401408x8xf32, #tpu.memory_space<hbm>> -> memref<401408x8xf32, #tpu.memory_space<hbm>>
        tpu.enqueue_indirect_dma source(%dma_start3A_93 : memref<401408x8xf32, #tpu.memory_space<hbm>>) target(%arg17 : memref<128x8xf32, #tpu.memory_space<vmem>>) offsets(%dma_start3A_90 : memref<128xi32, #tpu.memory_space<vmem>>) semaphore(%arg23 : memref<!tpu.dma_semaphore, #tpu.memory_space<semaphore_mem>>)
        %add3A_94 = arith.constant 98 : i32
        %add3A_95 = arith.addi %add3A_94, %scan3A_58 : i32
        %dma_start3A_96 = arith.constant 0 : i32
        %dma_start3A_97 = tpu.memref_slice %arg12[%add3A_95, %dma_start3A_96] : memref<147x128xi32, #tpu.memory_space<vmem>> -> memref<1x128xi32, #tpu.memory_space<vmem>>
        %dma_start3A_98 = tpu.memref_squeeze %dma_start3A_97 : memref<1x128xi32, #tpu.memory_space<vmem>> -> memref<128xi32, #tpu.memory_space<vmem>>
        %dma_start3A_99 = arith.constant 0 : i32
        %dma_start3A_100 = arith.constant 0 : i32
        %dma_start3A_101 = tpu.memref_slice %arg3[%dma_start3A_99, %dma_start3A_100] : memref<401408x8xf32, #tpu.memory_space<hbm>> -> memref<401408x8xf32, #tpu.memory_space<hbm>>
        tpu.enqueue_indirect_dma source(%dma_start3A_101 : memref<401408x8xf32, #tpu.memory_space<hbm>>) target(%arg18 : memref<128x8xf32, #tpu.memory_space<vmem>>) offsets(%dma_start3A_98 : memref<128xi32, #tpu.memory_space<vmem>>) semaphore(%arg23 : memref<!tpu.dma_semaphore, #tpu.memory_space<semaphore_mem>>)
        %gt3A = arith.constant 0 : i32
        %gt3A_102 = arith.cmpi sgt, %scan3A_58, %gt3A : i32
        %convert_element_type3A = arith.extui %gt3A_102 : i1 to i32
        %cond3A = arith.constant 0 : i32
        %cond3A_103 = arith.cmpi ne, %convert_element_type3A, %cond3A : i32
        scf.if %cond3A_103 {
          %dma_wait3A_1823 = arith.constant 0 : i32
          %dma_wait3A_1824 = arith.constant 0 : i32
          %dma_wait3A_1825 = tpu.memref_slice %arg7[%dma_wait3A_1823, %dma_wait3A_1824] : memref<3136x8xf32, #tpu.memory_space<hbm>> -> memref<128x8xf32, #tpu.memory_space<hbm>>
          %dma_wait3A_1826 = arith.constant 0 : i32
          %dma_wait3A_1827 = arith.constant 0 : i32
          %dma_wait3A_1828 = tpu.memref_slice %arg7[%dma_wait3A_1826, %dma_wait3A_1827] : memref<3136x8xf32, #tpu.memory_space<hbm>> -> memref<128x8xf32, #tpu.memory_space<hbm>>
          tpu.wait_dma2 semaphore(%arg24 : memref<!tpu.dma_semaphore, #tpu.memory_space<semaphore_mem>>) src(%dma_wait3A_1828 : memref<128x8xf32, #tpu.memory_space<hbm>>) dst(%arg19 : memref<128x8xf32, #tpu.memory_space<vmem>>)
          %dma_wait3A_1829 = arith.constant 0 : i32
          %dma_wait3A_1830 = arith.constant 0 : i32
          %dma_wait3A_1831 = tpu.memref_slice %arg7[%dma_wait3A_1829, %dma_wait3A_1830] : memref<3136x8xf32, #tpu.memory_space<hbm>> -> memref<128x8xf32, #tpu.memory_space<hbm>>
          %dma_wait3A_1832 = arith.constant 0 : i32
          %dma_wait3A_1833 = arith.constant 0 : i32
          %dma_wait3A_1834 = tpu.memref_slice %arg7[%dma_wait3A_1832, %dma_wait3A_1833] : memref<3136x8xf32, #tpu.memory_space<hbm>> -> memref<128x8xf32, #tpu.memory_space<hbm>>
          tpu.wait_dma2 semaphore(%arg24 : memref<!tpu.dma_semaphore, #tpu.memory_space<semaphore_mem>>) src(%dma_wait3A_1834 : memref<128x8xf32, #tpu.memory_space<hbm>>) dst(%arg19 : memref<128x8xf32, #tpu.memory_space<vmem>>)
          %dma_wait3A_1835 = arith.constant 0 : i32
          %dma_wait3A_1836 = arith.constant 0 : i32
          %dma_wait3A_1837 = tpu.memref_slice %arg7[%dma_wait3A_1835, %dma_wait3A_1836] : memref<3136x8xf32, #tpu.memory_space<hbm>> -> memref<128x8xf32, #tpu.memory_space<hbm>>
          %dma_wait3A_1838 = arith.constant 0 : i32
          %dma_wait3A_1839 = arith.constant 0 : i32
          %dma_wait3A_1840 = tpu.memref_slice %arg7[%dma_wait3A_1838, %dma_wait3A_1839] : memref<3136x8xf32, #tpu.memory_space<hbm>> -> memref<128x8xf32, #tpu.memory_space<hbm>>
          tpu.wait_dma2 semaphore(%arg24 : memref<!tpu.dma_semaphore, #tpu.memory_space<semaphore_mem>>) src(%dma_wait3A_1840 : memref<128x8xf32, #tpu.memory_space<hbm>>) dst(%arg19 : memref<128x8xf32, #tpu.memory_space<vmem>>)
        } else {
        }
        %dma_wait3A_104 = arith.constant 0 : i32
        %dma_wait3A_105 = tpu.memref_slice %arg10[%scan3A_58, %dma_wait3A_104] : memref<147x128xi32, #tpu.memory_space<vmem>> -> memref<1x128xi32, #tpu.memory_space<vmem>>
        %dma_wait3A_106 = tpu.memref_squeeze %dma_wait3A_105 : memref<1x128xi32, #tpu.memory_space<vmem>> -> memref<128xi32, #tpu.memory_space<vmem>>
        %dma_wait3A_107 = arith.constant 0 : i32
        %dma_wait3A_108 = arith.constant 0 : i32
        %dma_wait3A_109 = tpu.memref_slice %arg2[%dma_wait3A_107, %dma_wait3A_108] : memref<401408x8xf32, #tpu.memory_space<hbm>> -> memref<401408x8xf32, #tpu.memory_space<hbm>>
        tpu.wait_indirect_dma semaphore(%arg23 : memref<!tpu.dma_semaphore, #tpu.memory_space<semaphore_mem>>) src(%dma_wait3A_109 : memref<401408x8xf32, #tpu.memory_space<hbm>>) dst(%arg13 : memref<128x8xf32, #tpu.memory_space<vmem>>)
        %dma_wait3A_110 = arith.constant 0 : i32
        %dma_wait3A_111 = tpu.memref_slice %arg10[%add3A_65, %dma_wait3A_110] : memref<147x128xi32, #tpu.memory_space<vmem>> -> memref<1x128xi32, #tpu.memory_space<vmem>>
        %dma_wait3A_112 = tpu.memref_squeeze %dma_wait3A_111 : memref<1x128xi32, #tpu.memory_space<vmem>> -> memref<128xi32, #tpu.memory_space<vmem>>
        %dma_wait3A_113 = arith.constant 0 : i32
        %dma_wait3A_114 = arith.constant 0 : i32
        %dma_wait3A_115 = tpu.memref_slice %arg2[%dma_wait3A_113, %dma_wait3A_114] : memref<401408x8xf32, #tpu.memory_space<hbm>> -> memref<401408x8xf32, #tpu.memory_space<hbm>>
        tpu.wait_indirect_dma semaphore(%arg23 : memref<!tpu.dma_semaphore, #tpu.memory_space<semaphore_mem>>) src(%dma_wait3A_115 : memref<401408x8xf32, #tpu.memory_space<hbm>>) dst(%arg14 : memref<128x8xf32, #tpu.memory_space<vmem>>)
        %dma_wait3A_116 = arith.constant 0 : i32
        %dma_wait3A_117 = tpu.memref_slice %arg10[%add3A_73, %dma_wait3A_116] : memref<147x128xi32, #tpu.memory_space<vmem>> -> memref<1x128xi32, #tpu.memory_space<vmem>>
        %dma_wait3A_118 = tpu.memref_squeeze %dma_wait3A_117 : memref<1x128xi32, #tpu.memory_space<vmem>> -> memref<128xi32, #tpu.memory_space<vmem>>
        %dma_wait3A_119 = arith.constant 0 : i32
        %dma_wait3A_120 = arith.constant 0 : i32
        %dma_wait3A_121 = tpu.memref_slice %arg2[%dma_wait3A_119, %dma_wait3A_120] : memref<401408x8xf32, #tpu.memory_space<hbm>> -> memref<401408x8xf32, #tpu.memory_space<hbm>>
        tpu.wait_indirect_dma semaphore(%arg23 : memref<!tpu.dma_semaphore, #tpu.memory_space<semaphore_mem>>) src(%dma_wait3A_121 : memref<401408x8xf32, #tpu.memory_space<hbm>>) dst(%arg15 : memref<128x8xf32, #tpu.memory_space<vmem>>)
        %dma_wait3A_122 = arith.constant 0 : i32
        %dma_wait3A_123 = tpu.memref_slice %arg12[%scan3A_58, %dma_wait3A_122] : memref<147x128xi32, #tpu.memory_space<vmem>> -> memref<1x128xi32, #tpu.memory_space<vmem>>
        %dma_wait3A_124 = tpu.memref_squeeze %dma_wait3A_123 : memref<1x128xi32, #tpu.memory_space<vmem>> -> memref<128xi32, #tpu.memory_space<vmem>>
        %dma_wait3A_125 = arith.constant 0 : i32
        %dma_wait3A_126 = arith.constant 0 : i32
        %dma_wait3A_127 = tpu.memref_slice %arg3[%dma_wait3A_125, %dma_wait3A_126] : memref<401408x8xf32, #tpu.memory_space<hbm>> -> memref<401408x8xf32, #tpu.memory_space<hbm>>
        tpu.wait_indirect_dma semaphore(%arg23 : memref<!tpu.dma_semaphore, #tpu.memory_space<semaphore_mem>>) src(%dma_wait3A_127 : memref<401408x8xf32, #tpu.memory_space<hbm>>) dst(%arg16 : memref<128x8xf32, #tpu.memory_space<vmem>>)
        %dma_wait3A_128 = arith.constant 0 : i32
        %dma_wait3A_129 = tpu.memref_slice %arg12[%add3A_87, %dma_wait3A_128] : memref<147x128xi32, #tpu.memory_space<vmem>> -> memref<1x128xi32, #tpu.memory_space<vmem>>
        %dma_wait3A_130 = tpu.memref_squeeze %dma_wait3A_129 : memref<1x128xi32, #tpu.memory_space<vmem>> -> memref<128xi32, #tpu.memory_space<vmem>>
        %dma_wait3A_131 = arith.constant 0 : i32
        %dma_wait3A_132 = arith.constant 0 : i32
        %dma_wait3A_133 = tpu.memref_slice %arg3[%dma_wait3A_131, %dma_wait3A_132] : memref<401408x8xf32, #tpu.memory_space<hbm>> -> memref<401408x8xf32, #tpu.memory_space<hbm>>
        tpu.wait_indirect_dma semaphore(%arg23 : memref<!tpu.dma_semaphore, #tpu.memory_space<semaphore_mem>>) src(%dma_wait3A_133 : memref<401408x8xf32, #tpu.memory_space<hbm>>) dst(%arg17 : memref<128x8xf32, #tpu.memory_space<vmem>>)
        %dma_wait3A_134 = arith.constant 0 : i32
        %dma_wait3A_135 = tpu.memref_slice %arg12[%add3A_95, %dma_wait3A_134] : memref<147x128xi32, #tpu.memory_space<vmem>> -> memref<1x128xi32, #tpu.memory_space<vmem>>
        %dma_wait3A_136 = tpu.memref_squeeze %dma_wait3A_135 : memref<1x128xi32, #tpu.memory_space<vmem>> -> memref<128xi32, #tpu.memory_space<vmem>>
        %dma_wait3A_137 = arith.constant 0 : i32
        %dma_wait3A_138 = arith.constant 0 : i32
        %dma_wait3A_139 = tpu.memref_slice %arg3[%dma_wait3A_137, %dma_wait3A_138] : memref<401408x8xf32, #tpu.memory_space<hbm>> -> memref<401408x8xf32, #tpu.memory_space<hbm>>
        tpu.wait_indirect_dma semaphore(%arg23 : memref<!tpu.dma_semaphore, #tpu.memory_space<semaphore_mem>>) src(%dma_wait3A_139 : memref<401408x8xf32, #tpu.memory_space<hbm>>) dst(%arg18 : memref<128x8xf32, #tpu.memory_space<vmem>>)
        %add3A_140 = arith.constant 0 : i32
        %add3A_141 = vector.broadcast %add3A_140 : i32 to vector<16xi32>
        %add3A_142 = arith.addi %add3A_141, %iota3A : vector<16xi32>
        %broadcast_in_dim3A_143 = arith.constant 0 : i32
        %broadcast_in_dim3A_144 = vector.broadcast %broadcast_in_dim3A_143 : i32 to vector<16xi32>
        %gather3A = tpu.vector_load_idx %arg13[%add3A_142, %broadcast_in_dim3A_144] : memref<128x8xf32, #tpu.memory_space<vmem>>[vector<16xi32>, vector<16xi32>], vector<16xf32>,
        %broadcast_in_dim3A_145 = arith.constant 1 : i32
        %broadcast_in_dim3A_146 = vector.broadcast %broadcast_in_dim3A_145 : i32 to vector<16xi32>
        %gather3A_147 = tpu.vector_load_idx %arg13[%add3A_142, %broadcast_in_dim3A_146] : memref<128x8xf32, #tpu.memory_space<vmem>>[vector<16xi32>, vector<16xi32>], vector<16xf32>,
        %broadcast_in_dim3A_148 = arith.constant 2 : i32
        %broadcast_in_dim3A_149 = vector.broadcast %broadcast_in_dim3A_148 : i32 to vector<16xi32>
        %gather3A_150 = tpu.vector_load_idx %arg13[%add3A_142, %broadcast_in_dim3A_149] : memref<128x8xf32, #tpu.memory_space<vmem>>[vector<16xi32>, vector<16xi32>], vector<16xf32>,
        %broadcast_in_dim3A_151 = arith.constant 0 : i32
        %broadcast_in_dim3A_152 = vector.broadcast %broadcast_in_dim3A_151 : i32 to vector<16xi32>
        %gather3A_153 = tpu.vector_load_idx %arg14[%add3A_142, %broadcast_in_dim3A_152] : memref<128x8xf32, #tpu.memory_space<vmem>>[vector<16xi32>, vector<16xi32>], vector<16xf32>,
        %broadcast_in_dim3A_154 = arith.constant 1 : i32
        %broadcast_in_dim3A_155 = vector.broadcast %broadcast_in_dim3A_154 : i32 to vector<16xi32>
        %gather3A_156 = tpu.vector_load_idx %arg14[%add3A_142, %broadcast_in_dim3A_155] : memref<128x8xf32, #tpu.memory_space<vmem>>[vector<16xi32>, vector<16xi32>], vector<16xf32>,
        %broadcast_in_dim3A_157 = arith.constant 2 : i32
        %broadcast_in_dim3A_158 = vector.broadcast %broadcast_in_dim3A_157 : i32 to vector<16xi32>
        %gather3A_159 = tpu.vector_load_idx %arg14[%add3A_142, %broadcast_in_dim3A_158] : memref<128x8xf32, #tpu.memory_space<vmem>>[vector<16xi32>, vector<16xi32>], vector<16xf32>,
        %broadcast_in_dim3A_160 = arith.constant 0 : i32
        %broadcast_in_dim3A_161 = vector.broadcast %broadcast_in_dim3A_160 : i32 to vector<16xi32>
        %gather3A_162 = tpu.vector_load_idx %arg15[%add3A_142, %broadcast_in_dim3A_161] : memref<128x8xf32, #tpu.memory_space<vmem>>[vector<16xi32>, vector<16xi32>], vector<16xf32>,
        %broadcast_in_dim3A_163 = arith.constant 1 : i32
        %broadcast_in_dim3A_164 = vector.broadcast %broadcast_in_dim3A_163 : i32 to vector<16xi32>
        %gather3A_165 = tpu.vector_load_idx %arg15[%add3A_142, %broadcast_in_dim3A_164] : memref<128x8xf32, #tpu.memory_space<vmem>>[vector<16xi32>, vector<16xi32>], vector<16xf32>,
        %broadcast_in_dim3A_166 = arith.constant 2 : i32
        %broadcast_in_dim3A_167 = vector.broadcast %broadcast_in_dim3A_166 : i32 to vector<16xi32>
        %gather3A_168 = tpu.vector_load_idx %arg15[%add3A_142, %broadcast_in_dim3A_167] : memref<128x8xf32, #tpu.memory_space<vmem>>[vector<16xi32>, vector<16xi32>], vector<16xf32>,
        %broadcast_in_dim3A_169 = arith.constant 0 : i32
        %broadcast_in_dim3A_170 = vector.broadcast %broadcast_in_dim3A_169 : i32 to vector<16xi32>
        %add3A_171 = arith.addf %gather3A, %gather3A_153 : vector<16xf32>
        %add3A_172 = arith.addf %add3A_171, %gather3A_162 : vector<16xf32>
        tpu.vector_store_idx %arg19[%add3A_142, %broadcast_in_dim3A_170], %add3A_172 : memref<128x8xf32, #tpu.memory_space<vmem>>[vector<16xi32>, vector<16xi32>], vector<16xf32>,
        %broadcast_in_dim3A_173 = arith.constant 1 : i32
        %broadcast_in_dim3A_174 = vector.broadcast %broadcast_in_dim3A_173 : i32 to vector<16xi32>
        %add3A_175 = arith.addf %gather3A_147, %gather3A_156 : vector<16xf32>
        %add3A_176 = arith.addf %add3A_175, %gather3A_165 : vector<16xf32>
        tpu.vector_store_idx %arg19[%add3A_142, %broadcast_in_dim3A_174], %add3A_176 : memref<128x8xf32, #tpu.memory_space<vmem>>[vector<16xi32>, vector<16xi32>], vector<16xf32>,
        %broadcast_in_dim3A_177 = arith.constant 2 : i32
        %broadcast_in_dim3A_178 = vector.broadcast %broadcast_in_dim3A_177 : i32 to vector<16xi32>
        %add3A_179 = arith.addf %gather3A_150, %gather3A_159 : vector<16xf32>
        %add3A_180 = arith.addf %add3A_179, %gather3A_168 : vector<16xf32>
        tpu.vector_store_idx %arg19[%add3A_142, %broadcast_in_dim3A_178], %add3A_180 : memref<128x8xf32, #tpu.memory_space<vmem>>[vector<16xi32>, vector<16xi32>], vector<16xf32>,
        %broadcast_in_dim3A_181 = arith.constant 3 : i32
        %broadcast_in_dim3A_182 = vector.broadcast %broadcast_in_dim3A_181 : i32 to vector<16xi32>
        tpu.vector_store_idx %arg19[%add3A_142, %broadcast_in_dim3A_182], %broadcast_in_dim3A_0 : memref<128x8xf32, #tpu.memory_space<vmem>>[vector<16xi32>, vector<16xi32>], vector<16xf32>,
        %sub3A = arith.subf %gather3A_153, %gather3A : vector<16xf32>
        %sub3A_183 = arith.subf %gather3A_156, %gather3A_147 : vector<16xf32>
        %sub3A_184 = arith.subf %gather3A_159, %gather3A_150 : vector<16xf32>
        %sub3A_185 = arith.subf %gather3A_162, %gather3A : vector<16xf32>
        %sub3A_186 = arith.subf %gather3A_165, %gather3A_147 : vector<16xf32>
        %sub3A_187 = arith.subf %gather3A_168, %gather3A_150 : vector<16xf32>
        %mul3A_188 = arith.mulf %sub3A_183, %sub3A_187 : vector<16xf32>
        %mul3A_189 = arith.mulf %sub3A_184, %sub3A_186 : vector<16xf32>
        %sub3A_190 = arith.subf %mul3A_188, %mul3A_189 : vector<16xf32>
        %mul3A_191 = arith.mulf %sub3A_184, %sub3A_185 : vector<16xf32>
        %mul3A_192 = arith.mulf %sub3A, %sub3A_187 : vector<16xf32>
        %sub3A_193 = arith.subf %mul3A_191, %mul3A_192 : vector<16xf32>
        %mul3A_194 = arith.mulf %sub3A, %sub3A_186 : vector<16xf32>
        %mul3A_195 = arith.mulf %sub3A_183, %sub3A_185 : vector<16xf32>
        %sub3A_196 = arith.subf %mul3A_194, %mul3A_195 : vector<16xf32>
        %mul3A_197 = arith.mulf %sub3A_190, %sub3A_190 : vector<16xf32>
        %mul3A_198 = arith.mulf %sub3A_193, %sub3A_193 : vector<16xf32>
        %add3A_199 = arith.addf %mul3A_197, %mul3A_198 : vector<16xf32>
        %mul3A_200 = arith.mulf %sub3A_196, %sub3A_196 : vector<16xf32>
        %add3A_201 = arith.addf %add3A_199, %mul3A_200 : vector<16xf32>
        %le3A = arith.constant 1.000000e-24 : f32
        %le3A_202 = vector.broadcast %le3A : f32 to vector<16xf32>
        %le3A_203 = arith.cmpf ole, %add3A_201, %le3A_202 : vector<16xf32>
        %bitcast3A = vector.bitcast %add3A_201 : vector<16xf32> to vector<16xi32>
        %shift_right_logical3A = arith.constant 1 : i32
        %shift_right_logical3A_204 = vector.broadcast %shift_right_logical3A : i32 to vector<16xi32>
        %shift_right_logical3A_205 = arith.shrui %bitcast3A, %shift_right_logical3A_204 : vector<16xi32>
        %sub3A_206 = arith.constant 1597463007 : i32
        %sub3A_207 = vector.broadcast %sub3A_206 : i32 to vector<16xi32>
        %sub3A_208 = arith.subi %sub3A_207, %shift_right_logical3A_205 : vector<16xi32>
        %bitcast3A_209 = vector.bitcast %sub3A_208 : vector<16xi32> to vector<16xf32>
        %mul3A_210 = arith.constant 5.000000e-01 : f32
        %mul3A_211 = vector.broadcast %mul3A_210 : f32 to vector<16xf32>
        %mul3A_212 = arith.mulf %mul3A_211, %add3A_201 : vector<16xf32>
        %mul3A_213 = arith.mulf %mul3A_212, %bitcast3A_209 : vector<16xf32>
        %mul3A_214 = arith.mulf %mul3A_213, %bitcast3A_209 : vector<16xf32>
        %sub3A_215 = arith.constant 1.500000e+00 : f32
        %sub3A_216 = vector.broadcast %sub3A_215 : f32 to vector<16xf32>
        %sub3A_217 = arith.subf %sub3A_216, %mul3A_214 : vector<16xf32>
        %mul3A_218 = arith.mulf %bitcast3A_209, %sub3A_217 : vector<16xf32>
        %mul3A_219 = arith.constant 5.000000e-01 : f32
        %mul3A_220 = vector.broadcast %mul3A_219 : f32 to vector<16xf32>
        %mul3A_221 = arith.mulf %mul3A_220, %add3A_201 : vector<16xf32>
        %mul3A_222 = arith.mulf %mul3A_221, %mul3A_218 : vector<16xf32>
        %mul3A_223 = arith.mulf %mul3A_222, %mul3A_218 : vector<16xf32>
        %sub3A_224 = arith.constant 1.500000e+00 : f32
        %sub3A_225 = vector.broadcast %sub3A_224 : f32 to vector<16xf32>
        %sub3A_226 = arith.subf %sub3A_225, %mul3A_223 : vector<16xf32>
        %mul3A_227 = arith.mulf %mul3A_218, %sub3A_226 : vector<16xf32>
        %mul3A_228 = arith.constant 5.000000e-01 : f32
        %mul3A_229 = vector.broadcast %mul3A_228 : f32 to vector<16xf32>
        %mul3A_230 = arith.mulf %mul3A_229, %add3A_201 : vector<16xf32>
        %mul3A_231 = arith.mulf %mul3A_230, %mul3A_227 : vector<16xf32>
        %mul3A_232 = arith.mulf %mul3A_231, %mul3A_227 : vector<16xf32>
        %sub3A_233 = arith.constant 1.500000e+00 : f32
        %sub3A_234 = vector.broadcast %sub3A_233 : f32 to vector<16xf32>
        %sub3A_235 = arith.subf %sub3A_234, %mul3A_232 : vector<16xf32>
        %mul3A_236 = arith.mulf %mul3A_227, %sub3A_235 : vector<16xf32>
        %jit3A = arith.constant 9.99999995E+11 : f32
        %broadcast_in_dim3A_237 = vector.broadcast %jit3A : f32 to vector<16xf32>
        %select_n3A = arith.select %le3A_203, %broadcast_in_dim3A_237, %mul3A_236 : vector<16xi1>, vector<16xf32>
        %mul3A_238 = arith.mulf %sub3A_190, %select_n3A : vector<16xf32>
        %mul3A_239 = arith.mulf %sub3A_193, %select_n3A : vector<16xf32>
        %mul3A_240 = arith.mulf %sub3A_196, %select_n3A : vector<16xf32>
        %broadcast_in_dim3A_241 = arith.constant 0 : i32
        %broadcast_in_dim3A_242 = vector.broadcast %broadcast_in_dim3A_241 : i32 to vector<16xi32>
        %gather3A_243 = tpu.vector_load_idx %arg16[%add3A_142, %broadcast_in_dim3A_242] : memref<128x8xf32, #tpu.memory_space<vmem>>[vector<16xi32>, vector<16xi32>], vector<16xf32>,
        %broadcast_in_dim3A_244 = arith.constant 1 : i32
        %broadcast_in_dim3A_245 = vector.broadcast %broadcast_in_dim3A_244 : i32 to vector<16xi32>
        %gather3A_246 = tpu.vector_load_idx %arg16[%add3A_142, %broadcast_in_dim3A_245] : memref<128x8xf32, #tpu.memory_space<vmem>>[vector<16xi32>, vector<16xi32>], vector<16xf32>,
        %broadcast_in_dim3A_247 = arith.constant 2 : i32
        %broadcast_in_dim3A_248 = vector.broadcast %broadcast_in_dim3A_247 : i32 to vector<16xi32>
        %gather3A_249 = tpu.vector_load_idx %arg16[%add3A_142, %broadcast_in_dim3A_248] : memref<128x8xf32, #tpu.memory_space<vmem>>[vector<16xi32>, vector<16xi32>], vector<16xf32>,
        %broadcast_in_dim3A_250 = arith.constant 0 : i32
        %broadcast_in_dim3A_251 = vector.broadcast %broadcast_in_dim3A_250 : i32 to vector<16xi32>
        %gather3A_252 = tpu.vector_load_idx %arg17[%add3A_142, %broadcast_in_dim3A_251] : memref<128x8xf32, #tpu.memory_space<vmem>>[vector<16xi32>, vector<16xi32>], vector<16xf32>,
        %broadcast_in_dim3A_253 = arith.constant 1 : i32
        %broadcast_in_dim3A_254 = vector.broadcast %broadcast_in_dim3A_253 : i32 to vector<16xi32>
        %gather3A_255 = tpu.vector_load_idx %arg17[%add3A_142, %broadcast_in_dim3A_254] : memref<128x8xf32, #tpu.memory_space<vmem>>[vector<16xi32>, vector<16xi32>], vector<16xf32>,
        %broadcast_in_dim3A_256 = arith.constant 2 : i32
        %broadcast_in_dim3A_257 = vector.broadcast %broadcast_in_dim3A_256 : i32 to vector<16xi32>
        %gather3A_258 = tpu.vector_load_idx %arg17[%add3A_142, %broadcast_in_dim3A_257] : memref<128x8xf32, #tpu.memory_space<vmem>>[vector<16xi32>, vector<16xi32>], vector<16xf32>,
        %broadcast_in_dim3A_259 = arith.constant 0 : i32
        %broadcast_in_dim3A_260 = vector.broadcast %broadcast_in_dim3A_259 : i32 to vector<16xi32>
        %gather3A_261 = tpu.vector_load_idx %arg18[%add3A_142, %broadcast_in_dim3A_260] : memref<128x8xf32, #tpu.memory_space<vmem>>[vector<16xi32>, vector<16xi32>], vector<16xf32>,
        %broadcast_in_dim3A_262 = arith.constant 1 : i32
        %broadcast_in_dim3A_263 = vector.broadcast %broadcast_in_dim3A_262 : i32 to vector<16xi32>
        %gather3A_264 = tpu.vector_load_idx %arg18[%add3A_142, %broadcast_in_dim3A_263] : memref<128x8xf32, #tpu.memory_space<vmem>>[vector<16xi32>, vector<16xi32>], vector<16xf32>,
        %broadcast_in_dim3A_265 = arith.constant 2 : i32
        %broadcast_in_dim3A_266 = vector.broadcast %broadcast_in_dim3A_265 : i32 to vector<16xi32>
        %gather3A_267 = tpu.vector_load_idx %arg18[%add3A_142, %broadcast_in_dim3A_266] : memref<128x8xf32, #tpu.memory_space<vmem>>[vector<16xi32>, vector<16xi32>], vector<16xf32>,
        %sub3A_268 = arith.subf %gather3A_252, %gather3A_243 : vector<16xf32>
        %sub3A_269 = arith.subf %gather3A_255, %gather3A_246 : vector<16xf32>
        %sub3A_270 = arith.subf %gather3A_258, %gather3A_249 : vector<16xf32>
        %sub3A_271 = arith.subf %gather3A_261, %gather3A_243 : vector<16xf32>
        %sub3A_272 = arith.subf %gather3A_264, %gather3A_246 : vector<16xf32>
        %sub3A_273 = arith.subf %gather3A_267, %gather3A_249 : vector<16xf32>
        %mul3A_274 = arith.mulf %sub3A_269, %sub3A_273 : vector<16xf32>
        %mul3A_275 = arith.mulf %sub3A_270, %sub3A_272 : vector<16xf32>
        %sub3A_276 = arith.subf %mul3A_274, %mul3A_275 : vector<16xf32>
        %mul3A_277 = arith.mulf %sub3A_270, %sub3A_271 : vector<16xf32>
        %mul3A_278 = arith.mulf %sub3A_268, %sub3A_273 : vector<16xf32>
        %sub3A_279 = arith.subf %mul3A_277, %mul3A_278 : vector<16xf32>
        %mul3A_280 = arith.mulf %sub3A_268, %sub3A_272 : vector<16xf32>
        %mul3A_281 = arith.mulf %sub3A_269, %sub3A_271 : vector<16xf32>
        %sub3A_282 = arith.subf %mul3A_280, %mul3A_281 : vector<16xf32>
        %mul3A_283 = arith.mulf %sub3A_276, %sub3A_276 : vector<16xf32>
        %mul3A_284 = arith.mulf %sub3A_279, %sub3A_279 : vector<16xf32>
        %add3A_285 = arith.addf %mul3A_283, %mul3A_284 : vector<16xf32>
        %mul3A_286 = arith.mulf %sub3A_282, %sub3A_282 : vector<16xf32>
        %add3A_287 = arith.addf %add3A_285, %mul3A_286 : vector<16xf32>
        %le3A_288 = arith.constant 1.000000e-24 : f32
        %le3A_289 = vector.broadcast %le3A_288 : f32 to vector<16xf32>
        %le3A_290 = arith.cmpf ole, %add3A_287, %le3A_289 : vector<16xf32>
        %bitcast3A_291 = vector.bitcast %add3A_287 : vector<16xf32> to vector<16xi32>
        %shift_right_logical3A_292 = arith.constant 1 : i32
        %shift_right_logical3A_293 = vector.broadcast %shift_right_logical3A_292 : i32 to vector<16xi32>
        %shift_right_logical3A_294 = arith.shrui %bitcast3A_291, %shift_right_logical3A_293 : vector<16xi32>
        %sub3A_295 = arith.constant 1597463007 : i32
        %sub3A_296 = vector.broadcast %sub3A_295 : i32 to vector<16xi32>
        %sub3A_297 = arith.subi %sub3A_296, %shift_right_logical3A_294 : vector<16xi32>
        %bitcast3A_298 = vector.bitcast %sub3A_297 : vector<16xi32> to vector<16xf32>
        %mul3A_299 = arith.constant 5.000000e-01 : f32
        %mul3A_300 = vector.broadcast %mul3A_299 : f32 to vector<16xf32>
        %mul3A_301 = arith.mulf %mul3A_300, %add3A_287 : vector<16xf32>
        %mul3A_302 = arith.mulf %mul3A_301, %bitcast3A_298 : vector<16xf32>
        %mul3A_303 = arith.mulf %mul3A_302, %bitcast3A_298 : vector<16xf32>
        %sub3A_304 = arith.constant 1.500000e+00 : f32
        %sub3A_305 = vector.broadcast %sub3A_304 : f32 to vector<16xf32>
        %sub3A_306 = arith.subf %sub3A_305, %mul3A_303 : vector<16xf32>
        %mul3A_307 = arith.mulf %bitcast3A_298, %sub3A_306 : vector<16xf32>
        %mul3A_308 = arith.constant 5.000000e-01 : f32
        %mul3A_309 = vector.broadcast %mul3A_308 : f32 to vector<16xf32>
        %mul3A_310 = arith.mulf %mul3A_309, %add3A_287 : vector<16xf32>
        %mul3A_311 = arith.mulf %mul3A_310, %mul3A_307 : vector<16xf32>
        %mul3A_312 = arith.mulf %mul3A_311, %mul3A_307 : vector<16xf32>
        %sub3A_313 = arith.constant 1.500000e+00 : f32
        %sub3A_314 = vector.broadcast %sub3A_313 : f32 to vector<16xf32>
        %sub3A_315 = arith.subf %sub3A_314, %mul3A_312 : vector<16xf32>
        %mul3A_316 = arith.mulf %mul3A_307, %sub3A_315 : vector<16xf32>
        %mul3A_317 = arith.constant 5.000000e-01 : f32
        %mul3A_318 = vector.broadcast %mul3A_317 : f32 to vector<16xf32>
        %mul3A_319 = arith.mulf %mul3A_318, %add3A_287 : vector<16xf32>
        %mul3A_320 = arith.mulf %mul3A_319, %mul3A_316 : vector<16xf32>
        %mul3A_321 = arith.mulf %mul3A_320, %mul3A_316 : vector<16xf32>
        %sub3A_322 = arith.constant 1.500000e+00 : f32
        %sub3A_323 = vector.broadcast %sub3A_322 : f32 to vector<16xf32>
        %sub3A_324 = arith.subf %sub3A_323, %mul3A_321 : vector<16xf32>
        %mul3A_325 = arith.mulf %mul3A_316, %sub3A_324 : vector<16xf32>
        %jit3A_326 = arith.constant 9.99999995E+11 : f32
        %broadcast_in_dim3A_327 = vector.broadcast %jit3A_326 : f32 to vector<16xf32>
        %select_n3A_328 = arith.select %le3A_290, %broadcast_in_dim3A_327, %mul3A_325 : vector<16xi1>, vector<16xf32>
        %mul3A_329 = arith.mulf %sub3A_276, %select_n3A_328 : vector<16xf32>
        %mul3A_330 = arith.mulf %sub3A_279, %select_n3A_328 : vector<16xf32>
        %mul3A_331 = arith.mulf %sub3A_282, %select_n3A_328 : vector<16xf32>
        %sub3A_332 = arith.subf %mul3A_238, %mul3A_329 : vector<16xf32>
        %sub3A_333 = arith.subf %mul3A_239, %mul3A_330 : vector<16xf32>
        %sub3A_334 = arith.subf %mul3A_240, %mul3A_331 : vector<16xf32>
        %mul3A_335 = arith.mulf %sub3A_332, %sub3A_332 : vector<16xf32>
        %add3A_336 = arith.addf %broadcast_in_dim3A_2, %mul3A_335 : vector<16xf32>
        %mul3A_337 = arith.mulf %sub3A_333, %sub3A_333 : vector<16xf32>
        %add3A_338 = arith.addf %add3A_336, %mul3A_337 : vector<16xf32>
        %mul3A_339 = arith.mulf %sub3A_334, %sub3A_334 : vector<16xf32>
        %add3A_340 = arith.addf %add3A_338, %mul3A_339 : vector<16xf32>
        %add3A_341 = arith.constant 16 : i32
        %add3A_342 = vector.broadcast %add3A_341 : i32 to vector<16xi32>
        %add3A_343 = arith.addi %add3A_342, %iota3A : vector<16xi32>
        %broadcast_in_dim3A_344 = arith.constant 0 : i32
        %broadcast_in_dim3A_345 = vector.broadcast %broadcast_in_dim3A_344 : i32 to vector<16xi32>
        %gather3A_346 = tpu.vector_load_idx %arg13[%add3A_343, %broadcast_in_dim3A_345] : memref<128x8xf32, #tpu.memory_space<vmem>>[vector<16xi32>, vector<16xi32>], vector<16xf32>,
        %broadcast_in_dim3A_347 = arith.constant 1 : i32
        %broadcast_in_dim3A_348 = vector.broadcast %broadcast_in_dim3A_347 : i32 to vector<16xi32>
        %gather3A_349 = tpu.vector_load_idx %arg13[%add3A_343, %broadcast_in_dim3A_348] : memref<128x8xf32, #tpu.memory_space<vmem>>[vector<16xi32>, vector<16xi32>], vector<16xf32>,
        %broadcast_in_dim3A_350 = arith.constant 2 : i32
        %broadcast_in_dim3A_351 = vector.broadcast %broadcast_in_dim3A_350 : i32 to vector<16xi32>
        %gather3A_352 = tpu.vector_load_idx %arg13[%add3A_343, %broadcast_in_dim3A_351] : memref<128x8xf32, #tpu.memory_space<vmem>>[vector<16xi32>, vector<16xi32>], vector<16xf32>,
        %broadcast_in_dim3A_353 = arith.constant 0 : i32
        %broadcast_in_dim3A_354 = vector.broadcast %broadcast_in_dim3A_353 : i32 to vector<16xi32>
        %gather3A_355 = tpu.vector_load_idx %arg14[%add3A_343, %broadcast_in_dim3A_354] : memref<128x8xf32, #tpu.memory_space<vmem>>[vector<16xi32>, vector<16xi32>], vector<16xf32>,
        %broadcast_in_dim3A_356 = arith.constant 1 : i32
        %broadcast_in_dim3A_357 = vector.broadcast %broadcast_in_dim3A_356 : i32 to vector<16xi32>
        %gather3A_358 = tpu.vector_load_idx %arg14[%add3A_343, %broadcast_in_dim3A_357] : memref<128x8xf32, #tpu.memory_space<vmem>>[vector<16xi32>, vector<16xi32>], vector<16xf32>,
        %broadcast_in_dim3A_359 = arith.constant 2 : i32
        %broadcast_in_dim3A_360 = vector.broadcast %broadcast_in_dim3A_359 : i32 to vector<16xi32>
        %gather3A_361 = tpu.vector_load_idx %arg14[%add3A_343, %broadcast_in_dim3A_360] : memref<128x8xf32, #tpu.memory_space<vmem>>[vector<16xi32>, vector<16xi32>], vector<16xf32>,
        %broadcast_in_dim3A_362 = arith.constant 0 : i32
        %broadcast_in_dim3A_363 = vector.broadcast %broadcast_in_dim3A_362 : i32 to vector<16xi32>
        %gather3A_364 = tpu.vector_load_idx %arg15[%add3A_343, %broadcast_in_dim3A_363] : memref<128x8xf32, #tpu.memory_space<vmem>>[vector<16xi32>, vector<16xi32>], vector<16xf32>,
        %broadcast_in_dim3A_365 = arith.constant 1 : i32
        %broadcast_in_dim3A_366 = vector.broadcast %broadcast_in_dim3A_365 : i32 to vector<16xi32>
        %gather3A_367 = tpu.vector_load_idx %arg15[%add3A_343, %broadcast_in_dim3A_366] : memref<128x8xf32, #tpu.memory_space<vmem>>[vector<16xi32>, vector<16xi32>], vector<16xf32>,
        %broadcast_in_dim3A_368 = arith.constant 2 : i32
        %broadcast_in_dim3A_369 = vector.broadcast %broadcast_in_dim3A_368 : i32 to vector<16xi32>
        %gather3A_370 = tpu.vector_load_idx %arg15[%add3A_343, %broadcast_in_dim3A_369] : memref<128x8xf32, #tpu.memory_space<vmem>>[vector<16xi32>, vector<16xi32>], vector<16xf32>,
        %broadcast_in_dim3A_371 = arith.constant 0 : i32
        %broadcast_in_dim3A_372 = vector.broadcast %broadcast_in_dim3A_371 : i32 to vector<16xi32>
        %add3A_373 = arith.addf %gather3A_346, %gather3A_355 : vector<16xf32>
        %add3A_374 = arith.addf %add3A_373, %gather3A_364 : vector<16xf32>
        tpu.vector_store_idx %arg19[%add3A_343, %broadcast_in_dim3A_372], %add3A_374 : memref<128x8xf32, #tpu.memory_space<vmem>>[vector<16xi32>, vector<16xi32>], vector<16xf32>,
        %broadcast_in_dim3A_375 = arith.constant 1 : i32
        %broadcast_in_dim3A_376 = vector.broadcast %broadcast_in_dim3A_375 : i32 to vector<16xi32>
        %add3A_377 = arith.addf %gather3A_349, %gather3A_358 : vector<16xf32>
        %add3A_378 = arith.addf %add3A_377, %gather3A_367 : vector<16xf32>
        tpu.vector_store_idx %arg19[%add3A_343, %broadcast_in_dim3A_376], %add3A_378 : memref<128x8xf32, #tpu.memory_space<vmem>>[vector<16xi32>, vector<16xi32>], vector<16xf32>,
        %broadcast_in_dim3A_379 = arith.constant 2 : i32
        %broadcast_in_dim3A_380 = vector.broadcast %broadcast_in_dim3A_379 : i32 to vector<16xi32>
        %add3A_381 = arith.addf %gather3A_352, %gather3A_361 : vector<16xf32>
        %add3A_382 = arith.addf %add3A_381, %gather3A_370 : vector<16xf32>
        tpu.vector_store_idx %arg19[%add3A_343, %broadcast_in_dim3A_380], %add3A_382 : memref<128x8xf32, #tpu.memory_space<vmem>>[vector<16xi32>, vector<16xi32>], vector<16xf32>,
        %broadcast_in_dim3A_383 = arith.constant 3 : i32
        %broadcast_in_dim3A_384 = vector.broadcast %broadcast_in_dim3A_383 : i32 to vector<16xi32>
        tpu.vector_store_idx %arg19[%add3A_343, %broadcast_in_dim3A_384], %broadcast_in_dim3A_0 : memref<128x8xf32, #tpu.memory_space<vmem>>[vector<16xi32>, vector<16xi32>], vector<16xf32>,
        %sub3A_385 = arith.subf %gather3A_355, %gather3A_346 : vector<16xf32>
        %sub3A_386 = arith.subf %gather3A_358, %gather3A_349 : vector<16xf32>
        %sub3A_387 = arith.subf %gather3A_361, %gather3A_352 : vector<16xf32>
        %sub3A_388 = arith.subf %gather3A_364, %gather3A_346 : vector<16xf32>
        %sub3A_389 = arith.subf %gather3A_367, %gather3A_349 : vector<16xf32>
        %sub3A_390 = arith.subf %gather3A_370, %gather3A_352 : vector<16xf32>
        %mul3A_391 = arith.mulf %sub3A_386, %sub3A_390 : vector<16xf32>
        %mul3A_392 = arith.mulf %sub3A_387, %sub3A_389 : vector<16xf32>
        %sub3A_393 = arith.subf %mul3A_391, %mul3A_392 : vector<16xf32>
        %mul3A_394 = arith.mulf %sub3A_387, %sub3A_388 : vector<16xf32>
        %mul3A_395 = arith.mulf %sub3A_385, %sub3A_390 : vector<16xf32>
        %sub3A_396 = arith.subf %mul3A_394, %mul3A_395 : vector<16xf32>
        %mul3A_397 = arith.mulf %sub3A_385, %sub3A_389 : vector<16xf32>
        %mul3A_398 = arith.mulf %sub3A_386, %sub3A_388 : vector<16xf32>
        %sub3A_399 = arith.subf %mul3A_397, %mul3A_398 : vector<16xf32>
        %mul3A_400 = arith.mulf %sub3A_393, %sub3A_393 : vector<16xf32>
        %mul3A_401 = arith.mulf %sub3A_396, %sub3A_396 : vector<16xf32>
        %add3A_402 = arith.addf %mul3A_400, %mul3A_401 : vector<16xf32>
        %mul3A_403 = arith.mulf %sub3A_399, %sub3A_399 : vector<16xf32>
        %add3A_404 = arith.addf %add3A_402, %mul3A_403 : vector<16xf32>
        %le3A_405 = arith.constant 1.000000e-24 : f32
        %le3A_406 = vector.broadcast %le3A_405 : f32 to vector<16xf32>
        %le3A_407 = arith.cmpf ole, %add3A_404, %le3A_406 : vector<16xf32>
        %bitcast3A_408 = vector.bitcast %add3A_404 : vector<16xf32> to vector<16xi32>
        %shift_right_logical3A_409 = arith.constant 1 : i32
        %shift_right_logical3A_410 = vector.broadcast %shift_right_logical3A_409 : i32 to vector<16xi32>
        %shift_right_logical3A_411 = arith.shrui %bitcast3A_408, %shift_right_logical3A_410 : vector<16xi32>
        %sub3A_412 = arith.constant 1597463007 : i32
        %sub3A_413 = vector.broadcast %sub3A_412 : i32 to vector<16xi32>
        %sub3A_414 = arith.subi %sub3A_413, %shift_right_logical3A_411 : vector<16xi32>
        %bitcast3A_415 = vector.bitcast %sub3A_414 : vector<16xi32> to vector<16xf32>
        %mul3A_416 = arith.constant 5.000000e-01 : f32
        %mul3A_417 = vector.broadcast %mul3A_416 : f32 to vector<16xf32>
        %mul3A_418 = arith.mulf %mul3A_417, %add3A_404 : vector<16xf32>
        %mul3A_419 = arith.mulf %mul3A_418, %bitcast3A_415 : vector<16xf32>
        %mul3A_420 = arith.mulf %mul3A_419, %bitcast3A_415 : vector<16xf32>
        %sub3A_421 = arith.constant 1.500000e+00 : f32
        %sub3A_422 = vector.broadcast %sub3A_421 : f32 to vector<16xf32>
        %sub3A_423 = arith.subf %sub3A_422, %mul3A_420 : vector<16xf32>
        %mul3A_424 = arith.mulf %bitcast3A_415, %sub3A_423 : vector<16xf32>
        %mul3A_425 = arith.constant 5.000000e-01 : f32
        %mul3A_426 = vector.broadcast %mul3A_425 : f32 to vector<16xf32>
        %mul3A_427 = arith.mulf %mul3A_426, %add3A_404 : vector<16xf32>
        %mul3A_428 = arith.mulf %mul3A_427, %mul3A_424 : vector<16xf32>
        %mul3A_429 = arith.mulf %mul3A_428, %mul3A_424 : vector<16xf32>
        %sub3A_430 = arith.constant 1.500000e+00 : f32
        %sub3A_431 = vector.broadcast %sub3A_430 : f32 to vector<16xf32>
        %sub3A_432 = arith.subf %sub3A_431, %mul3A_429 : vector<16xf32>
        %mul3A_433 = arith.mulf %mul3A_424, %sub3A_432 : vector<16xf32>
        %mul3A_434 = arith.constant 5.000000e-01 : f32
        %mul3A_435 = vector.broadcast %mul3A_434 : f32 to vector<16xf32>
        %mul3A_436 = arith.mulf %mul3A_435, %add3A_404 : vector<16xf32>
        %mul3A_437 = arith.mulf %mul3A_436, %mul3A_433 : vector<16xf32>
        %mul3A_438 = arith.mulf %mul3A_437, %mul3A_433 : vector<16xf32>
        %sub3A_439 = arith.constant 1.500000e+00 : f32
        %sub3A_440 = vector.broadcast %sub3A_439 : f32 to vector<16xf32>
        %sub3A_441 = arith.subf %sub3A_440, %mul3A_438 : vector<16xf32>
        %mul3A_442 = arith.mulf %mul3A_433, %sub3A_441 : vector<16xf32>
        %jit3A_443 = arith.constant 9.99999995E+11 : f32
        %broadcast_in_dim3A_444 = vector.broadcast %jit3A_443 : f32 to vector<16xf32>
        %select_n3A_445 = arith.select %le3A_407, %broadcast_in_dim3A_444, %mul3A_442 : vector<16xi1>, vector<16xf32>
        %mul3A_446 = arith.mulf %sub3A_393, %select_n3A_445 : vector<16xf32>
        %mul3A_447 = arith.mulf %sub3A_396, %select_n3A_445 : vector<16xf32>
        %mul3A_448 = arith.mulf %sub3A_399, %select_n3A_445 : vector<16xf32>
        %broadcast_in_dim3A_449 = arith.constant 0 : i32
        %broadcast_in_dim3A_450 = vector.broadcast %broadcast_in_dim3A_449 : i32 to vector<16xi32>
        %gather3A_451 = tpu.vector_load_idx %arg16[%add3A_343, %broadcast_in_dim3A_450] : memref<128x8xf32, #tpu.memory_space<vmem>>[vector<16xi32>, vector<16xi32>], vector<16xf32>,
        %broadcast_in_dim3A_452 = arith.constant 1 : i32
        %broadcast_in_dim3A_453 = vector.broadcast %broadcast_in_dim3A_452 : i32 to vector<16xi32>
        %gather3A_454 = tpu.vector_load_idx %arg16[%add3A_343, %broadcast_in_dim3A_453] : memref<128x8xf32, #tpu.memory_space<vmem>>[vector<16xi32>, vector<16xi32>], vector<16xf32>,
        %broadcast_in_dim3A_455 = arith.constant 2 : i32
        %broadcast_in_dim3A_456 = vector.broadcast %broadcast_in_dim3A_455 : i32 to vector<16xi32>
        %gather3A_457 = tpu.vector_load_idx %arg16[%add3A_343, %broadcast_in_dim3A_456] : memref<128x8xf32, #tpu.memory_space<vmem>>[vector<16xi32>, vector<16xi32>], vector<16xf32>,
        %broadcast_in_dim3A_458 = arith.constant 0 : i32
        %broadcast_in_dim3A_459 = vector.broadcast %broadcast_in_dim3A_458 : i32 to vector<16xi32>
        %gather3A_460 = tpu.vector_load_idx %arg17[%add3A_343, %broadcast_in_dim3A_459] : memref<128x8xf32, #tpu.memory_space<vmem>>[vector<16xi32>, vector<16xi32>], vector<16xf32>,
        %broadcast_in_dim3A_461 = arith.constant 1 : i32
        %broadcast_in_dim3A_462 = vector.broadcast %broadcast_in_dim3A_461 : i32 to vector<16xi32>
        %gather3A_463 = tpu.vector_load_idx %arg17[%add3A_343, %broadcast_in_dim3A_462] : memref<128x8xf32, #tpu.memory_space<vmem>>[vector<16xi32>, vector<16xi32>], vector<16xf32>,
        %broadcast_in_dim3A_464 = arith.constant 2 : i32
        %broadcast_in_dim3A_465 = vector.broadcast %broadcast_in_dim3A_464 : i32 to vector<16xi32>
        %gather3A_466 = tpu.vector_load_idx %arg17[%add3A_343, %broadcast_in_dim3A_465] : memref<128x8xf32, #tpu.memory_space<vmem>>[vector<16xi32>, vector<16xi32>], vector<16xf32>,
        %broadcast_in_dim3A_467 = arith.constant 0 : i32
        %broadcast_in_dim3A_468 = vector.broadcast %broadcast_in_dim3A_467 : i32 to vector<16xi32>
        %gather3A_469 = tpu.vector_load_idx %arg18[%add3A_343, %broadcast_in_dim3A_468] : memref<128x8xf32, #tpu.memory_space<vmem>>[vector<16xi32>, vector<16xi32>], vector<16xf32>,
        %broadcast_in_dim3A_470 = arith.constant 1 : i32
        %broadcast_in_dim3A_471 = vector.broadcast %broadcast_in_dim3A_470 : i32 to vector<16xi32>
        %gather3A_472 = tpu.vector_load_idx %arg18[%add3A_343, %broadcast_in_dim3A_471] : memref<128x8xf32, #tpu.memory_space<vmem>>[vector<16xi32>, vector<16xi32>], vector<16xf32>,
        %broadcast_in_dim3A_473 = arith.constant 2 : i32
        %broadcast_in_dim3A_474 = vector.broadcast %broadcast_in_dim3A_473 : i32 to vector<16xi32>
        %gather3A_475 = tpu.vector_load_idx %arg18[%add3A_343, %broadcast_in_dim3A_474] : memref<128x8xf32, #tpu.memory_space<vmem>>[vector<16xi32>, vector<16xi32>], vector<16xf32>,
        %sub3A_476 = arith.subf %gather3A_460, %gather3A_451 : vector<16xf32>
        %sub3A_477 = arith.subf %gather3A_463, %gather3A_454 : vector<16xf32>
        %sub3A_478 = arith.subf %gather3A_466, %gather3A_457 : vector<16xf32>
        %sub3A_479 = arith.subf %gather3A_469, %gather3A_451 : vector<16xf32>
        %sub3A_480 = arith.subf %gather3A_472, %gather3A_454 : vector<16xf32>
        %sub3A_481 = arith.subf %gather3A_475, %gather3A_457 : vector<16xf32>
        %mul3A_482 = arith.mulf %sub3A_477, %sub3A_481 : vector<16xf32>
        %mul3A_483 = arith.mulf %sub3A_478, %sub3A_480 : vector<16xf32>
        %sub3A_484 = arith.subf %mul3A_482, %mul3A_483 : vector<16xf32>
        %mul3A_485 = arith.mulf %sub3A_478, %sub3A_479 : vector<16xf32>
        %mul3A_486 = arith.mulf %sub3A_476, %sub3A_481 : vector<16xf32>
        %sub3A_487 = arith.subf %mul3A_485, %mul3A_486 : vector<16xf32>
        %mul3A_488 = arith.mulf %sub3A_476, %sub3A_480 : vector<16xf32>
        %mul3A_489 = arith.mulf %sub3A_477, %sub3A_479 : vector<16xf32>
        %sub3A_490 = arith.subf %mul3A_488, %mul3A_489 : vector<16xf32>
        %mul3A_491 = arith.mulf %sub3A_484, %sub3A_484 : vector<16xf32>
        %mul3A_492 = arith.mulf %sub3A_487, %sub3A_487 : vector<16xf32>
        %add3A_493 = arith.addf %mul3A_491, %mul3A_492 : vector<16xf32>
        %mul3A_494 = arith.mulf %sub3A_490, %sub3A_490 : vector<16xf32>
        %add3A_495 = arith.addf %add3A_493, %mul3A_494 : vector<16xf32>
        %le3A_496 = arith.constant 1.000000e-24 : f32
        %le3A_497 = vector.broadcast %le3A_496 : f32 to vector<16xf32>
        %le3A_498 = arith.cmpf ole, %add3A_495, %le3A_497 : vector<16xf32>
        %bitcast3A_499 = vector.bitcast %add3A_495 : vector<16xf32> to vector<16xi32>
        %shift_right_logical3A_500 = arith.constant 1 : i32
        %shift_right_logical3A_501 = vector.broadcast %shift_right_logical3A_500 : i32 to vector<16xi32>
        %shift_right_logical3A_502 = arith.shrui %bitcast3A_499, %shift_right_logical3A_501 : vector<16xi32>
        %sub3A_503 = arith.constant 1597463007 : i32
        %sub3A_504 = vector.broadcast %sub3A_503 : i32 to vector<16xi32>
        %sub3A_505 = arith.subi %sub3A_504, %shift_right_logical3A_502 : vector<16xi32>
        %bitcast3A_506 = vector.bitcast %sub3A_505 : vector<16xi32> to vector<16xf32>
        %mul3A_507 = arith.constant 5.000000e-01 : f32
        %mul3A_508 = vector.broadcast %mul3A_507 : f32 to vector<16xf32>
        %mul3A_509 = arith.mulf %mul3A_508, %add3A_495 : vector<16xf32>
        %mul3A_510 = arith.mulf %mul3A_509, %bitcast3A_506 : vector<16xf32>
        %mul3A_511 = arith.mulf %mul3A_510, %bitcast3A_506 : vector<16xf32>
        %sub3A_512 = arith.constant 1.500000e+00 : f32
        %sub3A_513 = vector.broadcast %sub3A_512 : f32 to vector<16xf32>
        %sub3A_514 = arith.subf %sub3A_513, %mul3A_511 : vector<16xf32>
        %mul3A_515 = arith.mulf %bitcast3A_506, %sub3A_514 : vector<16xf32>
        %mul3A_516 = arith.constant 5.000000e-01 : f32
        %mul3A_517 = vector.broadcast %mul3A_516 : f32 to vector<16xf32>
        %mul3A_518 = arith.mulf %mul3A_517, %add3A_495 : vector<16xf32>
        %mul3A_519 = arith.mulf %mul3A_518, %mul3A_515 : vector<16xf32>
        %mul3A_520 = arith.mulf %mul3A_519, %mul3A_515 : vector<16xf32>
        %sub3A_521 = arith.constant 1.500000e+00 : f32
        %sub3A_522 = vector.broadcast %sub3A_521 : f32 to vector<16xf32>
        %sub3A_523 = arith.subf %sub3A_522, %mul3A_520 : vector<16xf32>
        %mul3A_524 = arith.mulf %mul3A_515, %sub3A_523 : vector<16xf32>
        %mul3A_525 = arith.constant 5.000000e-01 : f32
        %mul3A_526 = vector.broadcast %mul3A_525 : f32 to vector<16xf32>
        %mul3A_527 = arith.mulf %mul3A_526, %add3A_495 : vector<16xf32>
        %mul3A_528 = arith.mulf %mul3A_527, %mul3A_524 : vector<16xf32>
        %mul3A_529 = arith.mulf %mul3A_528, %mul3A_524 : vector<16xf32>
        %sub3A_530 = arith.constant 1.500000e+00 : f32
        %sub3A_531 = vector.broadcast %sub3A_530 : f32 to vector<16xf32>
        %sub3A_532 = arith.subf %sub3A_531, %mul3A_529 : vector<16xf32>
        %mul3A_533 = arith.mulf %mul3A_524, %sub3A_532 : vector<16xf32>
        %jit3A_534 = arith.constant 9.99999995E+11 : f32
        %broadcast_in_dim3A_535 = vector.broadcast %jit3A_534 : f32 to vector<16xf32>
        %select_n3A_536 = arith.select %le3A_498, %broadcast_in_dim3A_535, %mul3A_533 : vector<16xi1>, vector<16xf32>
        %mul3A_537 = arith.mulf %sub3A_484, %select_n3A_536 : vector<16xf32>
        %mul3A_538 = arith.mulf %sub3A_487, %select_n3A_536 : vector<16xf32>
        %mul3A_539 = arith.mulf %sub3A_490, %select_n3A_536 : vector<16xf32>
        %sub3A_540 = arith.subf %mul3A_446, %mul3A_537 : vector<16xf32>
        %sub3A_541 = arith.subf %mul3A_447, %mul3A_538 : vector<16xf32>
        %sub3A_542 = arith.subf %mul3A_448, %mul3A_539 : vector<16xf32>
        %mul3A_543 = arith.mulf %sub3A_540, %sub3A_540 : vector<16xf32>
        %add3A_544 = arith.addf %add3A_340, %mul3A_543 : vector<16xf32>
        %mul3A_545 = arith.mulf %sub3A_541, %sub3A_541 : vector<16xf32>
        %add3A_546 = arith.addf %add3A_544, %mul3A_545 : vector<16xf32>
        %mul3A_547 = arith.mulf %sub3A_542, %sub3A_542 : vector<16xf32>
        %add3A_548 = arith.addf %add3A_546, %mul3A_547 : vector<16xf32>
        %add3A_549 = arith.constant 32 : i32
        %add3A_550 = vector.broadcast %add3A_549 : i32 to vector<16xi32>
        %add3A_551 = arith.addi %add3A_550, %iota3A : vector<16xi32>
        %broadcast_in_dim3A_552 = arith.constant 0 : i32
        %broadcast_in_dim3A_553 = vector.broadcast %broadcast_in_dim3A_552 : i32 to vector<16xi32>
        %gather3A_554 = tpu.vector_load_idx %arg13[%add3A_551, %broadcast_in_dim3A_553] : memref<128x8xf32, #tpu.memory_space<vmem>>[vector<16xi32>, vector<16xi32>], vector<16xf32>,
        %broadcast_in_dim3A_555 = arith.constant 1 : i32
        %broadcast_in_dim3A_556 = vector.broadcast %broadcast_in_dim3A_555 : i32 to vector<16xi32>
        %gather3A_557 = tpu.vector_load_idx %arg13[%add3A_551, %broadcast_in_dim3A_556] : memref<128x8xf32, #tpu.memory_space<vmem>>[vector<16xi32>, vector<16xi32>], vector<16xf32>,
        %broadcast_in_dim3A_558 = arith.constant 2 : i32
        %broadcast_in_dim3A_559 = vector.broadcast %broadcast_in_dim3A_558 : i32 to vector<16xi32>
        %gather3A_560 = tpu.vector_load_idx %arg13[%add3A_551, %broadcast_in_dim3A_559] : memref<128x8xf32, #tpu.memory_space<vmem>>[vector<16xi32>, vector<16xi32>], vector<16xf32>,
        %broadcast_in_dim3A_561 = arith.constant 0 : i32
        %broadcast_in_dim3A_562 = vector.broadcast %broadcast_in_dim3A_561 : i32 to vector<16xi32>
        %gather3A_563 = tpu.vector_load_idx %arg14[%add3A_551, %broadcast_in_dim3A_562] : memref<128x8xf32, #tpu.memory_space<vmem>>[vector<16xi32>, vector<16xi32>], vector<16xf32>,
        %broadcast_in_dim3A_564 = arith.constant 1 : i32
        %broadcast_in_dim3A_565 = vector.broadcast %broadcast_in_dim3A_564 : i32 to vector<16xi32>
        %gather3A_566 = tpu.vector_load_idx %arg14[%add3A_551, %broadcast_in_dim3A_565] : memref<128x8xf32, #tpu.memory_space<vmem>>[vector<16xi32>, vector<16xi32>], vector<16xf32>,
        %broadcast_in_dim3A_567 = arith.constant 2 : i32
        %broadcast_in_dim3A_568 = vector.broadcast %broadcast_in_dim3A_567 : i32 to vector<16xi32>
        %gather3A_569 = tpu.vector_load_idx %arg14[%add3A_551, %broadcast_in_dim3A_568] : memref<128x8xf32, #tpu.memory_space<vmem>>[vector<16xi32>, vector<16xi32>], vector<16xf32>,
        %broadcast_in_dim3A_570 = arith.constant 0 : i32
        %broadcast_in_dim3A_571 = vector.broadcast %broadcast_in_dim3A_570 : i32 to vector<16xi32>
        %gather3A_572 = tpu.vector_load_idx %arg15[%add3A_551, %broadcast_in_dim3A_571] : memref<128x8xf32, #tpu.memory_space<vmem>>[vector<16xi32>, vector<16xi32>], vector<16xf32>,
        %broadcast_in_dim3A_573 = arith.constant 1 : i32
        %broadcast_in_dim3A_574 = vector.broadcast %broadcast_in_dim3A_573 : i32 to vector<16xi32>
        %gather3A_575 = tpu.vector_load_idx %arg15[%add3A_551, %broadcast_in_dim3A_574] : memref<128x8xf32, #tpu.memory_space<vmem>>[vector<16xi32>, vector<16xi32>], vector<16xf32>,
        %broadcast_in_dim3A_576 = arith.constant 2 : i32
        %broadcast_in_dim3A_577 = vector.broadcast %broadcast_in_dim3A_576 : i32 to vector<16xi32>
        %gather3A_578 = tpu.vector_load_idx %arg15[%add3A_551, %broadcast_in_dim3A_577] : memref<128x8xf32, #tpu.memory_space<vmem>>[vector<16xi32>, vector<16xi32>], vector<16xf32>,
        %broadcast_in_dim3A_579 = arith.constant 0 : i32
        %broadcast_in_dim3A_580 = vector.broadcast %broadcast_in_dim3A_579 : i32 to vector<16xi32>
        %add3A_581 = arith.addf %gather3A_554, %gather3A_563 : vector<16xf32>
        %add3A_582 = arith.addf %add3A_581, %gather3A_572 : vector<16xf32>
        tpu.vector_store_idx %arg19[%add3A_551, %broadcast_in_dim3A_580], %add3A_582 : memref<128x8xf32, #tpu.memory_space<vmem>>[vector<16xi32>, vector<16xi32>], vector<16xf32>,
        %broadcast_in_dim3A_583 = arith.constant 1 : i32
        %broadcast_in_dim3A_584 = vector.broadcast %broadcast_in_dim3A_583 : i32 to vector<16xi32>
        %add3A_585 = arith.addf %gather3A_557, %gather3A_566 : vector<16xf32>
        %add3A_586 = arith.addf %add3A_585, %gather3A_575 : vector<16xf32>
        tpu.vector_store_idx %arg19[%add3A_551, %broadcast_in_dim3A_584], %add3A_586 : memref<128x8xf32, #tpu.memory_space<vmem>>[vector<16xi32>, vector<16xi32>], vector<16xf32>,
        %broadcast_in_dim3A_587 = arith.constant 2 : i32
        %broadcast_in_dim3A_588 = vector.broadcast %broadcast_in_dim3A_587 : i32 to vector<16xi32>
        %add3A_589 = arith.addf %gather3A_560, %gather3A_569 : vector<16xf32>
        %add3A_590 = arith.addf %add3A_589, %gather3A_578 : vector<16xf32>
        tpu.vector_store_idx %arg19[%add3A_551, %broadcast_in_dim3A_588], %add3A_590 : memref<128x8xf32, #tpu.memory_space<vmem>>[vector<16xi32>, vector<16xi32>], vector<16xf32>,
        %broadcast_in_dim3A_591 = arith.constant 3 : i32
        %broadcast_in_dim3A_592 = vector.broadcast %broadcast_in_dim3A_591 : i32 to vector<16xi32>
        tpu.vector_store_idx %arg19[%add3A_551, %broadcast_in_dim3A_592], %broadcast_in_dim3A_0 : memref<128x8xf32, #tpu.memory_space<vmem>>[vector<16xi32>, vector<16xi32>], vector<16xf32>,
        %sub3A_593 = arith.subf %gather3A_563, %gather3A_554 : vector<16xf32>
        %sub3A_594 = arith.subf %gather3A_566, %gather3A_557 : vector<16xf32>
        %sub3A_595 = arith.subf %gather3A_569, %gather3A_560 : vector<16xf32>
        %sub3A_596 = arith.subf %gather3A_572, %gather3A_554 : vector<16xf32>
        %sub3A_597 = arith.subf %gather3A_575, %gather3A_557 : vector<16xf32>
        %sub3A_598 = arith.subf %gather3A_578, %gather3A_560 : vector<16xf32>
        %mul3A_599 = arith.mulf %sub3A_594, %sub3A_598 : vector<16xf32>
        %mul3A_600 = arith.mulf %sub3A_595, %sub3A_597 : vector<16xf32>
        %sub3A_601 = arith.subf %mul3A_599, %mul3A_600 : vector<16xf32>
        %mul3A_602 = arith.mulf %sub3A_595, %sub3A_596 : vector<16xf32>
        %mul3A_603 = arith.mulf %sub3A_593, %sub3A_598 : vector<16xf32>
        %sub3A_604 = arith.subf %mul3A_602, %mul3A_603 : vector<16xf32>
        %mul3A_605 = arith.mulf %sub3A_593, %sub3A_597 : vector<16xf32>
        %mul3A_606 = arith.mulf %sub3A_594, %sub3A_596 : vector<16xf32>
        %sub3A_607 = arith.subf %mul3A_605, %mul3A_606 : vector<16xf32>
        %mul3A_608 = arith.mulf %sub3A_601, %sub3A_601 : vector<16xf32>
        %mul3A_609 = arith.mulf %sub3A_604, %sub3A_604 : vector<16xf32>
        %add3A_610 = arith.addf %mul3A_608, %mul3A_609 : vector<16xf32>
        %mul3A_611 = arith.mulf %sub3A_607, %sub3A_607 : vector<16xf32>
        %add3A_612 = arith.addf %add3A_610, %mul3A_611 : vector<16xf32>
        %le3A_613 = arith.constant 1.000000e-24 : f32
        %le3A_614 = vector.broadcast %le3A_613 : f32 to vector<16xf32>
        %le3A_615 = arith.cmpf ole, %add3A_612, %le3A_614 : vector<16xf32>
        %bitcast3A_616 = vector.bitcast %add3A_612 : vector<16xf32> to vector<16xi32>
        %shift_right_logical3A_617 = arith.constant 1 : i32
        %shift_right_logical3A_618 = vector.broadcast %shift_right_logical3A_617 : i32 to vector<16xi32>
        %shift_right_logical3A_619 = arith.shrui %bitcast3A_616, %shift_right_logical3A_618 : vector<16xi32>
        %sub3A_620 = arith.constant 1597463007 : i32
        %sub3A_621 = vector.broadcast %sub3A_620 : i32 to vector<16xi32>
        %sub3A_622 = arith.subi %sub3A_621, %shift_right_logical3A_619 : vector<16xi32>
        %bitcast3A_623 = vector.bitcast %sub3A_622 : vector<16xi32> to vector<16xf32>
        %mul3A_624 = arith.constant 5.000000e-01 : f32
        %mul3A_625 = vector.broadcast %mul3A_624 : f32 to vector<16xf32>
        %mul3A_626 = arith.mulf %mul3A_625, %add3A_612 : vector<16xf32>
        %mul3A_627 = arith.mulf %mul3A_626, %bitcast3A_623 : vector<16xf32>
        %mul3A_628 = arith.mulf %mul3A_627, %bitcast3A_623 : vector<16xf32>
        %sub3A_629 = arith.constant 1.500000e+00 : f32
        %sub3A_630 = vector.broadcast %sub3A_629 : f32 to vector<16xf32>
        %sub3A_631 = arith.subf %sub3A_630, %mul3A_628 : vector<16xf32>
        %mul3A_632 = arith.mulf %bitcast3A_623, %sub3A_631 : vector<16xf32>
        %mul3A_633 = arith.constant 5.000000e-01 : f32
        %mul3A_634 = vector.broadcast %mul3A_633 : f32 to vector<16xf32>
        %mul3A_635 = arith.mulf %mul3A_634, %add3A_612 : vector<16xf32>
        %mul3A_636 = arith.mulf %mul3A_635, %mul3A_632 : vector<16xf32>
        %mul3A_637 = arith.mulf %mul3A_636, %mul3A_632 : vector<16xf32>
        %sub3A_638 = arith.constant 1.500000e+00 : f32
        %sub3A_639 = vector.broadcast %sub3A_638 : f32 to vector<16xf32>
        %sub3A_640 = arith.subf %sub3A_639, %mul3A_637 : vector<16xf32>
        %mul3A_641 = arith.mulf %mul3A_632, %sub3A_640 : vector<16xf32>
        %mul3A_642 = arith.constant 5.000000e-01 : f32
        %mul3A_643 = vector.broadcast %mul3A_642 : f32 to vector<16xf32>
        %mul3A_644 = arith.mulf %mul3A_643, %add3A_612 : vector<16xf32>
        %mul3A_645 = arith.mulf %mul3A_644, %mul3A_641 : vector<16xf32>
        %mul3A_646 = arith.mulf %mul3A_645, %mul3A_641 : vector<16xf32>
        %sub3A_647 = arith.constant 1.500000e+00 : f32
        %sub3A_648 = vector.broadcast %sub3A_647 : f32 to vector<16xf32>
        %sub3A_649 = arith.subf %sub3A_648, %mul3A_646 : vector<16xf32>
        %mul3A_650 = arith.mulf %mul3A_641, %sub3A_649 : vector<16xf32>
        %jit3A_651 = arith.constant 9.99999995E+11 : f32
        %broadcast_in_dim3A_652 = vector.broadcast %jit3A_651 : f32 to vector<16xf32>
        %select_n3A_653 = arith.select %le3A_615, %broadcast_in_dim3A_652, %mul3A_650 : vector<16xi1>, vector<16xf32>
        %mul3A_654 = arith.mulf %sub3A_601, %select_n3A_653 : vector<16xf32>
        %mul3A_655 = arith.mulf %sub3A_604, %select_n3A_653 : vector<16xf32>
        %mul3A_656 = arith.mulf %sub3A_607, %select_n3A_653 : vector<16xf32>
        %broadcast_in_dim3A_657 = arith.constant 0 : i32
        %broadcast_in_dim3A_658 = vector.broadcast %broadcast_in_dim3A_657 : i32 to vector<16xi32>
        %gather3A_659 = tpu.vector_load_idx %arg16[%add3A_551, %broadcast_in_dim3A_658] : memref<128x8xf32, #tpu.memory_space<vmem>>[vector<16xi32>, vector<16xi32>], vector<16xf32>,
        %broadcast_in_dim3A_660 = arith.constant 1 : i32
        %broadcast_in_dim3A_661 = vector.broadcast %broadcast_in_dim3A_660 : i32 to vector<16xi32>
        %gather3A_662 = tpu.vector_load_idx %arg16[%add3A_551, %broadcast_in_dim3A_661] : memref<128x8xf32, #tpu.memory_space<vmem>>[vector<16xi32>, vector<16xi32>], vector<16xf32>,
        %broadcast_in_dim3A_663 = arith.constant 2 : i32
        %broadcast_in_dim3A_664 = vector.broadcast %broadcast_in_dim3A_663 : i32 to vector<16xi32>
        %gather3A_665 = tpu.vector_load_idx %arg16[%add3A_551, %broadcast_in_dim3A_664] : memref<128x8xf32, #tpu.memory_space<vmem>>[vector<16xi32>, vector<16xi32>], vector<16xf32>,
        %broadcast_in_dim3A_666 = arith.constant 0 : i32
        %broadcast_in_dim3A_667 = vector.broadcast %broadcast_in_dim3A_666 : i32 to vector<16xi32>
        %gather3A_668 = tpu.vector_load_idx %arg17[%add3A_551, %broadcast_in_dim3A_667] : memref<128x8xf32, #tpu.memory_space<vmem>>[vector<16xi32>, vector<16xi32>], vector<16xf32>,
        %broadcast_in_dim3A_669 = arith.constant 1 : i32
        %broadcast_in_dim3A_670 = vector.broadcast %broadcast_in_dim3A_669 : i32 to vector<16xi32>
        %gather3A_671 = tpu.vector_load_idx %arg17[%add3A_551, %broadcast_in_dim3A_670] : memref<128x8xf32, #tpu.memory_space<vmem>>[vector<16xi32>, vector<16xi32>], vector<16xf32>,
        %broadcast_in_dim3A_672 = arith.constant 2 : i32
        %broadcast_in_dim3A_673 = vector.broadcast %broadcast_in_dim3A_672 : i32 to vector<16xi32>
        %gather3A_674 = tpu.vector_load_idx %arg17[%add3A_551, %broadcast_in_dim3A_673] : memref<128x8xf32, #tpu.memory_space<vmem>>[vector<16xi32>, vector<16xi32>], vector<16xf32>,
        %broadcast_in_dim3A_675 = arith.constant 0 : i32
        %broadcast_in_dim3A_676 = vector.broadcast %broadcast_in_dim3A_675 : i32 to vector<16xi32>
        %gather3A_677 = tpu.vector_load_idx %arg18[%add3A_551, %broadcast_in_dim3A_676] : memref<128x8xf32, #tpu.memory_space<vmem>>[vector<16xi32>, vector<16xi32>], vector<16xf32>,
        %broadcast_in_dim3A_678 = arith.constant 1 : i32
        %broadcast_in_dim3A_679 = vector.broadcast %broadcast_in_dim3A_678 : i32 to vector<16xi32>
        %gather3A_680 = tpu.vector_load_idx %arg18[%add3A_551, %broadcast_in_dim3A_679] : memref<128x8xf32, #tpu.memory_space<vmem>>[vector<16xi32>, vector<16xi32>], vector<16xf32>,
        %broadcast_in_dim3A_681 = arith.constant 2 : i32
        %broadcast_in_dim3A_682 = vector.broadcast %broadcast_in_dim3A_681 : i32 to vector<16xi32>
        %gather3A_683 = tpu.vector_load_idx %arg18[%add3A_551, %broadcast_in_dim3A_682] : memref<128x8xf32, #tpu.memory_space<vmem>>[vector<16xi32>, vector<16xi32>], vector<16xf32>,
        %sub3A_684 = arith.subf %gather3A_668, %gather3A_659 : vector<16xf32>
        %sub3A_685 = arith.subf %gather3A_671, %gather3A_662 : vector<16xf32>
        %sub3A_686 = arith.subf %gather3A_674, %gather3A_665 : vector<16xf32>
        %sub3A_687 = arith.subf %gather3A_677, %gather3A_659 : vector<16xf32>
        %sub3A_688 = arith.subf %gather3A_680, %gather3A_662 : vector<16xf32>
        %sub3A_689 = arith.subf %gather3A_683, %gather3A_665 : vector<16xf32>
        %mul3A_690 = arith.mulf %sub3A_685, %sub3A_689 : vector<16xf32>
        %mul3A_691 = arith.mulf %sub3A_686, %sub3A_688 : vector<16xf32>
        %sub3A_692 = arith.subf %mul3A_690, %mul3A_691 : vector<16xf32>
        %mul3A_693 = arith.mulf %sub3A_686, %sub3A_687 : vector<16xf32>
        %mul3A_694 = arith.mulf %sub3A_684, %sub3A_689 : vector<16xf32>
        %sub3A_695 = arith.subf %mul3A_693, %mul3A_694 : vector<16xf32>
        %mul3A_696 = arith.mulf %sub3A_684, %sub3A_688 : vector<16xf32>
        %mul3A_697 = arith.mulf %sub3A_685, %sub3A_687 : vector<16xf32>
        %sub3A_698 = arith.subf %mul3A_696, %mul3A_697 : vector<16xf32>
        %mul3A_699 = arith.mulf %sub3A_692, %sub3A_692 : vector<16xf32>
        %mul3A_700 = arith.mulf %sub3A_695, %sub3A_695 : vector<16xf32>
        %add3A_701 = arith.addf %mul3A_699, %mul3A_700 : vector<16xf32>
        %mul3A_702 = arith.mulf %sub3A_698, %sub3A_698 : vector<16xf32>
        %add3A_703 = arith.addf %add3A_701, %mul3A_702 : vector<16xf32>
        %le3A_704 = arith.constant 1.000000e-24 : f32
        %le3A_705 = vector.broadcast %le3A_704 : f32 to vector<16xf32>
        %le3A_706 = arith.cmpf ole, %add3A_703, %le3A_705 : vector<16xf32>
        %bitcast3A_707 = vector.bitcast %add3A_703 : vector<16xf32> to vector<16xi32>
        %shift_right_logical3A_708 = arith.constant 1 : i32
        %shift_right_logical3A_709 = vector.broadcast %shift_right_logical3A_708 : i32 to vector<16xi32>
        %shift_right_logical3A_710 = arith.shrui %bitcast3A_707, %shift_right_logical3A_709 : vector<16xi32>
        %sub3A_711 = arith.constant 1597463007 : i32
        %sub3A_712 = vector.broadcast %sub3A_711 : i32 to vector<16xi32>
        %sub3A_713 = arith.subi %sub3A_712, %shift_right_logical3A_710 : vector<16xi32>
        %bitcast3A_714 = vector.bitcast %sub3A_713 : vector<16xi32> to vector<16xf32>
        %mul3A_715 = arith.constant 5.000000e-01 : f32
        %mul3A_716 = vector.broadcast %mul3A_715 : f32 to vector<16xf32>
        %mul3A_717 = arith.mulf %mul3A_716, %add3A_703 : vector<16xf32>
        %mul3A_718 = arith.mulf %mul3A_717, %bitcast3A_714 : vector<16xf32>
        %mul3A_719 = arith.mulf %mul3A_718, %bitcast3A_714 : vector<16xf32>
        %sub3A_720 = arith.constant 1.500000e+00 : f32
        %sub3A_721 = vector.broadcast %sub3A_720 : f32 to vector<16xf32>
        %sub3A_722 = arith.subf %sub3A_721, %mul3A_719 : vector<16xf32>
        %mul3A_723 = arith.mulf %bitcast3A_714, %sub3A_722 : vector<16xf32>
        %mul3A_724 = arith.constant 5.000000e-01 : f32
        %mul3A_725 = vector.broadcast %mul3A_724 : f32 to vector<16xf32>
        %mul3A_726 = arith.mulf %mul3A_725, %add3A_703 : vector<16xf32>
        %mul3A_727 = arith.mulf %mul3A_726, %mul3A_723 : vector<16xf32>
        %mul3A_728 = arith.mulf %mul3A_727, %mul3A_723 : vector<16xf32>
        %sub3A_729 = arith.constant 1.500000e+00 : f32
        %sub3A_730 = vector.broadcast %sub3A_729 : f32 to vector<16xf32>
        %sub3A_731 = arith.subf %sub3A_730, %mul3A_728 : vector<16xf32>
        %mul3A_732 = arith.mulf %mul3A_723, %sub3A_731 : vector<16xf32>
        %mul3A_733 = arith.constant 5.000000e-01 : f32
        %mul3A_734 = vector.broadcast %mul3A_733 : f32 to vector<16xf32>
        %mul3A_735 = arith.mulf %mul3A_734, %add3A_703 : vector<16xf32>
        %mul3A_736 = arith.mulf %mul3A_735, %mul3A_732 : vector<16xf32>
        %mul3A_737 = arith.mulf %mul3A_736, %mul3A_732 : vector<16xf32>
        %sub3A_738 = arith.constant 1.500000e+00 : f32
        %sub3A_739 = vector.broadcast %sub3A_738 : f32 to vector<16xf32>
        %sub3A_740 = arith.subf %sub3A_739, %mul3A_737 : vector<16xf32>
        %mul3A_741 = arith.mulf %mul3A_732, %sub3A_740 : vector<16xf32>
        %jit3A_742 = arith.constant 9.99999995E+11 : f32
        %broadcast_in_dim3A_743 = vector.broadcast %jit3A_742 : f32 to vector<16xf32>
        %select_n3A_744 = arith.select %le3A_706, %broadcast_in_dim3A_743, %mul3A_741 : vector<16xi1>, vector<16xf32>
        %mul3A_745 = arith.mulf %sub3A_692, %select_n3A_744 : vector<16xf32>
        %mul3A_746 = arith.mulf %sub3A_695, %select_n3A_744 : vector<16xf32>
        %mul3A_747 = arith.mulf %sub3A_698, %select_n3A_744 : vector<16xf32>
        %sub3A_748 = arith.subf %mul3A_654, %mul3A_745 : vector<16xf32>
        %sub3A_749 = arith.subf %mul3A_655, %mul3A_746 : vector<16xf32>
        %sub3A_750 = arith.subf %mul3A_656, %mul3A_747 : vector<16xf32>
        %mul3A_751 = arith.mulf %sub3A_748, %sub3A_748 : vector<16xf32>
        %add3A_752 = arith.addf %add3A_548, %mul3A_751 : vector<16xf32>
        %mul3A_753 = arith.mulf %sub3A_749, %sub3A_749 : vector<16xf32>
        %add3A_754 = arith.addf %add3A_752, %mul3A_753 : vector<16xf32>
        %mul3A_755 = arith.mulf %sub3A_750, %sub3A_750 : vector<16xf32>
        %add3A_756 = arith.addf %add3A_754, %mul3A_755 : vector<16xf32>
        %add3A_757 = arith.constant 48 : i32
        %add3A_758 = vector.broadcast %add3A_757 : i32 to vector<16xi32>
        %add3A_759 = arith.addi %add3A_758, %iota3A : vector<16xi32>
        %broadcast_in_dim3A_760 = arith.constant 0 : i32
        %broadcast_in_dim3A_761 = vector.broadcast %broadcast_in_dim3A_760 : i32 to vector<16xi32>
        %gather3A_762 = tpu.vector_load_idx %arg13[%add3A_759, %broadcast_in_dim3A_761] : memref<128x8xf32, #tpu.memory_space<vmem>>[vector<16xi32>, vector<16xi32>], vector<16xf32>,
        %broadcast_in_dim3A_763 = arith.constant 1 : i32
        %broadcast_in_dim3A_764 = vector.broadcast %broadcast_in_dim3A_763 : i32 to vector<16xi32>
        %gather3A_765 = tpu.vector_load_idx %arg13[%add3A_759, %broadcast_in_dim3A_764] : memref<128x8xf32, #tpu.memory_space<vmem>>[vector<16xi32>, vector<16xi32>], vector<16xf32>,
        %broadcast_in_dim3A_766 = arith.constant 2 : i32
        %broadcast_in_dim3A_767 = vector.broadcast %broadcast_in_dim3A_766 : i32 to vector<16xi32>
        %gather3A_768 = tpu.vector_load_idx %arg13[%add3A_759, %broadcast_in_dim3A_767] : memref<128x8xf32, #tpu.memory_space<vmem>>[vector<16xi32>, vector<16xi32>], vector<16xf32>,
        %broadcast_in_dim3A_769 = arith.constant 0 : i32
        %broadcast_in_dim3A_770 = vector.broadcast %broadcast_in_dim3A_769 : i32 to vector<16xi32>
        %gather3A_771 = tpu.vector_load_idx %arg14[%add3A_759, %broadcast_in_dim3A_770] : memref<128x8xf32, #tpu.memory_space<vmem>>[vector<16xi32>, vector<16xi32>], vector<16xf32>,
        %broadcast_in_dim3A_772 = arith.constant 1 : i32
        %broadcast_in_dim3A_773 = vector.broadcast %broadcast_in_dim3A_772 : i32 to vector<16xi32>
        %gather3A_774 = tpu.vector_load_idx %arg14[%add3A_759, %broadcast_in_dim3A_773] : memref<128x8xf32, #tpu.memory_space<vmem>>[vector<16xi32>, vector<16xi32>], vector<16xf32>,
        %broadcast_in_dim3A_775 = arith.constant 2 : i32
        %broadcast_in_dim3A_776 = vector.broadcast %broadcast_in_dim3A_775 : i32 to vector<16xi32>
        %gather3A_777 = tpu.vector_load_idx %arg14[%add3A_759, %broadcast_in_dim3A_776] : memref<128x8xf32, #tpu.memory_space<vmem>>[vector<16xi32>, vector<16xi32>], vector<16xf32>,
        %broadcast_in_dim3A_778 = arith.constant 0 : i32
        %broadcast_in_dim3A_779 = vector.broadcast %broadcast_in_dim3A_778 : i32 to vector<16xi32>
        %gather3A_780 = tpu.vector_load_idx %arg15[%add3A_759, %broadcast_in_dim3A_779] : memref<128x8xf32, #tpu.memory_space<vmem>>[vector<16xi32>, vector<16xi32>], vector<16xf32>,
        %broadcast_in_dim3A_781 = arith.constant 1 : i32
        %broadcast_in_dim3A_782 = vector.broadcast %broadcast_in_dim3A_781 : i32 to vector<16xi32>
        %gather3A_783 = tpu.vector_load_idx %arg15[%add3A_759, %broadcast_in_dim3A_782] : memref<128x8xf32, #tpu.memory_space<vmem>>[vector<16xi32>, vector<16xi32>], vector<16xf32>,
        %broadcast_in_dim3A_784 = arith.constant 2 : i32
        %broadcast_in_dim3A_785 = vector.broadcast %broadcast_in_dim3A_784 : i32 to vector<16xi32>
        %gather3A_786 = tpu.vector_load_idx %arg15[%add3A_759, %broadcast_in_dim3A_785] : memref<128x8xf32, #tpu.memory_space<vmem>>[vector<16xi32>, vector<16xi32>], vector<16xf32>,
        %broadcast_in_dim3A_787 = arith.constant 0 : i32
        %broadcast_in_dim3A_788 = vector.broadcast %broadcast_in_dim3A_787 : i32 to vector<16xi32>
        %add3A_789 = arith.addf %gather3A_762, %gather3A_771 : vector<16xf32>
        %add3A_790 = arith.addf %add3A_789, %gather3A_780 : vector<16xf32>
        tpu.vector_store_idx %arg19[%add3A_759, %broadcast_in_dim3A_788], %add3A_790 : memref<128x8xf32, #tpu.memory_space<vmem>>[vector<16xi32>, vector<16xi32>], vector<16xf32>,
        %broadcast_in_dim3A_791 = arith.constant 1 : i32
        %broadcast_in_dim3A_792 = vector.broadcast %broadcast_in_dim3A_791 : i32 to vector<16xi32>
        %add3A_793 = arith.addf %gather3A_765, %gather3A_774 : vector<16xf32>
        %add3A_794 = arith.addf %add3A_793, %gather3A_783 : vector<16xf32>
        tpu.vector_store_idx %arg19[%add3A_759, %broadcast_in_dim3A_792], %add3A_794 : memref<128x8xf32, #tpu.memory_space<vmem>>[vector<16xi32>, vector<16xi32>], vector<16xf32>,
        %broadcast_in_dim3A_795 = arith.constant 2 : i32
        %broadcast_in_dim3A_796 = vector.broadcast %broadcast_in_dim3A_795 : i32 to vector<16xi32>
        %add3A_797 = arith.addf %gather3A_768, %gather3A_777 : vector<16xf32>
        %add3A_798 = arith.addf %add3A_797, %gather3A_786 : vector<16xf32>
        tpu.vector_store_idx %arg19[%add3A_759, %broadcast_in_dim3A_796], %add3A_798 : memref<128x8xf32, #tpu.memory_space<vmem>>[vector<16xi32>, vector<16xi32>], vector<16xf32>,
        %broadcast_in_dim3A_799 = arith.constant 3 : i32
        %broadcast_in_dim3A_800 = vector.broadcast %broadcast_in_dim3A_799 : i32 to vector<16xi32>
        tpu.vector_store_idx %arg19[%add3A_759, %broadcast_in_dim3A_800], %broadcast_in_dim3A_0 : memref<128x8xf32, #tpu.memory_space<vmem>>[vector<16xi32>, vector<16xi32>], vector<16xf32>,
        %sub3A_801 = arith.subf %gather3A_771, %gather3A_762 : vector<16xf32>
        %sub3A_802 = arith.subf %gather3A_774, %gather3A_765 : vector<16xf32>
        %sub3A_803 = arith.subf %gather3A_777, %gather3A_768 : vector<16xf32>
        %sub3A_804 = arith.subf %gather3A_780, %gather3A_762 : vector<16xf32>
        %sub3A_805 = arith.subf %gather3A_783, %gather3A_765 : vector<16xf32>
        %sub3A_806 = arith.subf %gather3A_786, %gather3A_768 : vector<16xf32>
        %mul3A_807 = arith.mulf %sub3A_802, %sub3A_806 : vector<16xf32>
        %mul3A_808 = arith.mulf %sub3A_803, %sub3A_805 : vector<16xf32>
        %sub3A_809 = arith.subf %mul3A_807, %mul3A_808 : vector<16xf32>
        %mul3A_810 = arith.mulf %sub3A_803, %sub3A_804 : vector<16xf32>
        %mul3A_811 = arith.mulf %sub3A_801, %sub3A_806 : vector<16xf32>
        %sub3A_812 = arith.subf %mul3A_810, %mul3A_811 : vector<16xf32>
        %mul3A_813 = arith.mulf %sub3A_801, %sub3A_805 : vector<16xf32>
        %mul3A_814 = arith.mulf %sub3A_802, %sub3A_804 : vector<16xf32>
        %sub3A_815 = arith.subf %mul3A_813, %mul3A_814 : vector<16xf32>
        %mul3A_816 = arith.mulf %sub3A_809, %sub3A_809 : vector<16xf32>
        %mul3A_817 = arith.mulf %sub3A_812, %sub3A_812 : vector<16xf32>
        %add3A_818 = arith.addf %mul3A_816, %mul3A_817 : vector<16xf32>
        %mul3A_819 = arith.mulf %sub3A_815, %sub3A_815 : vector<16xf32>
        %add3A_820 = arith.addf %add3A_818, %mul3A_819 : vector<16xf32>
        %le3A_821 = arith.constant 1.000000e-24 : f32
        %le3A_822 = vector.broadcast %le3A_821 : f32 to vector<16xf32>
        %le3A_823 = arith.cmpf ole, %add3A_820, %le3A_822 : vector<16xf32>
        %bitcast3A_824 = vector.bitcast %add3A_820 : vector<16xf32> to vector<16xi32>
        %shift_right_logical3A_825 = arith.constant 1 : i32
        %shift_right_logical3A_826 = vector.broadcast %shift_right_logical3A_825 : i32 to vector<16xi32>
        %shift_right_logical3A_827 = arith.shrui %bitcast3A_824, %shift_right_logical3A_826 : vector<16xi32>
        %sub3A_828 = arith.constant 1597463007 : i32
        %sub3A_829 = vector.broadcast %sub3A_828 : i32 to vector<16xi32>
        %sub3A_830 = arith.subi %sub3A_829, %shift_right_logical3A_827 : vector<16xi32>
        %bitcast3A_831 = vector.bitcast %sub3A_830 : vector<16xi32> to vector<16xf32>
        %mul3A_832 = arith.constant 5.000000e-01 : f32
        %mul3A_833 = vector.broadcast %mul3A_832 : f32 to vector<16xf32>
        %mul3A_834 = arith.mulf %mul3A_833, %add3A_820 : vector<16xf32>
        %mul3A_835 = arith.mulf %mul3A_834, %bitcast3A_831 : vector<16xf32>
        %mul3A_836 = arith.mulf %mul3A_835, %bitcast3A_831 : vector<16xf32>
        %sub3A_837 = arith.constant 1.500000e+00 : f32
        %sub3A_838 = vector.broadcast %sub3A_837 : f32 to vector<16xf32>
        %sub3A_839 = arith.subf %sub3A_838, %mul3A_836 : vector<16xf32>
        %mul3A_840 = arith.mulf %bitcast3A_831, %sub3A_839 : vector<16xf32>
        %mul3A_841 = arith.constant 5.000000e-01 : f32
        %mul3A_842 = vector.broadcast %mul3A_841 : f32 to vector<16xf32>
        %mul3A_843 = arith.mulf %mul3A_842, %add3A_820 : vector<16xf32>
        %mul3A_844 = arith.mulf %mul3A_843, %mul3A_840 : vector<16xf32>
        %mul3A_845 = arith.mulf %mul3A_844, %mul3A_840 : vector<16xf32>
        %sub3A_846 = arith.constant 1.500000e+00 : f32
        %sub3A_847 = vector.broadcast %sub3A_846 : f32 to vector<16xf32>
        %sub3A_848 = arith.subf %sub3A_847, %mul3A_845 : vector<16xf32>
        %mul3A_849 = arith.mulf %mul3A_840, %sub3A_848 : vector<16xf32>
        %mul3A_850 = arith.constant 5.000000e-01 : f32
        %mul3A_851 = vector.broadcast %mul3A_850 : f32 to vector<16xf32>
        %mul3A_852 = arith.mulf %mul3A_851, %add3A_820 : vector<16xf32>
        %mul3A_853 = arith.mulf %mul3A_852, %mul3A_849 : vector<16xf32>
        %mul3A_854 = arith.mulf %mul3A_853, %mul3A_849 : vector<16xf32>
        %sub3A_855 = arith.constant 1.500000e+00 : f32
        %sub3A_856 = vector.broadcast %sub3A_855 : f32 to vector<16xf32>
        %sub3A_857 = arith.subf %sub3A_856, %mul3A_854 : vector<16xf32>
        %mul3A_858 = arith.mulf %mul3A_849, %sub3A_857 : vector<16xf32>
        %jit3A_859 = arith.constant 9.99999995E+11 : f32
        %broadcast_in_dim3A_860 = vector.broadcast %jit3A_859 : f32 to vector<16xf32>
        %select_n3A_861 = arith.select %le3A_823, %broadcast_in_dim3A_860, %mul3A_858 : vector<16xi1>, vector<16xf32>
        %mul3A_862 = arith.mulf %sub3A_809, %select_n3A_861 : vector<16xf32>
        %mul3A_863 = arith.mulf %sub3A_812, %select_n3A_861 : vector<16xf32>
        %mul3A_864 = arith.mulf %sub3A_815, %select_n3A_861 : vector<16xf32>
        %broadcast_in_dim3A_865 = arith.constant 0 : i32
        %broadcast_in_dim3A_866 = vector.broadcast %broadcast_in_dim3A_865 : i32 to vector<16xi32>
        %gather3A_867 = tpu.vector_load_idx %arg16[%add3A_759, %broadcast_in_dim3A_866] : memref<128x8xf32, #tpu.memory_space<vmem>>[vector<16xi32>, vector<16xi32>], vector<16xf32>,
        %broadcast_in_dim3A_868 = arith.constant 1 : i32
        %broadcast_in_dim3A_869 = vector.broadcast %broadcast_in_dim3A_868 : i32 to vector<16xi32>
        %gather3A_870 = tpu.vector_load_idx %arg16[%add3A_759, %broadcast_in_dim3A_869] : memref<128x8xf32, #tpu.memory_space<vmem>>[vector<16xi32>, vector<16xi32>], vector<16xf32>,
        %broadcast_in_dim3A_871 = arith.constant 2 : i32
        %broadcast_in_dim3A_872 = vector.broadcast %broadcast_in_dim3A_871 : i32 to vector<16xi32>
        %gather3A_873 = tpu.vector_load_idx %arg16[%add3A_759, %broadcast_in_dim3A_872] : memref<128x8xf32, #tpu.memory_space<vmem>>[vector<16xi32>, vector<16xi32>], vector<16xf32>,
        %broadcast_in_dim3A_874 = arith.constant 0 : i32
        %broadcast_in_dim3A_875 = vector.broadcast %broadcast_in_dim3A_874 : i32 to vector<16xi32>
        %gather3A_876 = tpu.vector_load_idx %arg17[%add3A_759, %broadcast_in_dim3A_875] : memref<128x8xf32, #tpu.memory_space<vmem>>[vector<16xi32>, vector<16xi32>], vector<16xf32>,
        %broadcast_in_dim3A_877 = arith.constant 1 : i32
        %broadcast_in_dim3A_878 = vector.broadcast %broadcast_in_dim3A_877 : i32 to vector<16xi32>
        %gather3A_879 = tpu.vector_load_idx %arg17[%add3A_759, %broadcast_in_dim3A_878] : memref<128x8xf32, #tpu.memory_space<vmem>>[vector<16xi32>, vector<16xi32>], vector<16xf32>,
        %broadcast_in_dim3A_880 = arith.constant 2 : i32
        %broadcast_in_dim3A_881 = vector.broadcast %broadcast_in_dim3A_880 : i32 to vector<16xi32>
        %gather3A_882 = tpu.vector_load_idx %arg17[%add3A_759, %broadcast_in_dim3A_881] : memref<128x8xf32, #tpu.memory_space<vmem>>[vector<16xi32>, vector<16xi32>], vector<16xf32>,
        %broadcast_in_dim3A_883 = arith.constant 0 : i32
        %broadcast_in_dim3A_884 = vector.broadcast %broadcast_in_dim3A_883 : i32 to vector<16xi32>
        %gather3A_885 = tpu.vector_load_idx %arg18[%add3A_759, %broadcast_in_dim3A_884] : memref<128x8xf32, #tpu.memory_space<vmem>>[vector<16xi32>, vector<16xi32>], vector<16xf32>,
        %broadcast_in_dim3A_886 = arith.constant 1 : i32
        %broadcast_in_dim3A_887 = vector.broadcast %broadcast_in_dim3A_886 : i32 to vector<16xi32>
        %gather3A_888 = tpu.vector_load_idx %arg18[%add3A_759, %broadcast_in_dim3A_887] : memref<128x8xf32, #tpu.memory_space<vmem>>[vector<16xi32>, vector<16xi32>], vector<16xf32>,
        %broadcast_in_dim3A_889 = arith.constant 2 : i32
        %broadcast_in_dim3A_890 = vector.broadcast %broadcast_in_dim3A_889 : i32 to vector<16xi32>
        %gather3A_891 = tpu.vector_load_idx %arg18[%add3A_759, %broadcast_in_dim3A_890] : memref<128x8xf32, #tpu.memory_space<vmem>>[vector<16xi32>, vector<16xi32>], vector<16xf32>,
        %sub3A_892 = arith.subf %gather3A_876, %gather3A_867 : vector<16xf32>
        %sub3A_893 = arith.subf %gather3A_879, %gather3A_870 : vector<16xf32>
        %sub3A_894 = arith.subf %gather3A_882, %gather3A_873 : vector<16xf32>
        %sub3A_895 = arith.subf %gather3A_885, %gather3A_867 : vector<16xf32>
        %sub3A_896 = arith.subf %gather3A_888, %gather3A_870 : vector<16xf32>
        %sub3A_897 = arith.subf %gather3A_891, %gather3A_873 : vector<16xf32>
        %mul3A_898 = arith.mulf %sub3A_893, %sub3A_897 : vector<16xf32>
        %mul3A_899 = arith.mulf %sub3A_894, %sub3A_896 : vector<16xf32>
        %sub3A_900 = arith.subf %mul3A_898, %mul3A_899 : vector<16xf32>
        %mul3A_901 = arith.mulf %sub3A_894, %sub3A_895 : vector<16xf32>
        %mul3A_902 = arith.mulf %sub3A_892, %sub3A_897 : vector<16xf32>
        %sub3A_903 = arith.subf %mul3A_901, %mul3A_902 : vector<16xf32>
        %mul3A_904 = arith.mulf %sub3A_892, %sub3A_896 : vector<16xf32>
        %mul3A_905 = arith.mulf %sub3A_893, %sub3A_895 : vector<16xf32>
        %sub3A_906 = arith.subf %mul3A_904, %mul3A_905 : vector<16xf32>
        %mul3A_907 = arith.mulf %sub3A_900, %sub3A_900 : vector<16xf32>
        %mul3A_908 = arith.mulf %sub3A_903, %sub3A_903 : vector<16xf32>
        %add3A_909 = arith.addf %mul3A_907, %mul3A_908 : vector<16xf32>
        %mul3A_910 = arith.mulf %sub3A_906, %sub3A_906 : vector<16xf32>
        %add3A_911 = arith.addf %add3A_909, %mul3A_910 : vector<16xf32>
        %le3A_912 = arith.constant 1.000000e-24 : f32
        %le3A_913 = vector.broadcast %le3A_912 : f32 to vector<16xf32>
        %le3A_914 = arith.cmpf ole, %add3A_911, %le3A_913 : vector<16xf32>
        %bitcast3A_915 = vector.bitcast %add3A_911 : vector<16xf32> to vector<16xi32>
        %shift_right_logical3A_916 = arith.constant 1 : i32
        %shift_right_logical3A_917 = vector.broadcast %shift_right_logical3A_916 : i32 to vector<16xi32>
        %shift_right_logical3A_918 = arith.shrui %bitcast3A_915, %shift_right_logical3A_917 : vector<16xi32>
        %sub3A_919 = arith.constant 1597463007 : i32
        %sub3A_920 = vector.broadcast %sub3A_919 : i32 to vector<16xi32>
        %sub3A_921 = arith.subi %sub3A_920, %shift_right_logical3A_918 : vector<16xi32>
        %bitcast3A_922 = vector.bitcast %sub3A_921 : vector<16xi32> to vector<16xf32>
        %mul3A_923 = arith.constant 5.000000e-01 : f32
        %mul3A_924 = vector.broadcast %mul3A_923 : f32 to vector<16xf32>
        %mul3A_925 = arith.mulf %mul3A_924, %add3A_911 : vector<16xf32>
        %mul3A_926 = arith.mulf %mul3A_925, %bitcast3A_922 : vector<16xf32>
        %mul3A_927 = arith.mulf %mul3A_926, %bitcast3A_922 : vector<16xf32>
        %sub3A_928 = arith.constant 1.500000e+00 : f32
        %sub3A_929 = vector.broadcast %sub3A_928 : f32 to vector<16xf32>
        %sub3A_930 = arith.subf %sub3A_929, %mul3A_927 : vector<16xf32>
        %mul3A_931 = arith.mulf %bitcast3A_922, %sub3A_930 : vector<16xf32>
        %mul3A_932 = arith.constant 5.000000e-01 : f32
        %mul3A_933 = vector.broadcast %mul3A_932 : f32 to vector<16xf32>
        %mul3A_934 = arith.mulf %mul3A_933, %add3A_911 : vector<16xf32>
        %mul3A_935 = arith.mulf %mul3A_934, %mul3A_931 : vector<16xf32>
        %mul3A_936 = arith.mulf %mul3A_935, %mul3A_931 : vector<16xf32>
        %sub3A_937 = arith.constant 1.500000e+00 : f32
        %sub3A_938 = vector.broadcast %sub3A_937 : f32 to vector<16xf32>
        %sub3A_939 = arith.subf %sub3A_938, %mul3A_936 : vector<16xf32>
        %mul3A_940 = arith.mulf %mul3A_931, %sub3A_939 : vector<16xf32>
        %mul3A_941 = arith.constant 5.000000e-01 : f32
        %mul3A_942 = vector.broadcast %mul3A_941 : f32 to vector<16xf32>
        %mul3A_943 = arith.mulf %mul3A_942, %add3A_911 : vector<16xf32>
        %mul3A_944 = arith.mulf %mul3A_943, %mul3A_940 : vector<16xf32>
        %mul3A_945 = arith.mulf %mul3A_944, %mul3A_940 : vector<16xf32>
        %sub3A_946 = arith.constant 1.500000e+00 : f32
        %sub3A_947 = vector.broadcast %sub3A_946 : f32 to vector<16xf32>
        %sub3A_948 = arith.subf %sub3A_947, %mul3A_945 : vector<16xf32>
        %mul3A_949 = arith.mulf %mul3A_940, %sub3A_948 : vector<16xf32>
        %jit3A_950 = arith.constant 9.99999995E+11 : f32
        %broadcast_in_dim3A_951 = vector.broadcast %jit3A_950 : f32 to vector<16xf32>
        %select_n3A_952 = arith.select %le3A_914, %broadcast_in_dim3A_951, %mul3A_949 : vector<16xi1>, vector<16xf32>
        %mul3A_953 = arith.mulf %sub3A_900, %select_n3A_952 : vector<16xf32>
        %mul3A_954 = arith.mulf %sub3A_903, %select_n3A_952 : vector<16xf32>
        %mul3A_955 = arith.mulf %sub3A_906, %select_n3A_952 : vector<16xf32>
        %sub3A_956 = arith.subf %mul3A_862, %mul3A_953 : vector<16xf32>
        %sub3A_957 = arith.subf %mul3A_863, %mul3A_954 : vector<16xf32>
        %sub3A_958 = arith.subf %mul3A_864, %mul3A_955 : vector<16xf32>
        %mul3A_959 = arith.mulf %sub3A_956, %sub3A_956 : vector<16xf32>
        %add3A_960 = arith.addf %add3A_756, %mul3A_959 : vector<16xf32>
        %mul3A_961 = arith.mulf %sub3A_957, %sub3A_957 : vector<16xf32>
        %add3A_962 = arith.addf %add3A_960, %mul3A_961 : vector<16xf32>
        %mul3A_963 = arith.mulf %sub3A_958, %sub3A_958 : vector<16xf32>
        %add3A_964 = arith.addf %add3A_962, %mul3A_963 : vector<16xf32>
        %add3A_965 = arith.constant 64 : i32
        %add3A_966 = vector.broadcast %add3A_965 : i32 to vector<16xi32>
        %add3A_967 = arith.addi %add3A_966, %iota3A : vector<16xi32>
        %broadcast_in_dim3A_968 = arith.constant 0 : i32
        %broadcast_in_dim3A_969 = vector.broadcast %broadcast_in_dim3A_968 : i32 to vector<16xi32>
        %gather3A_970 = tpu.vector_load_idx %arg13[%add3A_967, %broadcast_in_dim3A_969] : memref<128x8xf32, #tpu.memory_space<vmem>>[vector<16xi32>, vector<16xi32>], vector<16xf32>,
        %broadcast_in_dim3A_971 = arith.constant 1 : i32
        %broadcast_in_dim3A_972 = vector.broadcast %broadcast_in_dim3A_971 : i32 to vector<16xi32>
        %gather3A_973 = tpu.vector_load_idx %arg13[%add3A_967, %broadcast_in_dim3A_972] : memref<128x8xf32, #tpu.memory_space<vmem>>[vector<16xi32>, vector<16xi32>], vector<16xf32>,
        %broadcast_in_dim3A_974 = arith.constant 2 : i32
        %broadcast_in_dim3A_975 = vector.broadcast %broadcast_in_dim3A_974 : i32 to vector<16xi32>
        %gather3A_976 = tpu.vector_load_idx %arg13[%add3A_967, %broadcast_in_dim3A_975] : memref<128x8xf32, #tpu.memory_space<vmem>>[vector<16xi32>, vector<16xi32>], vector<16xf32>,
        %broadcast_in_dim3A_977 = arith.constant 0 : i32
        %broadcast_in_dim3A_978 = vector.broadcast %broadcast_in_dim3A_977 : i32 to vector<16xi32>
        %gather3A_979 = tpu.vector_load_idx %arg14[%add3A_967, %broadcast_in_dim3A_978] : memref<128x8xf32, #tpu.memory_space<vmem>>[vector<16xi32>, vector<16xi32>], vector<16xf32>,
        %broadcast_in_dim3A_980 = arith.constant 1 : i32
        %broadcast_in_dim3A_981 = vector.broadcast %broadcast_in_dim3A_980 : i32 to vector<16xi32>
        %gather3A_982 = tpu.vector_load_idx %arg14[%add3A_967, %broadcast_in_dim3A_981] : memref<128x8xf32, #tpu.memory_space<vmem>>[vector<16xi32>, vector<16xi32>], vector<16xf32>,
        %broadcast_in_dim3A_983 = arith.constant 2 : i32
        %broadcast_in_dim3A_984 = vector.broadcast %broadcast_in_dim3A_983 : i32 to vector<16xi32>
        %gather3A_985 = tpu.vector_load_idx %arg14[%add3A_967, %broadcast_in_dim3A_984] : memref<128x8xf32, #tpu.memory_space<vmem>>[vector<16xi32>, vector<16xi32>], vector<16xf32>,
        %broadcast_in_dim3A_986 = arith.constant 0 : i32
        %broadcast_in_dim3A_987 = vector.broadcast %broadcast_in_dim3A_986 : i32 to vector<16xi32>
        %gather3A_988 = tpu.vector_load_idx %arg15[%add3A_967, %broadcast_in_dim3A_987] : memref<128x8xf32, #tpu.memory_space<vmem>>[vector<16xi32>, vector<16xi32>], vector<16xf32>,
        %broadcast_in_dim3A_989 = arith.constant 1 : i32
        %broadcast_in_dim3A_990 = vector.broadcast %broadcast_in_dim3A_989 : i32 to vector<16xi32>
        %gather3A_991 = tpu.vector_load_idx %arg15[%add3A_967, %broadcast_in_dim3A_990] : memref<128x8xf32, #tpu.memory_space<vmem>>[vector<16xi32>, vector<16xi32>], vector<16xf32>,
        %broadcast_in_dim3A_992 = arith.constant 2 : i32
        %broadcast_in_dim3A_993 = vector.broadcast %broadcast_in_dim3A_992 : i32 to vector<16xi32>
        %gather3A_994 = tpu.vector_load_idx %arg15[%add3A_967, %broadcast_in_dim3A_993] : memref<128x8xf32, #tpu.memory_space<vmem>>[vector<16xi32>, vector<16xi32>], vector<16xf32>,
        %broadcast_in_dim3A_995 = arith.constant 0 : i32
        %broadcast_in_dim3A_996 = vector.broadcast %broadcast_in_dim3A_995 : i32 to vector<16xi32>
        %add3A_997 = arith.addf %gather3A_970, %gather3A_979 : vector<16xf32>
        %add3A_998 = arith.addf %add3A_997, %gather3A_988 : vector<16xf32>
        tpu.vector_store_idx %arg19[%add3A_967, %broadcast_in_dim3A_996], %add3A_998 : memref<128x8xf32, #tpu.memory_space<vmem>>[vector<16xi32>, vector<16xi32>], vector<16xf32>,
        %broadcast_in_dim3A_999 = arith.constant 1 : i32
        %broadcast_in_dim3A_1000 = vector.broadcast %broadcast_in_dim3A_999 : i32 to vector<16xi32>
        %add3A_1001 = arith.addf %gather3A_973, %gather3A_982 : vector<16xf32>
        %add3A_1002 = arith.addf %add3A_1001, %gather3A_991 : vector<16xf32>
        tpu.vector_store_idx %arg19[%add3A_967, %broadcast_in_dim3A_1000], %add3A_1002 : memref<128x8xf32, #tpu.memory_space<vmem>>[vector<16xi32>, vector<16xi32>], vector<16xf32>,
        %broadcast_in_dim3A_1003 = arith.constant 2 : i32
        %broadcast_in_dim3A_1004 = vector.broadcast %broadcast_in_dim3A_1003 : i32 to vector<16xi32>
        %add3A_1005 = arith.addf %gather3A_976, %gather3A_985 : vector<16xf32>
        %add3A_1006 = arith.addf %add3A_1005, %gather3A_994 : vector<16xf32>
        tpu.vector_store_idx %arg19[%add3A_967, %broadcast_in_dim3A_1004], %add3A_1006 : memref<128x8xf32, #tpu.memory_space<vmem>>[vector<16xi32>, vector<16xi32>], vector<16xf32>,
        %broadcast_in_dim3A_1007 = arith.constant 3 : i32
        %broadcast_in_dim3A_1008 = vector.broadcast %broadcast_in_dim3A_1007 : i32 to vector<16xi32>
        tpu.vector_store_idx %arg19[%add3A_967, %broadcast_in_dim3A_1008], %broadcast_in_dim3A_0 : memref<128x8xf32, #tpu.memory_space<vmem>>[vector<16xi32>, vector<16xi32>], vector<16xf32>,
        %sub3A_1009 = arith.subf %gather3A_979, %gather3A_970 : vector<16xf32>
        %sub3A_1010 = arith.subf %gather3A_982, %gather3A_973 : vector<16xf32>
        %sub3A_1011 = arith.subf %gather3A_985, %gather3A_976 : vector<16xf32>
        %sub3A_1012 = arith.subf %gather3A_988, %gather3A_970 : vector<16xf32>
        %sub3A_1013 = arith.subf %gather3A_991, %gather3A_973 : vector<16xf32>
        %sub3A_1014 = arith.subf %gather3A_994, %gather3A_976 : vector<16xf32>
        %mul3A_1015 = arith.mulf %sub3A_1010, %sub3A_1014 : vector<16xf32>
        %mul3A_1016 = arith.mulf %sub3A_1011, %sub3A_1013 : vector<16xf32>
        %sub3A_1017 = arith.subf %mul3A_1015, %mul3A_1016 : vector<16xf32>
        %mul3A_1018 = arith.mulf %sub3A_1011, %sub3A_1012 : vector<16xf32>
        %mul3A_1019 = arith.mulf %sub3A_1009, %sub3A_1014 : vector<16xf32>
        %sub3A_1020 = arith.subf %mul3A_1018, %mul3A_1019 : vector<16xf32>
        %mul3A_1021 = arith.mulf %sub3A_1009, %sub3A_1013 : vector<16xf32>
        %mul3A_1022 = arith.mulf %sub3A_1010, %sub3A_1012 : vector<16xf32>
        %sub3A_1023 = arith.subf %mul3A_1021, %mul3A_1022 : vector<16xf32>
        %mul3A_1024 = arith.mulf %sub3A_1017, %sub3A_1017 : vector<16xf32>
        %mul3A_1025 = arith.mulf %sub3A_1020, %sub3A_1020 : vector<16xf32>
        %add3A_1026 = arith.addf %mul3A_1024, %mul3A_1025 : vector<16xf32>
        %mul3A_1027 = arith.mulf %sub3A_1023, %sub3A_1023 : vector<16xf32>
        %add3A_1028 = arith.addf %add3A_1026, %mul3A_1027 : vector<16xf32>
        %le3A_1029 = arith.constant 1.000000e-24 : f32
        %le3A_1030 = vector.broadcast %le3A_1029 : f32 to vector<16xf32>
        %le3A_1031 = arith.cmpf ole, %add3A_1028, %le3A_1030 : vector<16xf32>
        %bitcast3A_1032 = vector.bitcast %add3A_1028 : vector<16xf32> to vector<16xi32>
        %shift_right_logical3A_1033 = arith.constant 1 : i32
        %shift_right_logical3A_1034 = vector.broadcast %shift_right_logical3A_1033 : i32 to vector<16xi32>
        %shift_right_logical3A_1035 = arith.shrui %bitcast3A_1032, %shift_right_logical3A_1034 : vector<16xi32>
        %sub3A_1036 = arith.constant 1597463007 : i32
        %sub3A_1037 = vector.broadcast %sub3A_1036 : i32 to vector<16xi32>
        %sub3A_1038 = arith.subi %sub3A_1037, %shift_right_logical3A_1035 : vector<16xi32>
        %bitcast3A_1039 = vector.bitcast %sub3A_1038 : vector<16xi32> to vector<16xf32>
        %mul3A_1040 = arith.constant 5.000000e-01 : f32
        %mul3A_1041 = vector.broadcast %mul3A_1040 : f32 to vector<16xf32>
        %mul3A_1042 = arith.mulf %mul3A_1041, %add3A_1028 : vector<16xf32>
        %mul3A_1043 = arith.mulf %mul3A_1042, %bitcast3A_1039 : vector<16xf32>
        %mul3A_1044 = arith.mulf %mul3A_1043, %bitcast3A_1039 : vector<16xf32>
        %sub3A_1045 = arith.constant 1.500000e+00 : f32
        %sub3A_1046 = vector.broadcast %sub3A_1045 : f32 to vector<16xf32>
        %sub3A_1047 = arith.subf %sub3A_1046, %mul3A_1044 : vector<16xf32>
        %mul3A_1048 = arith.mulf %bitcast3A_1039, %sub3A_1047 : vector<16xf32>
        %mul3A_1049 = arith.constant 5.000000e-01 : f32
        %mul3A_1050 = vector.broadcast %mul3A_1049 : f32 to vector<16xf32>
        %mul3A_1051 = arith.mulf %mul3A_1050, %add3A_1028 : vector<16xf32>
        %mul3A_1052 = arith.mulf %mul3A_1051, %mul3A_1048 : vector<16xf32>
        %mul3A_1053 = arith.mulf %mul3A_1052, %mul3A_1048 : vector<16xf32>
        %sub3A_1054 = arith.constant 1.500000e+00 : f32
        %sub3A_1055 = vector.broadcast %sub3A_1054 : f32 to vector<16xf32>
        %sub3A_1056 = arith.subf %sub3A_1055, %mul3A_1053 : vector<16xf32>
        %mul3A_1057 = arith.mulf %mul3A_1048, %sub3A_1056 : vector<16xf32>
        %mul3A_1058 = arith.constant 5.000000e-01 : f32
        %mul3A_1059 = vector.broadcast %mul3A_1058 : f32 to vector<16xf32>
        %mul3A_1060 = arith.mulf %mul3A_1059, %add3A_1028 : vector<16xf32>
        %mul3A_1061 = arith.mulf %mul3A_1060, %mul3A_1057 : vector<16xf32>
        %mul3A_1062 = arith.mulf %mul3A_1061, %mul3A_1057 : vector<16xf32>
        %sub3A_1063 = arith.constant 1.500000e+00 : f32
        %sub3A_1064 = vector.broadcast %sub3A_1063 : f32 to vector<16xf32>
        %sub3A_1065 = arith.subf %sub3A_1064, %mul3A_1062 : vector<16xf32>
        %mul3A_1066 = arith.mulf %mul3A_1057, %sub3A_1065 : vector<16xf32>
        %jit3A_1067 = arith.constant 9.99999995E+11 : f32
        %broadcast_in_dim3A_1068 = vector.broadcast %jit3A_1067 : f32 to vector<16xf32>
        %select_n3A_1069 = arith.select %le3A_1031, %broadcast_in_dim3A_1068, %mul3A_1066 : vector<16xi1>, vector<16xf32>
        %mul3A_1070 = arith.mulf %sub3A_1017, %select_n3A_1069 : vector<16xf32>
        %mul3A_1071 = arith.mulf %sub3A_1020, %select_n3A_1069 : vector<16xf32>
        %mul3A_1072 = arith.mulf %sub3A_1023, %select_n3A_1069 : vector<16xf32>
        %broadcast_in_dim3A_1073 = arith.constant 0 : i32
        %broadcast_in_dim3A_1074 = vector.broadcast %broadcast_in_dim3A_1073 : i32 to vector<16xi32>
        %gather3A_1075 = tpu.vector_load_idx %arg16[%add3A_967, %broadcast_in_dim3A_1074] : memref<128x8xf32, #tpu.memory_space<vmem>>[vector<16xi32>, vector<16xi32>], vector<16xf32>,
        %broadcast_in_dim3A_1076 = arith.constant 1 : i32
        %broadcast_in_dim3A_1077 = vector.broadcast %broadcast_in_dim3A_1076 : i32 to vector<16xi32>
        %gather3A_1078 = tpu.vector_load_idx %arg16[%add3A_967, %broadcast_in_dim3A_1077] : memref<128x8xf32, #tpu.memory_space<vmem>>[vector<16xi32>, vector<16xi32>], vector<16xf32>,
        %broadcast_in_dim3A_1079 = arith.constant 2 : i32
        %broadcast_in_dim3A_1080 = vector.broadcast %broadcast_in_dim3A_1079 : i32 to vector<16xi32>
        %gather3A_1081 = tpu.vector_load_idx %arg16[%add3A_967, %broadcast_in_dim3A_1080] : memref<128x8xf32, #tpu.memory_space<vmem>>[vector<16xi32>, vector<16xi32>], vector<16xf32>,
        %broadcast_in_dim3A_1082 = arith.constant 0 : i32
        %broadcast_in_dim3A_1083 = vector.broadcast %broadcast_in_dim3A_1082 : i32 to vector<16xi32>
        %gather3A_1084 = tpu.vector_load_idx %arg17[%add3A_967, %broadcast_in_dim3A_1083] : memref<128x8xf32, #tpu.memory_space<vmem>>[vector<16xi32>, vector<16xi32>], vector<16xf32>,
        %broadcast_in_dim3A_1085 = arith.constant 1 : i32
        %broadcast_in_dim3A_1086 = vector.broadcast %broadcast_in_dim3A_1085 : i32 to vector<16xi32>
        %gather3A_1087 = tpu.vector_load_idx %arg17[%add3A_967, %broadcast_in_dim3A_1086] : memref<128x8xf32, #tpu.memory_space<vmem>>[vector<16xi32>, vector<16xi32>], vector<16xf32>,
        %broadcast_in_dim3A_1088 = arith.constant 2 : i32
        %broadcast_in_dim3A_1089 = vector.broadcast %broadcast_in_dim3A_1088 : i32 to vector<16xi32>
        %gather3A_1090 = tpu.vector_load_idx %arg17[%add3A_967, %broadcast_in_dim3A_1089] : memref<128x8xf32, #tpu.memory_space<vmem>>[vector<16xi32>, vector<16xi32>], vector<16xf32>,
        %broadcast_in_dim3A_1091 = arith.constant 0 : i32
        %broadcast_in_dim3A_1092 = vector.broadcast %broadcast_in_dim3A_1091 : i32 to vector<16xi32>
        %gather3A_1093 = tpu.vector_load_idx %arg18[%add3A_967, %broadcast_in_dim3A_1092] : memref<128x8xf32, #tpu.memory_space<vmem>>[vector<16xi32>, vector<16xi32>], vector<16xf32>,
        %broadcast_in_dim3A_1094 = arith.constant 1 : i32
        %broadcast_in_dim3A_1095 = vector.broadcast %broadcast_in_dim3A_1094 : i32 to vector<16xi32>
        %gather3A_1096 = tpu.vector_load_idx %arg18[%add3A_967, %broadcast_in_dim3A_1095] : memref<128x8xf32, #tpu.memory_space<vmem>>[vector<16xi32>, vector<16xi32>], vector<16xf32>,
        %broadcast_in_dim3A_1097 = arith.constant 2 : i32
        %broadcast_in_dim3A_1098 = vector.broadcast %broadcast_in_dim3A_1097 : i32 to vector<16xi32>
        %gather3A_1099 = tpu.vector_load_idx %arg18[%add3A_967, %broadcast_in_dim3A_1098] : memref<128x8xf32, #tpu.memory_space<vmem>>[vector<16xi32>, vector<16xi32>], vector<16xf32>,
        %sub3A_1100 = arith.subf %gather3A_1084, %gather3A_1075 : vector<16xf32>
        %sub3A_1101 = arith.subf %gather3A_1087, %gather3A_1078 : vector<16xf32>
        %sub3A_1102 = arith.subf %gather3A_1090, %gather3A_1081 : vector<16xf32>
        %sub3A_1103 = arith.subf %gather3A_1093, %gather3A_1075 : vector<16xf32>
        %sub3A_1104 = arith.subf %gather3A_1096, %gather3A_1078 : vector<16xf32>
        %sub3A_1105 = arith.subf %gather3A_1099, %gather3A_1081 : vector<16xf32>
        %mul3A_1106 = arith.mulf %sub3A_1101, %sub3A_1105 : vector<16xf32>
        %mul3A_1107 = arith.mulf %sub3A_1102, %sub3A_1104 : vector<16xf32>
        %sub3A_1108 = arith.subf %mul3A_1106, %mul3A_1107 : vector<16xf32>
        %mul3A_1109 = arith.mulf %sub3A_1102, %sub3A_1103 : vector<16xf32>
        %mul3A_1110 = arith.mulf %sub3A_1100, %sub3A_1105 : vector<16xf32>
        %sub3A_1111 = arith.subf %mul3A_1109, %mul3A_1110 : vector<16xf32>
        %mul3A_1112 = arith.mulf %sub3A_1100, %sub3A_1104 : vector<16xf32>
        %mul3A_1113 = arith.mulf %sub3A_1101, %sub3A_1103 : vector<16xf32>
        %sub3A_1114 = arith.subf %mul3A_1112, %mul3A_1113 : vector<16xf32>
        %mul3A_1115 = arith.mulf %sub3A_1108, %sub3A_1108 : vector<16xf32>
        %mul3A_1116 = arith.mulf %sub3A_1111, %sub3A_1111 : vector<16xf32>
        %add3A_1117 = arith.addf %mul3A_1115, %mul3A_1116 : vector<16xf32>
        %mul3A_1118 = arith.mulf %sub3A_1114, %sub3A_1114 : vector<16xf32>
        %add3A_1119 = arith.addf %add3A_1117, %mul3A_1118 : vector<16xf32>
        %le3A_1120 = arith.constant 1.000000e-24 : f32
        %le3A_1121 = vector.broadcast %le3A_1120 : f32 to vector<16xf32>
        %le3A_1122 = arith.cmpf ole, %add3A_1119, %le3A_1121 : vector<16xf32>
        %bitcast3A_1123 = vector.bitcast %add3A_1119 : vector<16xf32> to vector<16xi32>
        %shift_right_logical3A_1124 = arith.constant 1 : i32
        %shift_right_logical3A_1125 = vector.broadcast %shift_right_logical3A_1124 : i32 to vector<16xi32>
        %shift_right_logical3A_1126 = arith.shrui %bitcast3A_1123, %shift_right_logical3A_1125 : vector<16xi32>
        %sub3A_1127 = arith.constant 1597463007 : i32
        %sub3A_1128 = vector.broadcast %sub3A_1127 : i32 to vector<16xi32>
        %sub3A_1129 = arith.subi %sub3A_1128, %shift_right_logical3A_1126 : vector<16xi32>
        %bitcast3A_1130 = vector.bitcast %sub3A_1129 : vector<16xi32> to vector<16xf32>
        %mul3A_1131 = arith.constant 5.000000e-01 : f32
        %mul3A_1132 = vector.broadcast %mul3A_1131 : f32 to vector<16xf32>
        %mul3A_1133 = arith.mulf %mul3A_1132, %add3A_1119 : vector<16xf32>
        %mul3A_1134 = arith.mulf %mul3A_1133, %bitcast3A_1130 : vector<16xf32>
        %mul3A_1135 = arith.mulf %mul3A_1134, %bitcast3A_1130 : vector<16xf32>
        %sub3A_1136 = arith.constant 1.500000e+00 : f32
        %sub3A_1137 = vector.broadcast %sub3A_1136 : f32 to vector<16xf32>
        %sub3A_1138 = arith.subf %sub3A_1137, %mul3A_1135 : vector<16xf32>
        %mul3A_1139 = arith.mulf %bitcast3A_1130, %sub3A_1138 : vector<16xf32>
        %mul3A_1140 = arith.constant 5.000000e-01 : f32
        %mul3A_1141 = vector.broadcast %mul3A_1140 : f32 to vector<16xf32>
        %mul3A_1142 = arith.mulf %mul3A_1141, %add3A_1119 : vector<16xf32>
        %mul3A_1143 = arith.mulf %mul3A_1142, %mul3A_1139 : vector<16xf32>
        %mul3A_1144 = arith.mulf %mul3A_1143, %mul3A_1139 : vector<16xf32>
        %sub3A_1145 = arith.constant 1.500000e+00 : f32
        %sub3A_1146 = vector.broadcast %sub3A_1145 : f32 to vector<16xf32>
        %sub3A_1147 = arith.subf %sub3A_1146, %mul3A_1144 : vector<16xf32>
        %mul3A_1148 = arith.mulf %mul3A_1139, %sub3A_1147 : vector<16xf32>
        %mul3A_1149 = arith.constant 5.000000e-01 : f32
        %mul3A_1150 = vector.broadcast %mul3A_1149 : f32 to vector<16xf32>
        %mul3A_1151 = arith.mulf %mul3A_1150, %add3A_1119 : vector<16xf32>
        %mul3A_1152 = arith.mulf %mul3A_1151, %mul3A_1148 : vector<16xf32>
        %mul3A_1153 = arith.mulf %mul3A_1152, %mul3A_1148 : vector<16xf32>
        %sub3A_1154 = arith.constant 1.500000e+00 : f32
        %sub3A_1155 = vector.broadcast %sub3A_1154 : f32 to vector<16xf32>
        %sub3A_1156 = arith.subf %sub3A_1155, %mul3A_1153 : vector<16xf32>
        %mul3A_1157 = arith.mulf %mul3A_1148, %sub3A_1156 : vector<16xf32>
        %jit3A_1158 = arith.constant 9.99999995E+11 : f32
        %broadcast_in_dim3A_1159 = vector.broadcast %jit3A_1158 : f32 to vector<16xf32>
        %select_n3A_1160 = arith.select %le3A_1122, %broadcast_in_dim3A_1159, %mul3A_1157 : vector<16xi1>, vector<16xf32>
        %mul3A_1161 = arith.mulf %sub3A_1108, %select_n3A_1160 : vector<16xf32>
        %mul3A_1162 = arith.mulf %sub3A_1111, %select_n3A_1160 : vector<16xf32>
        %mul3A_1163 = arith.mulf %sub3A_1114, %select_n3A_1160 : vector<16xf32>
        %sub3A_1164 = arith.subf %mul3A_1070, %mul3A_1161 : vector<16xf32>
        %sub3A_1165 = arith.subf %mul3A_1071, %mul3A_1162 : vector<16xf32>
        %sub3A_1166 = arith.subf %mul3A_1072, %mul3A_1163 : vector<16xf32>
        %mul3A_1167 = arith.mulf %sub3A_1164, %sub3A_1164 : vector<16xf32>
        %add3A_1168 = arith.addf %add3A_964, %mul3A_1167 : vector<16xf32>
        %mul3A_1169 = arith.mulf %sub3A_1165, %sub3A_1165 : vector<16xf32>
        %add3A_1170 = arith.addf %add3A_1168, %mul3A_1169 : vector<16xf32>
        %mul3A_1171 = arith.mulf %sub3A_1166, %sub3A_1166 : vector<16xf32>
        %add3A_1172 = arith.addf %add3A_1170, %mul3A_1171 : vector<16xf32>
        %add3A_1173 = arith.constant 80 : i32
        %add3A_1174 = vector.broadcast %add3A_1173 : i32 to vector<16xi32>
        %add3A_1175 = arith.addi %add3A_1174, %iota3A : vector<16xi32>
        %broadcast_in_dim3A_1176 = arith.constant 0 : i32
        %broadcast_in_dim3A_1177 = vector.broadcast %broadcast_in_dim3A_1176 : i32 to vector<16xi32>
        %gather3A_1178 = tpu.vector_load_idx %arg13[%add3A_1175, %broadcast_in_dim3A_1177] : memref<128x8xf32, #tpu.memory_space<vmem>>[vector<16xi32>, vector<16xi32>], vector<16xf32>,
        %broadcast_in_dim3A_1179 = arith.constant 1 : i32
        %broadcast_in_dim3A_1180 = vector.broadcast %broadcast_in_dim3A_1179 : i32 to vector<16xi32>
        %gather3A_1181 = tpu.vector_load_idx %arg13[%add3A_1175, %broadcast_in_dim3A_1180] : memref<128x8xf32, #tpu.memory_space<vmem>>[vector<16xi32>, vector<16xi32>], vector<16xf32>,
        %broadcast_in_dim3A_1182 = arith.constant 2 : i32
        %broadcast_in_dim3A_1183 = vector.broadcast %broadcast_in_dim3A_1182 : i32 to vector<16xi32>
        %gather3A_1184 = tpu.vector_load_idx %arg13[%add3A_1175, %broadcast_in_dim3A_1183] : memref<128x8xf32, #tpu.memory_space<vmem>>[vector<16xi32>, vector<16xi32>], vector<16xf32>,
        %broadcast_in_dim3A_1185 = arith.constant 0 : i32
        %broadcast_in_dim3A_1186 = vector.broadcast %broadcast_in_dim3A_1185 : i32 to vector<16xi32>
        %gather3A_1187 = tpu.vector_load_idx %arg14[%add3A_1175, %broadcast_in_dim3A_1186] : memref<128x8xf32, #tpu.memory_space<vmem>>[vector<16xi32>, vector<16xi32>], vector<16xf32>,
        %broadcast_in_dim3A_1188 = arith.constant 1 : i32
        %broadcast_in_dim3A_1189 = vector.broadcast %broadcast_in_dim3A_1188 : i32 to vector<16xi32>
        %gather3A_1190 = tpu.vector_load_idx %arg14[%add3A_1175, %broadcast_in_dim3A_1189] : memref<128x8xf32, #tpu.memory_space<vmem>>[vector<16xi32>, vector<16xi32>], vector<16xf32>,
        %broadcast_in_dim3A_1191 = arith.constant 2 : i32
        %broadcast_in_dim3A_1192 = vector.broadcast %broadcast_in_dim3A_1191 : i32 to vector<16xi32>
        %gather3A_1193 = tpu.vector_load_idx %arg14[%add3A_1175, %broadcast_in_dim3A_1192] : memref<128x8xf32, #tpu.memory_space<vmem>>[vector<16xi32>, vector<16xi32>], vector<16xf32>,
        %broadcast_in_dim3A_1194 = arith.constant 0 : i32
        %broadcast_in_dim3A_1195 = vector.broadcast %broadcast_in_dim3A_1194 : i32 to vector<16xi32>
        %gather3A_1196 = tpu.vector_load_idx %arg15[%add3A_1175, %broadcast_in_dim3A_1195] : memref<128x8xf32, #tpu.memory_space<vmem>>[vector<16xi32>, vector<16xi32>], vector<16xf32>,
        %broadcast_in_dim3A_1197 = arith.constant 1 : i32
        %broadcast_in_dim3A_1198 = vector.broadcast %broadcast_in_dim3A_1197 : i32 to vector<16xi32>
        %gather3A_1199 = tpu.vector_load_idx %arg15[%add3A_1175, %broadcast_in_dim3A_1198] : memref<128x8xf32, #tpu.memory_space<vmem>>[vector<16xi32>, vector<16xi32>], vector<16xf32>,
        %broadcast_in_dim3A_1200 = arith.constant 2 : i32
        %broadcast_in_dim3A_1201 = vector.broadcast %broadcast_in_dim3A_1200 : i32 to vector<16xi32>
        %gather3A_1202 = tpu.vector_load_idx %arg15[%add3A_1175, %broadcast_in_dim3A_1201] : memref<128x8xf32, #tpu.memory_space<vmem>>[vector<16xi32>, vector<16xi32>], vector<16xf32>,
        %broadcast_in_dim3A_1203 = arith.constant 0 : i32
        %broadcast_in_dim3A_1204 = vector.broadcast %broadcast_in_dim3A_1203 : i32 to vector<16xi32>
        %add3A_1205 = arith.addf %gather3A_1178, %gather3A_1187 : vector<16xf32>
        %add3A_1206 = arith.addf %add3A_1205, %gather3A_1196 : vector<16xf32>
        tpu.vector_store_idx %arg19[%add3A_1175, %broadcast_in_dim3A_1204], %add3A_1206 : memref<128x8xf32, #tpu.memory_space<vmem>>[vector<16xi32>, vector<16xi32>], vector<16xf32>,
        %broadcast_in_dim3A_1207 = arith.constant 1 : i32
        %broadcast_in_dim3A_1208 = vector.broadcast %broadcast_in_dim3A_1207 : i32 to vector<16xi32>
        %add3A_1209 = arith.addf %gather3A_1181, %gather3A_1190 : vector<16xf32>
        %add3A_1210 = arith.addf %add3A_1209, %gather3A_1199 : vector<16xf32>
        tpu.vector_store_idx %arg19[%add3A_1175, %broadcast_in_dim3A_1208], %add3A_1210 : memref<128x8xf32, #tpu.memory_space<vmem>>[vector<16xi32>, vector<16xi32>], vector<16xf32>,
        %broadcast_in_dim3A_1211 = arith.constant 2 : i32
        %broadcast_in_dim3A_1212 = vector.broadcast %broadcast_in_dim3A_1211 : i32 to vector<16xi32>
        %add3A_1213 = arith.addf %gather3A_1184, %gather3A_1193 : vector<16xf32>
        %add3A_1214 = arith.addf %add3A_1213, %gather3A_1202 : vector<16xf32>
        tpu.vector_store_idx %arg19[%add3A_1175, %broadcast_in_dim3A_1212], %add3A_1214 : memref<128x8xf32, #tpu.memory_space<vmem>>[vector<16xi32>, vector<16xi32>], vector<16xf32>,
        %broadcast_in_dim3A_1215 = arith.constant 3 : i32
        %broadcast_in_dim3A_1216 = vector.broadcast %broadcast_in_dim3A_1215 : i32 to vector<16xi32>
        tpu.vector_store_idx %arg19[%add3A_1175, %broadcast_in_dim3A_1216], %broadcast_in_dim3A_0 : memref<128x8xf32, #tpu.memory_space<vmem>>[vector<16xi32>, vector<16xi32>], vector<16xf32>,
        %sub3A_1217 = arith.subf %gather3A_1187, %gather3A_1178 : vector<16xf32>
        %sub3A_1218 = arith.subf %gather3A_1190, %gather3A_1181 : vector<16xf32>
        %sub3A_1219 = arith.subf %gather3A_1193, %gather3A_1184 : vector<16xf32>
        %sub3A_1220 = arith.subf %gather3A_1196, %gather3A_1178 : vector<16xf32>
        %sub3A_1221 = arith.subf %gather3A_1199, %gather3A_1181 : vector<16xf32>
        %sub3A_1222 = arith.subf %gather3A_1202, %gather3A_1184 : vector<16xf32>
        %mul3A_1223 = arith.mulf %sub3A_1218, %sub3A_1222 : vector<16xf32>
        %mul3A_1224 = arith.mulf %sub3A_1219, %sub3A_1221 : vector<16xf32>
        %sub3A_1225 = arith.subf %mul3A_1223, %mul3A_1224 : vector<16xf32>
        %mul3A_1226 = arith.mulf %sub3A_1219, %sub3A_1220 : vector<16xf32>
        %mul3A_1227 = arith.mulf %sub3A_1217, %sub3A_1222 : vector<16xf32>
        %sub3A_1228 = arith.subf %mul3A_1226, %mul3A_1227 : vector<16xf32>
        %mul3A_1229 = arith.mulf %sub3A_1217, %sub3A_1221 : vector<16xf32>
        %mul3A_1230 = arith.mulf %sub3A_1218, %sub3A_1220 : vector<16xf32>
        %sub3A_1231 = arith.subf %mul3A_1229, %mul3A_1230 : vector<16xf32>
        %mul3A_1232 = arith.mulf %sub3A_1225, %sub3A_1225 : vector<16xf32>
        %mul3A_1233 = arith.mulf %sub3A_1228, %sub3A_1228 : vector<16xf32>
        %add3A_1234 = arith.addf %mul3A_1232, %mul3A_1233 : vector<16xf32>
        %mul3A_1235 = arith.mulf %sub3A_1231, %sub3A_1231 : vector<16xf32>
        %add3A_1236 = arith.addf %add3A_1234, %mul3A_1235 : vector<16xf32>
        %le3A_1237 = arith.constant 1.000000e-24 : f32
        %le3A_1238 = vector.broadcast %le3A_1237 : f32 to vector<16xf32>
        %le3A_1239 = arith.cmpf ole, %add3A_1236, %le3A_1238 : vector<16xf32>
        %bitcast3A_1240 = vector.bitcast %add3A_1236 : vector<16xf32> to vector<16xi32>
        %shift_right_logical3A_1241 = arith.constant 1 : i32
        %shift_right_logical3A_1242 = vector.broadcast %shift_right_logical3A_1241 : i32 to vector<16xi32>
        %shift_right_logical3A_1243 = arith.shrui %bitcast3A_1240, %shift_right_logical3A_1242 : vector<16xi32>
        %sub3A_1244 = arith.constant 1597463007 : i32
        %sub3A_1245 = vector.broadcast %sub3A_1244 : i32 to vector<16xi32>
        %sub3A_1246 = arith.subi %sub3A_1245, %shift_right_logical3A_1243 : vector<16xi32>
        %bitcast3A_1247 = vector.bitcast %sub3A_1246 : vector<16xi32> to vector<16xf32>
        %mul3A_1248 = arith.constant 5.000000e-01 : f32
        %mul3A_1249 = vector.broadcast %mul3A_1248 : f32 to vector<16xf32>
        %mul3A_1250 = arith.mulf %mul3A_1249, %add3A_1236 : vector<16xf32>
        %mul3A_1251 = arith.mulf %mul3A_1250, %bitcast3A_1247 : vector<16xf32>
        %mul3A_1252 = arith.mulf %mul3A_1251, %bitcast3A_1247 : vector<16xf32>
        %sub3A_1253 = arith.constant 1.500000e+00 : f32
        %sub3A_1254 = vector.broadcast %sub3A_1253 : f32 to vector<16xf32>
        %sub3A_1255 = arith.subf %sub3A_1254, %mul3A_1252 : vector<16xf32>
        %mul3A_1256 = arith.mulf %bitcast3A_1247, %sub3A_1255 : vector<16xf32>
        %mul3A_1257 = arith.constant 5.000000e-01 : f32
        %mul3A_1258 = vector.broadcast %mul3A_1257 : f32 to vector<16xf32>
        %mul3A_1259 = arith.mulf %mul3A_1258, %add3A_1236 : vector<16xf32>
        %mul3A_1260 = arith.mulf %mul3A_1259, %mul3A_1256 : vector<16xf32>
        %mul3A_1261 = arith.mulf %mul3A_1260, %mul3A_1256 : vector<16xf32>
        %sub3A_1262 = arith.constant 1.500000e+00 : f32
        %sub3A_1263 = vector.broadcast %sub3A_1262 : f32 to vector<16xf32>
        %sub3A_1264 = arith.subf %sub3A_1263, %mul3A_1261 : vector<16xf32>
        %mul3A_1265 = arith.mulf %mul3A_1256, %sub3A_1264 : vector<16xf32>
        %mul3A_1266 = arith.constant 5.000000e-01 : f32
        %mul3A_1267 = vector.broadcast %mul3A_1266 : f32 to vector<16xf32>
        %mul3A_1268 = arith.mulf %mul3A_1267, %add3A_1236 : vector<16xf32>
        %mul3A_1269 = arith.mulf %mul3A_1268, %mul3A_1265 : vector<16xf32>
        %mul3A_1270 = arith.mulf %mul3A_1269, %mul3A_1265 : vector<16xf32>
        %sub3A_1271 = arith.constant 1.500000e+00 : f32
        %sub3A_1272 = vector.broadcast %sub3A_1271 : f32 to vector<16xf32>
        %sub3A_1273 = arith.subf %sub3A_1272, %mul3A_1270 : vector<16xf32>
        %mul3A_1274 = arith.mulf %mul3A_1265, %sub3A_1273 : vector<16xf32>
        %jit3A_1275 = arith.constant 9.99999995E+11 : f32
        %broadcast_in_dim3A_1276 = vector.broadcast %jit3A_1275 : f32 to vector<16xf32>
        %select_n3A_1277 = arith.select %le3A_1239, %broadcast_in_dim3A_1276, %mul3A_1274 : vector<16xi1>, vector<16xf32>
        %mul3A_1278 = arith.mulf %sub3A_1225, %select_n3A_1277 : vector<16xf32>
        %mul3A_1279 = arith.mulf %sub3A_1228, %select_n3A_1277 : vector<16xf32>
        %mul3A_1280 = arith.mulf %sub3A_1231, %select_n3A_1277 : vector<16xf32>
        %broadcast_in_dim3A_1281 = arith.constant 0 : i32
        %broadcast_in_dim3A_1282 = vector.broadcast %broadcast_in_dim3A_1281 : i32 to vector<16xi32>
        %gather3A_1283 = tpu.vector_load_idx %arg16[%add3A_1175, %broadcast_in_dim3A_1282] : memref<128x8xf32, #tpu.memory_space<vmem>>[vector<16xi32>, vector<16xi32>], vector<16xf32>,
        %broadcast_in_dim3A_1284 = arith.constant 1 : i32
        %broadcast_in_dim3A_1285 = vector.broadcast %broadcast_in_dim3A_1284 : i32 to vector<16xi32>
        %gather3A_1286 = tpu.vector_load_idx %arg16[%add3A_1175, %broadcast_in_dim3A_1285] : memref<128x8xf32, #tpu.memory_space<vmem>>[vector<16xi32>, vector<16xi32>], vector<16xf32>,
        %broadcast_in_dim3A_1287 = arith.constant 2 : i32
        %broadcast_in_dim3A_1288 = vector.broadcast %broadcast_in_dim3A_1287 : i32 to vector<16xi32>
        %gather3A_1289 = tpu.vector_load_idx %arg16[%add3A_1175, %broadcast_in_dim3A_1288] : memref<128x8xf32, #tpu.memory_space<vmem>>[vector<16xi32>, vector<16xi32>], vector<16xf32>,
        %broadcast_in_dim3A_1290 = arith.constant 0 : i32
        %broadcast_in_dim3A_1291 = vector.broadcast %broadcast_in_dim3A_1290 : i32 to vector<16xi32>
        %gather3A_1292 = tpu.vector_load_idx %arg17[%add3A_1175, %broadcast_in_dim3A_1291] : memref<128x8xf32, #tpu.memory_space<vmem>>[vector<16xi32>, vector<16xi32>], vector<16xf32>,
        %broadcast_in_dim3A_1293 = arith.constant 1 : i32
        %broadcast_in_dim3A_1294 = vector.broadcast %broadcast_in_dim3A_1293 : i32 to vector<16xi32>
        %gather3A_1295 = tpu.vector_load_idx %arg17[%add3A_1175, %broadcast_in_dim3A_1294] : memref<128x8xf32, #tpu.memory_space<vmem>>[vector<16xi32>, vector<16xi32>], vector<16xf32>,
        %broadcast_in_dim3A_1296 = arith.constant 2 : i32
        %broadcast_in_dim3A_1297 = vector.broadcast %broadcast_in_dim3A_1296 : i32 to vector<16xi32>
        %gather3A_1298 = tpu.vector_load_idx %arg17[%add3A_1175, %broadcast_in_dim3A_1297] : memref<128x8xf32, #tpu.memory_space<vmem>>[vector<16xi32>, vector<16xi32>], vector<16xf32>,
        %broadcast_in_dim3A_1299 = arith.constant 0 : i32
        %broadcast_in_dim3A_1300 = vector.broadcast %broadcast_in_dim3A_1299 : i32 to vector<16xi32>
        %gather3A_1301 = tpu.vector_load_idx %arg18[%add3A_1175, %broadcast_in_dim3A_1300] : memref<128x8xf32, #tpu.memory_space<vmem>>[vector<16xi32>, vector<16xi32>], vector<16xf32>,
        %broadcast_in_dim3A_1302 = arith.constant 1 : i32
        %broadcast_in_dim3A_1303 = vector.broadcast %broadcast_in_dim3A_1302 : i32 to vector<16xi32>
        %gather3A_1304 = tpu.vector_load_idx %arg18[%add3A_1175, %broadcast_in_dim3A_1303] : memref<128x8xf32, #tpu.memory_space<vmem>>[vector<16xi32>, vector<16xi32>], vector<16xf32>,
        %broadcast_in_dim3A_1305 = arith.constant 2 : i32
        %broadcast_in_dim3A_1306 = vector.broadcast %broadcast_in_dim3A_1305 : i32 to vector<16xi32>
        %gather3A_1307 = tpu.vector_load_idx %arg18[%add3A_1175, %broadcast_in_dim3A_1306] : memref<128x8xf32, #tpu.memory_space<vmem>>[vector<16xi32>, vector<16xi32>], vector<16xf32>,
        %sub3A_1308 = arith.subf %gather3A_1292, %gather3A_1283 : vector<16xf32>
        %sub3A_1309 = arith.subf %gather3A_1295, %gather3A_1286 : vector<16xf32>
        %sub3A_1310 = arith.subf %gather3A_1298, %gather3A_1289 : vector<16xf32>
        %sub3A_1311 = arith.subf %gather3A_1301, %gather3A_1283 : vector<16xf32>
        %sub3A_1312 = arith.subf %gather3A_1304, %gather3A_1286 : vector<16xf32>
        %sub3A_1313 = arith.subf %gather3A_1307, %gather3A_1289 : vector<16xf32>
        %mul3A_1314 = arith.mulf %sub3A_1309, %sub3A_1313 : vector<16xf32>
        %mul3A_1315 = arith.mulf %sub3A_1310, %sub3A_1312 : vector<16xf32>
        %sub3A_1316 = arith.subf %mul3A_1314, %mul3A_1315 : vector<16xf32>
        %mul3A_1317 = arith.mulf %sub3A_1310, %sub3A_1311 : vector<16xf32>
        %mul3A_1318 = arith.mulf %sub3A_1308, %sub3A_1313 : vector<16xf32>
        %sub3A_1319 = arith.subf %mul3A_1317, %mul3A_1318 : vector<16xf32>
        %mul3A_1320 = arith.mulf %sub3A_1308, %sub3A_1312 : vector<16xf32>
        %mul3A_1321 = arith.mulf %sub3A_1309, %sub3A_1311 : vector<16xf32>
        %sub3A_1322 = arith.subf %mul3A_1320, %mul3A_1321 : vector<16xf32>
        %mul3A_1323 = arith.mulf %sub3A_1316, %sub3A_1316 : vector<16xf32>
        %mul3A_1324 = arith.mulf %sub3A_1319, %sub3A_1319 : vector<16xf32>
        %add3A_1325 = arith.addf %mul3A_1323, %mul3A_1324 : vector<16xf32>
        %mul3A_1326 = arith.mulf %sub3A_1322, %sub3A_1322 : vector<16xf32>
        %add3A_1327 = arith.addf %add3A_1325, %mul3A_1326 : vector<16xf32>
        %le3A_1328 = arith.constant 1.000000e-24 : f32
        %le3A_1329 = vector.broadcast %le3A_1328 : f32 to vector<16xf32>
        %le3A_1330 = arith.cmpf ole, %add3A_1327, %le3A_1329 : vector<16xf32>
        %bitcast3A_1331 = vector.bitcast %add3A_1327 : vector<16xf32> to vector<16xi32>
        %shift_right_logical3A_1332 = arith.constant 1 : i32
        %shift_right_logical3A_1333 = vector.broadcast %shift_right_logical3A_1332 : i32 to vector<16xi32>
        %shift_right_logical3A_1334 = arith.shrui %bitcast3A_1331, %shift_right_logical3A_1333 : vector<16xi32>
        %sub3A_1335 = arith.constant 1597463007 : i32
        %sub3A_1336 = vector.broadcast %sub3A_1335 : i32 to vector<16xi32>
        %sub3A_1337 = arith.subi %sub3A_1336, %shift_right_logical3A_1334 : vector<16xi32>
        %bitcast3A_1338 = vector.bitcast %sub3A_1337 : vector<16xi32> to vector<16xf32>
        %mul3A_1339 = arith.constant 5.000000e-01 : f32
        %mul3A_1340 = vector.broadcast %mul3A_1339 : f32 to vector<16xf32>
        %mul3A_1341 = arith.mulf %mul3A_1340, %add3A_1327 : vector<16xf32>
        %mul3A_1342 = arith.mulf %mul3A_1341, %bitcast3A_1338 : vector<16xf32>
        %mul3A_1343 = arith.mulf %mul3A_1342, %bitcast3A_1338 : vector<16xf32>
        %sub3A_1344 = arith.constant 1.500000e+00 : f32
        %sub3A_1345 = vector.broadcast %sub3A_1344 : f32 to vector<16xf32>
        %sub3A_1346 = arith.subf %sub3A_1345, %mul3A_1343 : vector<16xf32>
        %mul3A_1347 = arith.mulf %bitcast3A_1338, %sub3A_1346 : vector<16xf32>
        %mul3A_1348 = arith.constant 5.000000e-01 : f32
        %mul3A_1349 = vector.broadcast %mul3A_1348 : f32 to vector<16xf32>
        %mul3A_1350 = arith.mulf %mul3A_1349, %add3A_1327 : vector<16xf32>
        %mul3A_1351 = arith.mulf %mul3A_1350, %mul3A_1347 : vector<16xf32>
        %mul3A_1352 = arith.mulf %mul3A_1351, %mul3A_1347 : vector<16xf32>
        %sub3A_1353 = arith.constant 1.500000e+00 : f32
        %sub3A_1354 = vector.broadcast %sub3A_1353 : f32 to vector<16xf32>
        %sub3A_1355 = arith.subf %sub3A_1354, %mul3A_1352 : vector<16xf32>
        %mul3A_1356 = arith.mulf %mul3A_1347, %sub3A_1355 : vector<16xf32>
        %mul3A_1357 = arith.constant 5.000000e-01 : f32
        %mul3A_1358 = vector.broadcast %mul3A_1357 : f32 to vector<16xf32>
        %mul3A_1359 = arith.mulf %mul3A_1358, %add3A_1327 : vector<16xf32>
        %mul3A_1360 = arith.mulf %mul3A_1359, %mul3A_1356 : vector<16xf32>
        %mul3A_1361 = arith.mulf %mul3A_1360, %mul3A_1356 : vector<16xf32>
        %sub3A_1362 = arith.constant 1.500000e+00 : f32
        %sub3A_1363 = vector.broadcast %sub3A_1362 : f32 to vector<16xf32>
        %sub3A_1364 = arith.subf %sub3A_1363, %mul3A_1361 : vector<16xf32>
        %mul3A_1365 = arith.mulf %mul3A_1356, %sub3A_1364 : vector<16xf32>
        %jit3A_1366 = arith.constant 9.99999995E+11 : f32
        %broadcast_in_dim3A_1367 = vector.broadcast %jit3A_1366 : f32 to vector<16xf32>
        %select_n3A_1368 = arith.select %le3A_1330, %broadcast_in_dim3A_1367, %mul3A_1365 : vector<16xi1>, vector<16xf32>
        %mul3A_1369 = arith.mulf %sub3A_1316, %select_n3A_1368 : vector<16xf32>
        %mul3A_1370 = arith.mulf %sub3A_1319, %select_n3A_1368 : vector<16xf32>
        %mul3A_1371 = arith.mulf %sub3A_1322, %select_n3A_1368 : vector<16xf32>
        %sub3A_1372 = arith.subf %mul3A_1278, %mul3A_1369 : vector<16xf32>
        %sub3A_1373 = arith.subf %mul3A_1279, %mul3A_1370 : vector<16xf32>
        %sub3A_1374 = arith.subf %mul3A_1280, %mul3A_1371 : vector<16xf32>
        %mul3A_1375 = arith.mulf %sub3A_1372, %sub3A_1372 : vector<16xf32>
        %add3A_1376 = arith.addf %add3A_1172, %mul3A_1375 : vector<16xf32>
        %mul3A_1377 = arith.mulf %sub3A_1373, %sub3A_1373 : vector<16xf32>
        %add3A_1378 = arith.addf %add3A_1376, %mul3A_1377 : vector<16xf32>
        %mul3A_1379 = arith.mulf %sub3A_1374, %sub3A_1374 : vector<16xf32>
        %add3A_1380 = arith.addf %add3A_1378, %mul3A_1379 : vector<16xf32>
        %add3A_1381 = arith.constant 96 : i32
        %add3A_1382 = vector.broadcast %add3A_1381 : i32 to vector<16xi32>
        %add3A_1383 = arith.addi %add3A_1382, %iota3A : vector<16xi32>
        %broadcast_in_dim3A_1384 = arith.constant 0 : i32
        %broadcast_in_dim3A_1385 = vector.broadcast %broadcast_in_dim3A_1384 : i32 to vector<16xi32>
        %gather3A_1386 = tpu.vector_load_idx %arg13[%add3A_1383, %broadcast_in_dim3A_1385] : memref<128x8xf32, #tpu.memory_space<vmem>>[vector<16xi32>, vector<16xi32>], vector<16xf32>,
        %broadcast_in_dim3A_1387 = arith.constant 1 : i32
        %broadcast_in_dim3A_1388 = vector.broadcast %broadcast_in_dim3A_1387 : i32 to vector<16xi32>
        %gather3A_1389 = tpu.vector_load_idx %arg13[%add3A_1383, %broadcast_in_dim3A_1388] : memref<128x8xf32, #tpu.memory_space<vmem>>[vector<16xi32>, vector<16xi32>], vector<16xf32>,
        %broadcast_in_dim3A_1390 = arith.constant 2 : i32
        %broadcast_in_dim3A_1391 = vector.broadcast %broadcast_in_dim3A_1390 : i32 to vector<16xi32>
        %gather3A_1392 = tpu.vector_load_idx %arg13[%add3A_1383, %broadcast_in_dim3A_1391] : memref<128x8xf32, #tpu.memory_space<vmem>>[vector<16xi32>, vector<16xi32>], vector<16xf32>,
        %broadcast_in_dim3A_1393 = arith.constant 0 : i32
        %broadcast_in_dim3A_1394 = vector.broadcast %broadcast_in_dim3A_1393 : i32 to vector<16xi32>
        %gather3A_1395 = tpu.vector_load_idx %arg14[%add3A_1383, %broadcast_in_dim3A_1394] : memref<128x8xf32, #tpu.memory_space<vmem>>[vector<16xi32>, vector<16xi32>], vector<16xf32>,
        %broadcast_in_dim3A_1396 = arith.constant 1 : i32
        %broadcast_in_dim3A_1397 = vector.broadcast %broadcast_in_dim3A_1396 : i32 to vector<16xi32>
        %gather3A_1398 = tpu.vector_load_idx %arg14[%add3A_1383, %broadcast_in_dim3A_1397] : memref<128x8xf32, #tpu.memory_space<vmem>>[vector<16xi32>, vector<16xi32>], vector<16xf32>,
        %broadcast_in_dim3A_1399 = arith.constant 2 : i32
        %broadcast_in_dim3A_1400 = vector.broadcast %broadcast_in_dim3A_1399 : i32 to vector<16xi32>
        %gather3A_1401 = tpu.vector_load_idx %arg14[%add3A_1383, %broadcast_in_dim3A_1400] : memref<128x8xf32, #tpu.memory_space<vmem>>[vector<16xi32>, vector<16xi32>], vector<16xf32>,
        %broadcast_in_dim3A_1402 = arith.constant 0 : i32
        %broadcast_in_dim3A_1403 = vector.broadcast %broadcast_in_dim3A_1402 : i32 to vector<16xi32>
        %gather3A_1404 = tpu.vector_load_idx %arg15[%add3A_1383, %broadcast_in_dim3A_1403] : memref<128x8xf32, #tpu.memory_space<vmem>>[vector<16xi32>, vector<16xi32>], vector<16xf32>,
        %broadcast_in_dim3A_1405 = arith.constant 1 : i32
        %broadcast_in_dim3A_1406 = vector.broadcast %broadcast_in_dim3A_1405 : i32 to vector<16xi32>
        %gather3A_1407 = tpu.vector_load_idx %arg15[%add3A_1383, %broadcast_in_dim3A_1406] : memref<128x8xf32, #tpu.memory_space<vmem>>[vector<16xi32>, vector<16xi32>], vector<16xf32>,
        %broadcast_in_dim3A_1408 = arith.constant 2 : i32
        %broadcast_in_dim3A_1409 = vector.broadcast %broadcast_in_dim3A_1408 : i32 to vector<16xi32>
        %gather3A_1410 = tpu.vector_load_idx %arg15[%add3A_1383, %broadcast_in_dim3A_1409] : memref<128x8xf32, #tpu.memory_space<vmem>>[vector<16xi32>, vector<16xi32>], vector<16xf32>,
        %broadcast_in_dim3A_1411 = arith.constant 0 : i32
        %broadcast_in_dim3A_1412 = vector.broadcast %broadcast_in_dim3A_1411 : i32 to vector<16xi32>
        %add3A_1413 = arith.addf %gather3A_1386, %gather3A_1395 : vector<16xf32>
        %add3A_1414 = arith.addf %add3A_1413, %gather3A_1404 : vector<16xf32>
        tpu.vector_store_idx %arg19[%add3A_1383, %broadcast_in_dim3A_1412], %add3A_1414 : memref<128x8xf32, #tpu.memory_space<vmem>>[vector<16xi32>, vector<16xi32>], vector<16xf32>,
        %broadcast_in_dim3A_1415 = arith.constant 1 : i32
        %broadcast_in_dim3A_1416 = vector.broadcast %broadcast_in_dim3A_1415 : i32 to vector<16xi32>
        %add3A_1417 = arith.addf %gather3A_1389, %gather3A_1398 : vector<16xf32>
        %add3A_1418 = arith.addf %add3A_1417, %gather3A_1407 : vector<16xf32>
        tpu.vector_store_idx %arg19[%add3A_1383, %broadcast_in_dim3A_1416], %add3A_1418 : memref<128x8xf32, #tpu.memory_space<vmem>>[vector<16xi32>, vector<16xi32>], vector<16xf32>,
        %broadcast_in_dim3A_1419 = arith.constant 2 : i32
        %broadcast_in_dim3A_1420 = vector.broadcast %broadcast_in_dim3A_1419 : i32 to vector<16xi32>
        %add3A_1421 = arith.addf %gather3A_1392, %gather3A_1401 : vector<16xf32>
        %add3A_1422 = arith.addf %add3A_1421, %gather3A_1410 : vector<16xf32>
        tpu.vector_store_idx %arg19[%add3A_1383, %broadcast_in_dim3A_1420], %add3A_1422 : memref<128x8xf32, #tpu.memory_space<vmem>>[vector<16xi32>, vector<16xi32>], vector<16xf32>,
        %broadcast_in_dim3A_1423 = arith.constant 3 : i32
        %broadcast_in_dim3A_1424 = vector.broadcast %broadcast_in_dim3A_1423 : i32 to vector<16xi32>
        tpu.vector_store_idx %arg19[%add3A_1383, %broadcast_in_dim3A_1424], %broadcast_in_dim3A_0 : memref<128x8xf32, #tpu.memory_space<vmem>>[vector<16xi32>, vector<16xi32>], vector<16xf32>,
        %sub3A_1425 = arith.subf %gather3A_1395, %gather3A_1386 : vector<16xf32>
        %sub3A_1426 = arith.subf %gather3A_1398, %gather3A_1389 : vector<16xf32>
        %sub3A_1427 = arith.subf %gather3A_1401, %gather3A_1392 : vector<16xf32>
        %sub3A_1428 = arith.subf %gather3A_1404, %gather3A_1386 : vector<16xf32>
        %sub3A_1429 = arith.subf %gather3A_1407, %gather3A_1389 : vector<16xf32>
        %sub3A_1430 = arith.subf %gather3A_1410, %gather3A_1392 : vector<16xf32>
        %mul3A_1431 = arith.mulf %sub3A_1426, %sub3A_1430 : vector<16xf32>
        %mul3A_1432 = arith.mulf %sub3A_1427, %sub3A_1429 : vector<16xf32>
        %sub3A_1433 = arith.subf %mul3A_1431, %mul3A_1432 : vector<16xf32>
        %mul3A_1434 = arith.mulf %sub3A_1427, %sub3A_1428 : vector<16xf32>
        %mul3A_1435 = arith.mulf %sub3A_1425, %sub3A_1430 : vector<16xf32>
        %sub3A_1436 = arith.subf %mul3A_1434, %mul3A_1435 : vector<16xf32>
        %mul3A_1437 = arith.mulf %sub3A_1425, %sub3A_1429 : vector<16xf32>
        %mul3A_1438 = arith.mulf %sub3A_1426, %sub3A_1428 : vector<16xf32>
        %sub3A_1439 = arith.subf %mul3A_1437, %mul3A_1438 : vector<16xf32>
        %mul3A_1440 = arith.mulf %sub3A_1433, %sub3A_1433 : vector<16xf32>
        %mul3A_1441 = arith.mulf %sub3A_1436, %sub3A_1436 : vector<16xf32>
        %add3A_1442 = arith.addf %mul3A_1440, %mul3A_1441 : vector<16xf32>
        %mul3A_1443 = arith.mulf %sub3A_1439, %sub3A_1439 : vector<16xf32>
        %add3A_1444 = arith.addf %add3A_1442, %mul3A_1443 : vector<16xf32>
        %le3A_1445 = arith.constant 1.000000e-24 : f32
        %le3A_1446 = vector.broadcast %le3A_1445 : f32 to vector<16xf32>
        %le3A_1447 = arith.cmpf ole, %add3A_1444, %le3A_1446 : vector<16xf32>
        %bitcast3A_1448 = vector.bitcast %add3A_1444 : vector<16xf32> to vector<16xi32>
        %shift_right_logical3A_1449 = arith.constant 1 : i32
        %shift_right_logical3A_1450 = vector.broadcast %shift_right_logical3A_1449 : i32 to vector<16xi32>
        %shift_right_logical3A_1451 = arith.shrui %bitcast3A_1448, %shift_right_logical3A_1450 : vector<16xi32>
        %sub3A_1452 = arith.constant 1597463007 : i32
        %sub3A_1453 = vector.broadcast %sub3A_1452 : i32 to vector<16xi32>
        %sub3A_1454 = arith.subi %sub3A_1453, %shift_right_logical3A_1451 : vector<16xi32>
        %bitcast3A_1455 = vector.bitcast %sub3A_1454 : vector<16xi32> to vector<16xf32>
        %mul3A_1456 = arith.constant 5.000000e-01 : f32
        %mul3A_1457 = vector.broadcast %mul3A_1456 : f32 to vector<16xf32>
        %mul3A_1458 = arith.mulf %mul3A_1457, %add3A_1444 : vector<16xf32>
        %mul3A_1459 = arith.mulf %mul3A_1458, %bitcast3A_1455 : vector<16xf32>
        %mul3A_1460 = arith.mulf %mul3A_1459, %bitcast3A_1455 : vector<16xf32>
        %sub3A_1461 = arith.constant 1.500000e+00 : f32
        %sub3A_1462 = vector.broadcast %sub3A_1461 : f32 to vector<16xf32>
        %sub3A_1463 = arith.subf %sub3A_1462, %mul3A_1460 : vector<16xf32>
        %mul3A_1464 = arith.mulf %bitcast3A_1455, %sub3A_1463 : vector<16xf32>
        %mul3A_1465 = arith.constant 5.000000e-01 : f32
        %mul3A_1466 = vector.broadcast %mul3A_1465 : f32 to vector<16xf32>
        %mul3A_1467 = arith.mulf %mul3A_1466, %add3A_1444 : vector<16xf32>
        %mul3A_1468 = arith.mulf %mul3A_1467, %mul3A_1464 : vector<16xf32>
        %mul3A_1469 = arith.mulf %mul3A_1468, %mul3A_1464 : vector<16xf32>
        %sub3A_1470 = arith.constant 1.500000e+00 : f32
        %sub3A_1471 = vector.broadcast %sub3A_1470 : f32 to vector<16xf32>
        %sub3A_1472 = arith.subf %sub3A_1471, %mul3A_1469 : vector<16xf32>
        %mul3A_1473 = arith.mulf %mul3A_1464, %sub3A_1472 : vector<16xf32>
        %mul3A_1474 = arith.constant 5.000000e-01 : f32
        %mul3A_1475 = vector.broadcast %mul3A_1474 : f32 to vector<16xf32>
        %mul3A_1476 = arith.mulf %mul3A_1475, %add3A_1444 : vector<16xf32>
        %mul3A_1477 = arith.mulf %mul3A_1476, %mul3A_1473 : vector<16xf32>
        %mul3A_1478 = arith.mulf %mul3A_1477, %mul3A_1473 : vector<16xf32>
        %sub3A_1479 = arith.constant 1.500000e+00 : f32
        %sub3A_1480 = vector.broadcast %sub3A_1479 : f32 to vector<16xf32>
        %sub3A_1481 = arith.subf %sub3A_1480, %mul3A_1478 : vector<16xf32>
        %mul3A_1482 = arith.mulf %mul3A_1473, %sub3A_1481 : vector<16xf32>
        %jit3A_1483 = arith.constant 9.99999995E+11 : f32
        %broadcast_in_dim3A_1484 = vector.broadcast %jit3A_1483 : f32 to vector<16xf32>
        %select_n3A_1485 = arith.select %le3A_1447, %broadcast_in_dim3A_1484, %mul3A_1482 : vector<16xi1>, vector<16xf32>
        %mul3A_1486 = arith.mulf %sub3A_1433, %select_n3A_1485 : vector<16xf32>
        %mul3A_1487 = arith.mulf %sub3A_1436, %select_n3A_1485 : vector<16xf32>
        %mul3A_1488 = arith.mulf %sub3A_1439, %select_n3A_1485 : vector<16xf32>
        %broadcast_in_dim3A_1489 = arith.constant 0 : i32
        %broadcast_in_dim3A_1490 = vector.broadcast %broadcast_in_dim3A_1489 : i32 to vector<16xi32>
        %gather3A_1491 = tpu.vector_load_idx %arg16[%add3A_1383, %broadcast_in_dim3A_1490] : memref<128x8xf32, #tpu.memory_space<vmem>>[vector<16xi32>, vector<16xi32>], vector<16xf32>,
        %broadcast_in_dim3A_1492 = arith.constant 1 : i32
        %broadcast_in_dim3A_1493 = vector.broadcast %broadcast_in_dim3A_1492 : i32 to vector<16xi32>
        %gather3A_1494 = tpu.vector_load_idx %arg16[%add3A_1383, %broadcast_in_dim3A_1493] : memref<128x8xf32, #tpu.memory_space<vmem>>[vector<16xi32>, vector<16xi32>], vector<16xf32>,
        %broadcast_in_dim3A_1495 = arith.constant 2 : i32
        %broadcast_in_dim3A_1496 = vector.broadcast %broadcast_in_dim3A_1495 : i32 to vector<16xi32>
        %gather3A_1497 = tpu.vector_load_idx %arg16[%add3A_1383, %broadcast_in_dim3A_1496] : memref<128x8xf32, #tpu.memory_space<vmem>>[vector<16xi32>, vector<16xi32>], vector<16xf32>,
        %broadcast_in_dim3A_1498 = arith.constant 0 : i32
        %broadcast_in_dim3A_1499 = vector.broadcast %broadcast_in_dim3A_1498 : i32 to vector<16xi32>
        %gather3A_1500 = tpu.vector_load_idx %arg17[%add3A_1383, %broadcast_in_dim3A_1499] : memref<128x8xf32, #tpu.memory_space<vmem>>[vector<16xi32>, vector<16xi32>], vector<16xf32>,
        %broadcast_in_dim3A_1501 = arith.constant 1 : i32
        %broadcast_in_dim3A_1502 = vector.broadcast %broadcast_in_dim3A_1501 : i32 to vector<16xi32>
        %gather3A_1503 = tpu.vector_load_idx %arg17[%add3A_1383, %broadcast_in_dim3A_1502] : memref<128x8xf32, #tpu.memory_space<vmem>>[vector<16xi32>, vector<16xi32>], vector<16xf32>,
        %broadcast_in_dim3A_1504 = arith.constant 2 : i32
        %broadcast_in_dim3A_1505 = vector.broadcast %broadcast_in_dim3A_1504 : i32 to vector<16xi32>
        %gather3A_1506 = tpu.vector_load_idx %arg17[%add3A_1383, %broadcast_in_dim3A_1505] : memref<128x8xf32, #tpu.memory_space<vmem>>[vector<16xi32>, vector<16xi32>], vector<16xf32>,
        %broadcast_in_dim3A_1507 = arith.constant 0 : i32
        %broadcast_in_dim3A_1508 = vector.broadcast %broadcast_in_dim3A_1507 : i32 to vector<16xi32>
        %gather3A_1509 = tpu.vector_load_idx %arg18[%add3A_1383, %broadcast_in_dim3A_1508] : memref<128x8xf32, #tpu.memory_space<vmem>>[vector<16xi32>, vector<16xi32>], vector<16xf32>,
        %broadcast_in_dim3A_1510 = arith.constant 1 : i32
        %broadcast_in_dim3A_1511 = vector.broadcast %broadcast_in_dim3A_1510 : i32 to vector<16xi32>
        %gather3A_1512 = tpu.vector_load_idx %arg18[%add3A_1383, %broadcast_in_dim3A_1511] : memref<128x8xf32, #tpu.memory_space<vmem>>[vector<16xi32>, vector<16xi32>], vector<16xf32>,
        %broadcast_in_dim3A_1513 = arith.constant 2 : i32
        %broadcast_in_dim3A_1514 = vector.broadcast %broadcast_in_dim3A_1513 : i32 to vector<16xi32>
        %gather3A_1515 = tpu.vector_load_idx %arg18[%add3A_1383, %broadcast_in_dim3A_1514] : memref<128x8xf32, #tpu.memory_space<vmem>>[vector<16xi32>, vector<16xi32>], vector<16xf32>,
        %sub3A_1516 = arith.subf %gather3A_1500, %gather3A_1491 : vector<16xf32>
        %sub3A_1517 = arith.subf %gather3A_1503, %gather3A_1494 : vector<16xf32>
        %sub3A_1518 = arith.subf %gather3A_1506, %gather3A_1497 : vector<16xf32>
        %sub3A_1519 = arith.subf %gather3A_1509, %gather3A_1491 : vector<16xf32>
        %sub3A_1520 = arith.subf %gather3A_1512, %gather3A_1494 : vector<16xf32>
        %sub3A_1521 = arith.subf %gather3A_1515, %gather3A_1497 : vector<16xf32>
        %mul3A_1522 = arith.mulf %sub3A_1517, %sub3A_1521 : vector<16xf32>
        %mul3A_1523 = arith.mulf %sub3A_1518, %sub3A_1520 : vector<16xf32>
        %sub3A_1524 = arith.subf %mul3A_1522, %mul3A_1523 : vector<16xf32>
        %mul3A_1525 = arith.mulf %sub3A_1518, %sub3A_1519 : vector<16xf32>
        %mul3A_1526 = arith.mulf %sub3A_1516, %sub3A_1521 : vector<16xf32>
        %sub3A_1527 = arith.subf %mul3A_1525, %mul3A_1526 : vector<16xf32>
        %mul3A_1528 = arith.mulf %sub3A_1516, %sub3A_1520 : vector<16xf32>
        %mul3A_1529 = arith.mulf %sub3A_1517, %sub3A_1519 : vector<16xf32>
        %sub3A_1530 = arith.subf %mul3A_1528, %mul3A_1529 : vector<16xf32>
        %mul3A_1531 = arith.mulf %sub3A_1524, %sub3A_1524 : vector<16xf32>
        %mul3A_1532 = arith.mulf %sub3A_1527, %sub3A_1527 : vector<16xf32>
        %add3A_1533 = arith.addf %mul3A_1531, %mul3A_1532 : vector<16xf32>
        %mul3A_1534 = arith.mulf %sub3A_1530, %sub3A_1530 : vector<16xf32>
        %add3A_1535 = arith.addf %add3A_1533, %mul3A_1534 : vector<16xf32>
        %le3A_1536 = arith.constant 1.000000e-24 : f32
        %le3A_1537 = vector.broadcast %le3A_1536 : f32 to vector<16xf32>
        %le3A_1538 = arith.cmpf ole, %add3A_1535, %le3A_1537 : vector<16xf32>
        %bitcast3A_1539 = vector.bitcast %add3A_1535 : vector<16xf32> to vector<16xi32>
        %shift_right_logical3A_1540 = arith.constant 1 : i32
        %shift_right_logical3A_1541 = vector.broadcast %shift_right_logical3A_1540 : i32 to vector<16xi32>
        %shift_right_logical3A_1542 = arith.shrui %bitcast3A_1539, %shift_right_logical3A_1541 : vector<16xi32>
        %sub3A_1543 = arith.constant 1597463007 : i32
        %sub3A_1544 = vector.broadcast %sub3A_1543 : i32 to vector<16xi32>
        %sub3A_1545 = arith.subi %sub3A_1544, %shift_right_logical3A_1542 : vector<16xi32>
        %bitcast3A_1546 = vector.bitcast %sub3A_1545 : vector<16xi32> to vector<16xf32>
        %mul3A_1547 = arith.constant 5.000000e-01 : f32
        %mul3A_1548 = vector.broadcast %mul3A_1547 : f32 to vector<16xf32>
        %mul3A_1549 = arith.mulf %mul3A_1548, %add3A_1535 : vector<16xf32>
        %mul3A_1550 = arith.mulf %mul3A_1549, %bitcast3A_1546 : vector<16xf32>
        %mul3A_1551 = arith.mulf %mul3A_1550, %bitcast3A_1546 : vector<16xf32>
        %sub3A_1552 = arith.constant 1.500000e+00 : f32
        %sub3A_1553 = vector.broadcast %sub3A_1552 : f32 to vector<16xf32>
        %sub3A_1554 = arith.subf %sub3A_1553, %mul3A_1551 : vector<16xf32>
        %mul3A_1555 = arith.mulf %bitcast3A_1546, %sub3A_1554 : vector<16xf32>
        %mul3A_1556 = arith.constant 5.000000e-01 : f32
        %mul3A_1557 = vector.broadcast %mul3A_1556 : f32 to vector<16xf32>
        %mul3A_1558 = arith.mulf %mul3A_1557, %add3A_1535 : vector<16xf32>
        %mul3A_1559 = arith.mulf %mul3A_1558, %mul3A_1555 : vector<16xf32>
        %mul3A_1560 = arith.mulf %mul3A_1559, %mul3A_1555 : vector<16xf32>
        %sub3A_1561 = arith.constant 1.500000e+00 : f32
        %sub3A_1562 = vector.broadcast %sub3A_1561 : f32 to vector<16xf32>
        %sub3A_1563 = arith.subf %sub3A_1562, %mul3A_1560 : vector<16xf32>
        %mul3A_1564 = arith.mulf %mul3A_1555, %sub3A_1563 : vector<16xf32>
        %mul3A_1565 = arith.constant 5.000000e-01 : f32
        %mul3A_1566 = vector.broadcast %mul3A_1565 : f32 to vector<16xf32>
        %mul3A_1567 = arith.mulf %mul3A_1566, %add3A_1535 : vector<16xf32>
        %mul3A_1568 = arith.mulf %mul3A_1567, %mul3A_1564 : vector<16xf32>
        %mul3A_1569 = arith.mulf %mul3A_1568, %mul3A_1564 : vector<16xf32>
        %sub3A_1570 = arith.constant 1.500000e+00 : f32
        %sub3A_1571 = vector.broadcast %sub3A_1570 : f32 to vector<16xf32>
        %sub3A_1572 = arith.subf %sub3A_1571, %mul3A_1569 : vector<16xf32>
        %mul3A_1573 = arith.mulf %mul3A_1564, %sub3A_1572 : vector<16xf32>
        %jit3A_1574 = arith.constant 9.99999995E+11 : f32
        %broadcast_in_dim3A_1575 = vector.broadcast %jit3A_1574 : f32 to vector<16xf32>
        %select_n3A_1576 = arith.select %le3A_1538, %broadcast_in_dim3A_1575, %mul3A_1573 : vector<16xi1>, vector<16xf32>
        %mul3A_1577 = arith.mulf %sub3A_1524, %select_n3A_1576 : vector<16xf32>
        %mul3A_1578 = arith.mulf %sub3A_1527, %select_n3A_1576 : vector<16xf32>
        %mul3A_1579 = arith.mulf %sub3A_1530, %select_n3A_1576 : vector<16xf32>
        %sub3A_1580 = arith.subf %mul3A_1486, %mul3A_1577 : vector<16xf32>
        %sub3A_1581 = arith.subf %mul3A_1487, %mul3A_1578 : vector<16xf32>
        %sub3A_1582 = arith.subf %mul3A_1488, %mul3A_1579 : vector<16xf32>
        %mul3A_1583 = arith.mulf %sub3A_1580, %sub3A_1580 : vector<16xf32>
        %add3A_1584 = arith.addf %add3A_1380, %mul3A_1583 : vector<16xf32>
        %mul3A_1585 = arith.mulf %sub3A_1581, %sub3A_1581 : vector<16xf32>
        %add3A_1586 = arith.addf %add3A_1584, %mul3A_1585 : vector<16xf32>
        %mul3A_1587 = arith.mulf %sub3A_1582, %sub3A_1582 : vector<16xf32>
        %add3A_1588 = arith.addf %add3A_1586, %mul3A_1587 : vector<16xf32>
        %add3A_1589 = arith.constant 112 : i32
        %add3A_1590 = vector.broadcast %add3A_1589 : i32 to vector<16xi32>
        %add3A_1591 = arith.addi %add3A_1590, %iota3A : vector<16xi32>
        %broadcast_in_dim3A_1592 = arith.constant 0 : i32
        %broadcast_in_dim3A_1593 = vector.broadcast %broadcast_in_dim3A_1592 : i32 to vector<16xi32>
        %gather3A_1594 = tpu.vector_load_idx %arg13[%add3A_1591, %broadcast_in_dim3A_1593] : memref<128x8xf32, #tpu.memory_space<vmem>>[vector<16xi32>, vector<16xi32>], vector<16xf32>,
        %broadcast_in_dim3A_1595 = arith.constant 1 : i32
        %broadcast_in_dim3A_1596 = vector.broadcast %broadcast_in_dim3A_1595 : i32 to vector<16xi32>
        %gather3A_1597 = tpu.vector_load_idx %arg13[%add3A_1591, %broadcast_in_dim3A_1596] : memref<128x8xf32, #tpu.memory_space<vmem>>[vector<16xi32>, vector<16xi32>], vector<16xf32>,
        %broadcast_in_dim3A_1598 = arith.constant 2 : i32
        %broadcast_in_dim3A_1599 = vector.broadcast %broadcast_in_dim3A_1598 : i32 to vector<16xi32>
        %gather3A_1600 = tpu.vector_load_idx %arg13[%add3A_1591, %broadcast_in_dim3A_1599] : memref<128x8xf32, #tpu.memory_space<vmem>>[vector<16xi32>, vector<16xi32>], vector<16xf32>,
        %broadcast_in_dim3A_1601 = arith.constant 0 : i32
        %broadcast_in_dim3A_1602 = vector.broadcast %broadcast_in_dim3A_1601 : i32 to vector<16xi32>
        %gather3A_1603 = tpu.vector_load_idx %arg14[%add3A_1591, %broadcast_in_dim3A_1602] : memref<128x8xf32, #tpu.memory_space<vmem>>[vector<16xi32>, vector<16xi32>], vector<16xf32>,
        %broadcast_in_dim3A_1604 = arith.constant 1 : i32
        %broadcast_in_dim3A_1605 = vector.broadcast %broadcast_in_dim3A_1604 : i32 to vector<16xi32>
        %gather3A_1606 = tpu.vector_load_idx %arg14[%add3A_1591, %broadcast_in_dim3A_1605] : memref<128x8xf32, #tpu.memory_space<vmem>>[vector<16xi32>, vector<16xi32>], vector<16xf32>,
        %broadcast_in_dim3A_1607 = arith.constant 2 : i32
        %broadcast_in_dim3A_1608 = vector.broadcast %broadcast_in_dim3A_1607 : i32 to vector<16xi32>
        %gather3A_1609 = tpu.vector_load_idx %arg14[%add3A_1591, %broadcast_in_dim3A_1608] : memref<128x8xf32, #tpu.memory_space<vmem>>[vector<16xi32>, vector<16xi32>], vector<16xf32>,
        %broadcast_in_dim3A_1610 = arith.constant 0 : i32
        %broadcast_in_dim3A_1611 = vector.broadcast %broadcast_in_dim3A_1610 : i32 to vector<16xi32>
        %gather3A_1612 = tpu.vector_load_idx %arg15[%add3A_1591, %broadcast_in_dim3A_1611] : memref<128x8xf32, #tpu.memory_space<vmem>>[vector<16xi32>, vector<16xi32>], vector<16xf32>,
        %broadcast_in_dim3A_1613 = arith.constant 1 : i32
        %broadcast_in_dim3A_1614 = vector.broadcast %broadcast_in_dim3A_1613 : i32 to vector<16xi32>
        %gather3A_1615 = tpu.vector_load_idx %arg15[%add3A_1591, %broadcast_in_dim3A_1614] : memref<128x8xf32, #tpu.memory_space<vmem>>[vector<16xi32>, vector<16xi32>], vector<16xf32>,
        %broadcast_in_dim3A_1616 = arith.constant 2 : i32
        %broadcast_in_dim3A_1617 = vector.broadcast %broadcast_in_dim3A_1616 : i32 to vector<16xi32>
        %gather3A_1618 = tpu.vector_load_idx %arg15[%add3A_1591, %broadcast_in_dim3A_1617] : memref<128x8xf32, #tpu.memory_space<vmem>>[vector<16xi32>, vector<16xi32>], vector<16xf32>,
        %broadcast_in_dim3A_1619 = arith.constant 0 : i32
        %broadcast_in_dim3A_1620 = vector.broadcast %broadcast_in_dim3A_1619 : i32 to vector<16xi32>
        %add3A_1621 = arith.addf %gather3A_1594, %gather3A_1603 : vector<16xf32>
        %add3A_1622 = arith.addf %add3A_1621, %gather3A_1612 : vector<16xf32>
        tpu.vector_store_idx %arg19[%add3A_1591, %broadcast_in_dim3A_1620], %add3A_1622 : memref<128x8xf32, #tpu.memory_space<vmem>>[vector<16xi32>, vector<16xi32>], vector<16xf32>,
        %broadcast_in_dim3A_1623 = arith.constant 1 : i32
        %broadcast_in_dim3A_1624 = vector.broadcast %broadcast_in_dim3A_1623 : i32 to vector<16xi32>
        %add3A_1625 = arith.addf %gather3A_1597, %gather3A_1606 : vector<16xf32>
        %add3A_1626 = arith.addf %add3A_1625, %gather3A_1615 : vector<16xf32>
        tpu.vector_store_idx %arg19[%add3A_1591, %broadcast_in_dim3A_1624], %add3A_1626 : memref<128x8xf32, #tpu.memory_space<vmem>>[vector<16xi32>, vector<16xi32>], vector<16xf32>,
        %broadcast_in_dim3A_1627 = arith.constant 2 : i32
        %broadcast_in_dim3A_1628 = vector.broadcast %broadcast_in_dim3A_1627 : i32 to vector<16xi32>
        %add3A_1629 = arith.addf %gather3A_1600, %gather3A_1609 : vector<16xf32>
        %add3A_1630 = arith.addf %add3A_1629, %gather3A_1618 : vector<16xf32>
        tpu.vector_store_idx %arg19[%add3A_1591, %broadcast_in_dim3A_1628], %add3A_1630 : memref<128x8xf32, #tpu.memory_space<vmem>>[vector<16xi32>, vector<16xi32>], vector<16xf32>,
        %broadcast_in_dim3A_1631 = arith.constant 3 : i32
        %broadcast_in_dim3A_1632 = vector.broadcast %broadcast_in_dim3A_1631 : i32 to vector<16xi32>
        tpu.vector_store_idx %arg19[%add3A_1591, %broadcast_in_dim3A_1632], %broadcast_in_dim3A_0 : memref<128x8xf32, #tpu.memory_space<vmem>>[vector<16xi32>, vector<16xi32>], vector<16xf32>,
        %sub3A_1633 = arith.subf %gather3A_1603, %gather3A_1594 : vector<16xf32>
        %sub3A_1634 = arith.subf %gather3A_1606, %gather3A_1597 : vector<16xf32>
        %sub3A_1635 = arith.subf %gather3A_1609, %gather3A_1600 : vector<16xf32>
        %sub3A_1636 = arith.subf %gather3A_1612, %gather3A_1594 : vector<16xf32>
        %sub3A_1637 = arith.subf %gather3A_1615, %gather3A_1597 : vector<16xf32>
        %sub3A_1638 = arith.subf %gather3A_1618, %gather3A_1600 : vector<16xf32>
        %mul3A_1639 = arith.mulf %sub3A_1634, %sub3A_1638 : vector<16xf32>
        %mul3A_1640 = arith.mulf %sub3A_1635, %sub3A_1637 : vector<16xf32>
        %sub3A_1641 = arith.subf %mul3A_1639, %mul3A_1640 : vector<16xf32>
        %mul3A_1642 = arith.mulf %sub3A_1635, %sub3A_1636 : vector<16xf32>
        %mul3A_1643 = arith.mulf %sub3A_1633, %sub3A_1638 : vector<16xf32>
        %sub3A_1644 = arith.subf %mul3A_1642, %mul3A_1643 : vector<16xf32>
        %mul3A_1645 = arith.mulf %sub3A_1633, %sub3A_1637 : vector<16xf32>
        %mul3A_1646 = arith.mulf %sub3A_1634, %sub3A_1636 : vector<16xf32>
        %sub3A_1647 = arith.subf %mul3A_1645, %mul3A_1646 : vector<16xf32>
        %mul3A_1648 = arith.mulf %sub3A_1641, %sub3A_1641 : vector<16xf32>
        %mul3A_1649 = arith.mulf %sub3A_1644, %sub3A_1644 : vector<16xf32>
        %add3A_1650 = arith.addf %mul3A_1648, %mul3A_1649 : vector<16xf32>
        %mul3A_1651 = arith.mulf %sub3A_1647, %sub3A_1647 : vector<16xf32>
        %add3A_1652 = arith.addf %add3A_1650, %mul3A_1651 : vector<16xf32>
        %le3A_1653 = arith.constant 1.000000e-24 : f32
        %le3A_1654 = vector.broadcast %le3A_1653 : f32 to vector<16xf32>
        %le3A_1655 = arith.cmpf ole, %add3A_1652, %le3A_1654 : vector<16xf32>
        %bitcast3A_1656 = vector.bitcast %add3A_1652 : vector<16xf32> to vector<16xi32>
        %shift_right_logical3A_1657 = arith.constant 1 : i32
        %shift_right_logical3A_1658 = vector.broadcast %shift_right_logical3A_1657 : i32 to vector<16xi32>
        %shift_right_logical3A_1659 = arith.shrui %bitcast3A_1656, %shift_right_logical3A_1658 : vector<16xi32>
        %sub3A_1660 = arith.constant 1597463007 : i32
        %sub3A_1661 = vector.broadcast %sub3A_1660 : i32 to vector<16xi32>
        %sub3A_1662 = arith.subi %sub3A_1661, %shift_right_logical3A_1659 : vector<16xi32>
        %bitcast3A_1663 = vector.bitcast %sub3A_1662 : vector<16xi32> to vector<16xf32>
        %mul3A_1664 = arith.constant 5.000000e-01 : f32
        %mul3A_1665 = vector.broadcast %mul3A_1664 : f32 to vector<16xf32>
        %mul3A_1666 = arith.mulf %mul3A_1665, %add3A_1652 : vector<16xf32>
        %mul3A_1667 = arith.mulf %mul3A_1666, %bitcast3A_1663 : vector<16xf32>
        %mul3A_1668 = arith.mulf %mul3A_1667, %bitcast3A_1663 : vector<16xf32>
        %sub3A_1669 = arith.constant 1.500000e+00 : f32
        %sub3A_1670 = vector.broadcast %sub3A_1669 : f32 to vector<16xf32>
        %sub3A_1671 = arith.subf %sub3A_1670, %mul3A_1668 : vector<16xf32>
        %mul3A_1672 = arith.mulf %bitcast3A_1663, %sub3A_1671 : vector<16xf32>
        %mul3A_1673 = arith.constant 5.000000e-01 : f32
        %mul3A_1674 = vector.broadcast %mul3A_1673 : f32 to vector<16xf32>
        %mul3A_1675 = arith.mulf %mul3A_1674, %add3A_1652 : vector<16xf32>
        %mul3A_1676 = arith.mulf %mul3A_1675, %mul3A_1672 : vector<16xf32>
        %mul3A_1677 = arith.mulf %mul3A_1676, %mul3A_1672 : vector<16xf32>
        %sub3A_1678 = arith.constant 1.500000e+00 : f32
        %sub3A_1679 = vector.broadcast %sub3A_1678 : f32 to vector<16xf32>
        %sub3A_1680 = arith.subf %sub3A_1679, %mul3A_1677 : vector<16xf32>
        %mul3A_1681 = arith.mulf %mul3A_1672, %sub3A_1680 : vector<16xf32>
        %mul3A_1682 = arith.constant 5.000000e-01 : f32
        %mul3A_1683 = vector.broadcast %mul3A_1682 : f32 to vector<16xf32>
        %mul3A_1684 = arith.mulf %mul3A_1683, %add3A_1652 : vector<16xf32>
        %mul3A_1685 = arith.mulf %mul3A_1684, %mul3A_1681 : vector<16xf32>
        %mul3A_1686 = arith.mulf %mul3A_1685, %mul3A_1681 : vector<16xf32>
        %sub3A_1687 = arith.constant 1.500000e+00 : f32
        %sub3A_1688 = vector.broadcast %sub3A_1687 : f32 to vector<16xf32>
        %sub3A_1689 = arith.subf %sub3A_1688, %mul3A_1686 : vector<16xf32>
        %mul3A_1690 = arith.mulf %mul3A_1681, %sub3A_1689 : vector<16xf32>
        %jit3A_1691 = arith.constant 9.99999995E+11 : f32
        %broadcast_in_dim3A_1692 = vector.broadcast %jit3A_1691 : f32 to vector<16xf32>
        %select_n3A_1693 = arith.select %le3A_1655, %broadcast_in_dim3A_1692, %mul3A_1690 : vector<16xi1>, vector<16xf32>
        %mul3A_1694 = arith.mulf %sub3A_1641, %select_n3A_1693 : vector<16xf32>
        %mul3A_1695 = arith.mulf %sub3A_1644, %select_n3A_1693 : vector<16xf32>
        %mul3A_1696 = arith.mulf %sub3A_1647, %select_n3A_1693 : vector<16xf32>
        %broadcast_in_dim3A_1697 = arith.constant 0 : i32
        %broadcast_in_dim3A_1698 = vector.broadcast %broadcast_in_dim3A_1697 : i32 to vector<16xi32>
        %gather3A_1699 = tpu.vector_load_idx %arg16[%add3A_1591, %broadcast_in_dim3A_1698] : memref<128x8xf32, #tpu.memory_space<vmem>>[vector<16xi32>, vector<16xi32>], vector<16xf32>,
        %broadcast_in_dim3A_1700 = arith.constant 1 : i32
        %broadcast_in_dim3A_1701 = vector.broadcast %broadcast_in_dim3A_1700 : i32 to vector<16xi32>
        %gather3A_1702 = tpu.vector_load_idx %arg16[%add3A_1591, %broadcast_in_dim3A_1701] : memref<128x8xf32, #tpu.memory_space<vmem>>[vector<16xi32>, vector<16xi32>], vector<16xf32>,
        %broadcast_in_dim3A_1703 = arith.constant 2 : i32
        %broadcast_in_dim3A_1704 = vector.broadcast %broadcast_in_dim3A_1703 : i32 to vector<16xi32>
        %gather3A_1705 = tpu.vector_load_idx %arg16[%add3A_1591, %broadcast_in_dim3A_1704] : memref<128x8xf32, #tpu.memory_space<vmem>>[vector<16xi32>, vector<16xi32>], vector<16xf32>,
        %broadcast_in_dim3A_1706 = arith.constant 0 : i32
        %broadcast_in_dim3A_1707 = vector.broadcast %broadcast_in_dim3A_1706 : i32 to vector<16xi32>
        %gather3A_1708 = tpu.vector_load_idx %arg17[%add3A_1591, %broadcast_in_dim3A_1707] : memref<128x8xf32, #tpu.memory_space<vmem>>[vector<16xi32>, vector<16xi32>], vector<16xf32>,
        %broadcast_in_dim3A_1709 = arith.constant 1 : i32
        %broadcast_in_dim3A_1710 = vector.broadcast %broadcast_in_dim3A_1709 : i32 to vector<16xi32>
        %gather3A_1711 = tpu.vector_load_idx %arg17[%add3A_1591, %broadcast_in_dim3A_1710] : memref<128x8xf32, #tpu.memory_space<vmem>>[vector<16xi32>, vector<16xi32>], vector<16xf32>,
        %broadcast_in_dim3A_1712 = arith.constant 2 : i32
        %broadcast_in_dim3A_1713 = vector.broadcast %broadcast_in_dim3A_1712 : i32 to vector<16xi32>
        %gather3A_1714 = tpu.vector_load_idx %arg17[%add3A_1591, %broadcast_in_dim3A_1713] : memref<128x8xf32, #tpu.memory_space<vmem>>[vector<16xi32>, vector<16xi32>], vector<16xf32>,
        %broadcast_in_dim3A_1715 = arith.constant 0 : i32
        %broadcast_in_dim3A_1716 = vector.broadcast %broadcast_in_dim3A_1715 : i32 to vector<16xi32>
        %gather3A_1717 = tpu.vector_load_idx %arg18[%add3A_1591, %broadcast_in_dim3A_1716] : memref<128x8xf32, #tpu.memory_space<vmem>>[vector<16xi32>, vector<16xi32>], vector<16xf32>,
        %broadcast_in_dim3A_1718 = arith.constant 1 : i32
        %broadcast_in_dim3A_1719 = vector.broadcast %broadcast_in_dim3A_1718 : i32 to vector<16xi32>
        %gather3A_1720 = tpu.vector_load_idx %arg18[%add3A_1591, %broadcast_in_dim3A_1719] : memref<128x8xf32, #tpu.memory_space<vmem>>[vector<16xi32>, vector<16xi32>], vector<16xf32>,
        %broadcast_in_dim3A_1721 = arith.constant 2 : i32
        %broadcast_in_dim3A_1722 = vector.broadcast %broadcast_in_dim3A_1721 : i32 to vector<16xi32>
        %gather3A_1723 = tpu.vector_load_idx %arg18[%add3A_1591, %broadcast_in_dim3A_1722] : memref<128x8xf32, #tpu.memory_space<vmem>>[vector<16xi32>, vector<16xi32>], vector<16xf32>,
        %sub3A_1724 = arith.subf %gather3A_1708, %gather3A_1699 : vector<16xf32>
        %sub3A_1725 = arith.subf %gather3A_1711, %gather3A_1702 : vector<16xf32>
        %sub3A_1726 = arith.subf %gather3A_1714, %gather3A_1705 : vector<16xf32>
        %sub3A_1727 = arith.subf %gather3A_1717, %gather3A_1699 : vector<16xf32>
        %sub3A_1728 = arith.subf %gather3A_1720, %gather3A_1702 : vector<16xf32>
        %sub3A_1729 = arith.subf %gather3A_1723, %gather3A_1705 : vector<16xf32>
        %mul3A_1730 = arith.mulf %sub3A_1725, %sub3A_1729 : vector<16xf32>
        %mul3A_1731 = arith.mulf %sub3A_1726, %sub3A_1728 : vector<16xf32>
        %sub3A_1732 = arith.subf %mul3A_1730, %mul3A_1731 : vector<16xf32>
        %mul3A_1733 = arith.mulf %sub3A_1726, %sub3A_1727 : vector<16xf32>
        %mul3A_1734 = arith.mulf %sub3A_1724, %sub3A_1729 : vector<16xf32>
        %sub3A_1735 = arith.subf %mul3A_1733, %mul3A_1734 : vector<16xf32>
        %mul3A_1736 = arith.mulf %sub3A_1724, %sub3A_1728 : vector<16xf32>
        %mul3A_1737 = arith.mulf %sub3A_1725, %sub3A_1727 : vector<16xf32>
        %sub3A_1738 = arith.subf %mul3A_1736, %mul3A_1737 : vector<16xf32>
        %mul3A_1739 = arith.mulf %sub3A_1732, %sub3A_1732 : vector<16xf32>
        %mul3A_1740 = arith.mulf %sub3A_1735, %sub3A_1735 : vector<16xf32>
        %add3A_1741 = arith.addf %mul3A_1739, %mul3A_1740 : vector<16xf32>
        %mul3A_1742 = arith.mulf %sub3A_1738, %sub3A_1738 : vector<16xf32>
        %add3A_1743 = arith.addf %add3A_1741, %mul3A_1742 : vector<16xf32>
        %le3A_1744 = arith.constant 1.000000e-24 : f32
        %le3A_1745 = vector.broadcast %le3A_1744 : f32 to vector<16xf32>
        %le3A_1746 = arith.cmpf ole, %add3A_1743, %le3A_1745 : vector<16xf32>
        %bitcast3A_1747 = vector.bitcast %add3A_1743 : vector<16xf32> to vector<16xi32>
        %shift_right_logical3A_1748 = arith.constant 1 : i32
        %shift_right_logical3A_1749 = vector.broadcast %shift_right_logical3A_1748 : i32 to vector<16xi32>
        %shift_right_logical3A_1750 = arith.shrui %bitcast3A_1747, %shift_right_logical3A_1749 : vector<16xi32>
        %sub3A_1751 = arith.constant 1597463007 : i32
        %sub3A_1752 = vector.broadcast %sub3A_1751 : i32 to vector<16xi32>
        %sub3A_1753 = arith.subi %sub3A_1752, %shift_right_logical3A_1750 : vector<16xi32>
        %bitcast3A_1754 = vector.bitcast %sub3A_1753 : vector<16xi32> to vector<16xf32>
        %mul3A_1755 = arith.constant 5.000000e-01 : f32
        %mul3A_1756 = vector.broadcast %mul3A_1755 : f32 to vector<16xf32>
        %mul3A_1757 = arith.mulf %mul3A_1756, %add3A_1743 : vector<16xf32>
        %mul3A_1758 = arith.mulf %mul3A_1757, %bitcast3A_1754 : vector<16xf32>
        %mul3A_1759 = arith.mulf %mul3A_1758, %bitcast3A_1754 : vector<16xf32>
        %sub3A_1760 = arith.constant 1.500000e+00 : f32
        %sub3A_1761 = vector.broadcast %sub3A_1760 : f32 to vector<16xf32>
        %sub3A_1762 = arith.subf %sub3A_1761, %mul3A_1759 : vector<16xf32>
        %mul3A_1763 = arith.mulf %bitcast3A_1754, %sub3A_1762 : vector<16xf32>
        %mul3A_1764 = arith.constant 5.000000e-01 : f32
        %mul3A_1765 = vector.broadcast %mul3A_1764 : f32 to vector<16xf32>
        %mul3A_1766 = arith.mulf %mul3A_1765, %add3A_1743 : vector<16xf32>
        %mul3A_1767 = arith.mulf %mul3A_1766, %mul3A_1763 : vector<16xf32>
        %mul3A_1768 = arith.mulf %mul3A_1767, %mul3A_1763 : vector<16xf32>
        %sub3A_1769 = arith.constant 1.500000e+00 : f32
        %sub3A_1770 = vector.broadcast %sub3A_1769 : f32 to vector<16xf32>
        %sub3A_1771 = arith.subf %sub3A_1770, %mul3A_1768 : vector<16xf32>
        %mul3A_1772 = arith.mulf %mul3A_1763, %sub3A_1771 : vector<16xf32>
        %mul3A_1773 = arith.constant 5.000000e-01 : f32
        %mul3A_1774 = vector.broadcast %mul3A_1773 : f32 to vector<16xf32>
        %mul3A_1775 = arith.mulf %mul3A_1774, %add3A_1743 : vector<16xf32>
        %mul3A_1776 = arith.mulf %mul3A_1775, %mul3A_1772 : vector<16xf32>
        %mul3A_1777 = arith.mulf %mul3A_1776, %mul3A_1772 : vector<16xf32>
        %sub3A_1778 = arith.constant 1.500000e+00 : f32
        %sub3A_1779 = vector.broadcast %sub3A_1778 : f32 to vector<16xf32>
        %sub3A_1780 = arith.subf %sub3A_1779, %mul3A_1777 : vector<16xf32>
        %mul3A_1781 = arith.mulf %mul3A_1772, %sub3A_1780 : vector<16xf32>
        %jit3A_1782 = arith.constant 9.99999995E+11 : f32
        %broadcast_in_dim3A_1783 = vector.broadcast %jit3A_1782 : f32 to vector<16xf32>
        %select_n3A_1784 = arith.select %le3A_1746, %broadcast_in_dim3A_1783, %mul3A_1781 : vector<16xi1>, vector<16xf32>
        %mul3A_1785 = arith.mulf %sub3A_1732, %select_n3A_1784 : vector<16xf32>
        %mul3A_1786 = arith.mulf %sub3A_1735, %select_n3A_1784 : vector<16xf32>
        %mul3A_1787 = arith.mulf %sub3A_1738, %select_n3A_1784 : vector<16xf32>
        %sub3A_1788 = arith.subf %mul3A_1694, %mul3A_1785 : vector<16xf32>
        %sub3A_1789 = arith.subf %mul3A_1695, %mul3A_1786 : vector<16xf32>
        %sub3A_1790 = arith.subf %mul3A_1696, %mul3A_1787 : vector<16xf32>
        %mul3A_1791 = arith.mulf %sub3A_1788, %sub3A_1788 : vector<16xf32>
        %add3A_1792 = arith.addf %add3A_1588, %mul3A_1791 : vector<16xf32>
        %mul3A_1793 = arith.mulf %sub3A_1789, %sub3A_1789 : vector<16xf32>
        %add3A_1794 = arith.addf %add3A_1792, %mul3A_1793 : vector<16xf32>
        %mul3A_1795 = arith.mulf %sub3A_1790, %sub3A_1790 : vector<16xf32>
        %add3A_1796 = arith.addf %add3A_1794, %mul3A_1795 : vector<16xf32>
        %swap3A_1797 = arith.constant 1 : i32
        %swap3A_1798 = arith.index_cast %swap3A_1797 : i32 to index
        %swap3A_1799 = arith.constant 0 : index
        %swap3A_1800 = tpu.vector_load %arg22[%swap3A_1798, %swap3A_1799] {strides = array<i32>} : memref<2x16xf32, #tpu.memory_space<vmem>>, vector<16xf32>,
        tpu.vector_store %arg22[%swap3A_1798, %swap3A_1799], %add3A_1796 {add = true, strides = array<i32>} : memref<2x16xf32, #tpu.memory_space<vmem>>, vector<16xf32>,
        %dma_start3A_1801 = arith.constant 0 : i32
        %dma_start3A_1802 = tpu.memref_slice %arg11[%scan3A_58, %dma_start3A_1801] : memref<147x128xi32, #tpu.memory_space<vmem>> -> memref<1x128xi32, #tpu.memory_space<vmem>>
        %dma_start3A_1803 = tpu.memref_squeeze %dma_start3A_1802 : memref<1x128xi32, #tpu.memory_space<vmem>> -> memref<128xi32, #tpu.memory_space<vmem>>
        %dma_start3A_1804 = arith.constant 0 : i32
        %dma_start3A_1805 = arith.constant 0 : i32
        %dma_start3A_1806 = tpu.memref_slice %arg9[%dma_start3A_1804, %dma_start3A_1805] : memref<50176x8xf32, #tpu.memory_space<vmem_shared>> -> memref<50176x8xf32, #tpu.memory_space<vmem_shared>>
        tpu.enqueue_indirect_dma source(%arg19 : memref<128x8xf32, #tpu.memory_space<vmem>>) target(%dma_start3A_1806 : memref<50176x8xf32, #tpu.memory_space<vmem_shared>>) offsets(%dma_start3A_1803 : memref<128xi32, #tpu.memory_space<vmem>>) semaphore(%arg24 : memref<!tpu.dma_semaphore, #tpu.memory_space<semaphore_mem>>) {add = true}
        %add3A_1807 = arith.constant 49 : i32
        %add3A_1808 = arith.addi %add3A_1807, %scan3A_58 : i32
        %dma_start3A_1809 = arith.constant 0 : i32
        %dma_start3A_1810 = tpu.memref_slice %arg11[%add3A_1808, %dma_start3A_1809] : memref<147x128xi32, #tpu.memory_space<vmem>> -> memref<1x128xi32, #tpu.memory_space<vmem>>
        %dma_start3A_1811 = tpu.memref_squeeze %dma_start3A_1810 : memref<1x128xi32, #tpu.memory_space<vmem>> -> memref<128xi32, #tpu.memory_space<vmem>>
        %dma_start3A_1812 = arith.constant 0 : i32
        %dma_start3A_1813 = arith.constant 0 : i32
        %dma_start3A_1814 = tpu.memref_slice %arg9[%dma_start3A_1812, %dma_start3A_1813] : memref<50176x8xf32, #tpu.memory_space<vmem_shared>> -> memref<50176x8xf32, #tpu.memory_space<vmem_shared>>
        tpu.enqueue_indirect_dma source(%arg19 : memref<128x8xf32, #tpu.memory_space<vmem>>) target(%dma_start3A_1814 : memref<50176x8xf32, #tpu.memory_space<vmem_shared>>) offsets(%dma_start3A_1811 : memref<128xi32, #tpu.memory_space<vmem>>) semaphore(%arg24 : memref<!tpu.dma_semaphore, #tpu.memory_space<semaphore_mem>>) {add = true}
        %add3A_1815 = arith.constant 98 : i32
        %add3A_1816 = arith.addi %add3A_1815, %scan3A_58 : i32
        %dma_start3A_1817 = arith.constant 0 : i32
        %dma_start3A_1818 = tpu.memref_slice %arg11[%add3A_1816, %dma_start3A_1817] : memref<147x128xi32, #tpu.memory_space<vmem>> -> memref<1x128xi32, #tpu.memory_space<vmem>>
        %dma_start3A_1819 = tpu.memref_squeeze %dma_start3A_1818 : memref<1x128xi32, #tpu.memory_space<vmem>> -> memref<128xi32, #tpu.memory_space<vmem>>
        %dma_start3A_1820 = arith.constant 0 : i32
        %dma_start3A_1821 = arith.constant 0 : i32
        %dma_start3A_1822 = tpu.memref_slice %arg9[%dma_start3A_1820, %dma_start3A_1821] : memref<50176x8xf32, #tpu.memory_space<vmem_shared>> -> memref<50176x8xf32, #tpu.memory_space<vmem_shared>>
        tpu.enqueue_indirect_dma source(%arg19 : memref<128x8xf32, #tpu.memory_space<vmem>>) target(%dma_start3A_1822 : memref<50176x8xf32, #tpu.memory_space<vmem_shared>>) offsets(%dma_start3A_1819 : memref<128xi32, #tpu.memory_space<vmem>>) semaphore(%arg24 : memref<!tpu.dma_semaphore, #tpu.memory_space<semaphore_mem>>) {add = true}
      }
      %scan3A_32 = arith.constant 49 : i32
      %dma_wait3A = arith.constant 0 : i32
      %dma_wait3A_33 = arith.constant 0 : i32
      %dma_wait3A_34 = tpu.memref_slice %arg7[%dma_wait3A, %dma_wait3A_33] : memref<3136x8xf32, #tpu.memory_space<hbm>> -> memref<128x8xf32, #tpu.memory_space<hbm>>
      %dma_wait3A_35 = arith.constant 0 : i32
      %dma_wait3A_36 = arith.constant 0 : i32
      %dma_wait3A_37 = tpu.memref_slice %arg7[%dma_wait3A_35, %dma_wait3A_36] : memref<3136x8xf32, #tpu.memory_space<hbm>> -> memref<128x8xf32, #tpu.memory_space<hbm>>
      tpu.wait_dma2 semaphore(%arg24 : memref<!tpu.dma_semaphore, #tpu.memory_space<semaphore_mem>>) src(%dma_wait3A_37 : memref<128x8xf32, #tpu.memory_space<hbm>>) dst(%arg19 : memref<128x8xf32, #tpu.memory_space<vmem>>)
      %dma_wait3A_38 = arith.constant 0 : i32
      %dma_wait3A_39 = arith.constant 0 : i32
      %dma_wait3A_40 = tpu.memref_slice %arg7[%dma_wait3A_38, %dma_wait3A_39] : memref<3136x8xf32, #tpu.memory_space<hbm>> -> memref<128x8xf32, #tpu.memory_space<hbm>>
      %dma_wait3A_41 = arith.constant 0 : i32
      %dma_wait3A_42 = arith.constant 0 : i32
      %dma_wait3A_43 = tpu.memref_slice %arg7[%dma_wait3A_41, %dma_wait3A_42] : memref<3136x8xf32, #tpu.memory_space<hbm>> -> memref<128x8xf32, #tpu.memory_space<hbm>>
      tpu.wait_dma2 semaphore(%arg24 : memref<!tpu.dma_semaphore, #tpu.memory_space<semaphore_mem>>) src(%dma_wait3A_43 : memref<128x8xf32, #tpu.memory_space<hbm>>) dst(%arg19 : memref<128x8xf32, #tpu.memory_space<vmem>>)
      %dma_wait3A_44 = arith.constant 0 : i32
      %dma_wait3A_45 = arith.constant 0 : i32
      %dma_wait3A_46 = tpu.memref_slice %arg7[%dma_wait3A_44, %dma_wait3A_45] : memref<3136x8xf32, #tpu.memory_space<hbm>> -> memref<128x8xf32, #tpu.memory_space<hbm>>
      %dma_wait3A_47 = arith.constant 0 : i32
      %dma_wait3A_48 = arith.constant 0 : i32
      %dma_wait3A_49 = tpu.memref_slice %arg7[%dma_wait3A_47, %dma_wait3A_48] : memref<3136x8xf32, #tpu.memory_space<hbm>> -> memref<128x8xf32, #tpu.memory_space<hbm>>
      tpu.wait_dma2 semaphore(%arg24 : memref<!tpu.dma_semaphore, #tpu.memory_space<semaphore_mem>>) src(%dma_wait3A_49 : memref<128x8xf32, #tpu.memory_space<hbm>>) dst(%arg19 : memref<128x8xf32, #tpu.memory_space<vmem>>)
      %barrier3A_50 = arith.constant 0 : index
      tpu.barrier barrier_id(%barrier3A_50)
      %scan3A_51 = arith.constant 0 : i32
      %scan3A_52 = arith.constant 0 : i32
      %scan3A_53 = arith.constant 2 : i32
      %scan3A_54 = arith.addi %scan3A_52, %scan3A_53 : i32
      %scan3A_55 = arith.constant 1 : i32
      scf.for %scan3A_58 = %scan3A_52 to %scan3A_54 step %scan3A_55  : i32 {
        %mul3A_59 = arith.constant 3136 : i32
        %mul3A_60 = arith.muli %arg1, %mul3A_59 : i32
        %mul3A_61 = arith.constant 1568 : i32
        %mul3A_62 = arith.muli %scan3A_58, %mul3A_61 : i32
        %add3A_63 = arith.addi %mul3A_60, %mul3A_62 : i32
        "tpu.region"() ({
          %run_scoped3A_72 = tpu.sem_alloc : memref<!tpu.dma_semaphore, #tpu.memory_space<semaphore_mem>>
          %dma_start3A = arith.constant 0 : i32
          %dma_start3A_73 = tpu.memref_slice %arg9[%add3A_63, %dma_start3A] : memref<50176x8xf32, #tpu.memory_space<vmem_shared>> -> memref<1568x8xf32, #tpu.memory_space<vmem_shared>>
          %dma_start3A_74 = arith.constant 0 : i32
          %dma_start3A_75 = tpu.memref_slice %arg9[%add3A_63, %dma_start3A_74] : memref<50176x8xf32, #tpu.memory_space<vmem_shared>> -> memref<1568x8xf32, #tpu.memory_space<vmem_shared>>
          tpu.enqueue_dma source(%dma_start3A_75 : memref<1568x8xf32, #tpu.memory_space<vmem_shared>>) target(%arg20 : memref<1568x8xf32, #tpu.memory_space<vmem>>) target_semaphore(%run_scoped3A_72 : memref<!tpu.dma_semaphore, #tpu.memory_space<semaphore_mem>>)
          %dma_wait3A_76 = arith.constant 0 : i32
          %dma_wait3A_77 = tpu.memref_slice %arg9[%add3A_63, %dma_wait3A_76] : memref<50176x8xf32, #tpu.memory_space<vmem_shared>> -> memref<1568x8xf32, #tpu.memory_space<vmem_shared>>
          %dma_wait3A_78 = arith.constant 0 : i32
          %dma_wait3A_79 = tpu.memref_slice %arg9[%add3A_63, %dma_wait3A_78] : memref<50176x8xf32, #tpu.memory_space<vmem_shared>> -> memref<1568x8xf32, #tpu.memory_space<vmem_shared>>
          tpu.wait_dma2 semaphore(%run_scoped3A_72 : memref<!tpu.dma_semaphore, #tpu.memory_space<semaphore_mem>>) src(%dma_wait3A_79 : memref<1568x8xf32, #tpu.memory_space<vmem_shared>>) dst(%arg20 : memref<1568x8xf32, #tpu.memory_space<vmem>>)
          tpu.yield
        }) : () -> ()
        %mul3A_64 = arith.constant 50176 : i32
        %mul3A_65 = arith.muli %add3A, %mul3A_64 : i32
        %add3A_66 = arith.addi %mul3A_65, %add3A_63 : i32
        "tpu.region"() ({
          %run_scoped3A_72 = tpu.sem_alloc : memref<!tpu.dma_semaphore, #tpu.memory_space<semaphore_mem>>
          %dma_start3A = arith.constant 0 : i32
          %dma_start3A_73 = tpu.memref_slice %arg2[%add3A_66, %dma_start3A] : memref<401408x8xf32, #tpu.memory_space<hbm>> -> memref<1568x8xf32, #tpu.memory_space<hbm>>
          %dma_start3A_74 = arith.constant 0 : i32
          %dma_start3A_75 = tpu.memref_slice %arg2[%add3A_66, %dma_start3A_74] : memref<401408x8xf32, #tpu.memory_space<hbm>> -> memref<1568x8xf32, #tpu.memory_space<hbm>>
          tpu.enqueue_dma source(%dma_start3A_75 : memref<1568x8xf32, #tpu.memory_space<hbm>>) target(%arg21 : memref<1568x8xf32, #tpu.memory_space<vmem>>) target_semaphore(%run_scoped3A_72 : memref<!tpu.dma_semaphore, #tpu.memory_space<semaphore_mem>>)
          %dma_wait3A_76 = arith.constant 0 : i32
          %dma_wait3A_77 = tpu.memref_slice %arg2[%add3A_66, %dma_wait3A_76] : memref<401408x8xf32, #tpu.memory_space<hbm>> -> memref<1568x8xf32, #tpu.memory_space<hbm>>
          %dma_wait3A_78 = arith.constant 0 : i32
          %dma_wait3A_79 = tpu.memref_slice %arg2[%add3A_66, %dma_wait3A_78] : memref<401408x8xf32, #tpu.memory_space<hbm>> -> memref<1568x8xf32, #tpu.memory_space<hbm>>
          tpu.wait_dma2 semaphore(%run_scoped3A_72 : memref<!tpu.dma_semaphore, #tpu.memory_space<semaphore_mem>>) src(%dma_wait3A_79 : memref<1568x8xf32, #tpu.memory_space<hbm>>) dst(%arg21 : memref<1568x8xf32, #tpu.memory_space<vmem>>)
          tpu.yield
        }) : () -> ()
        %scan3A_67 = arith.constant 0 : i32
        %scan3A_68 = arith.constant 98 : i32
        %scan3A_69 = arith.addi %scan3A_67, %scan3A_68 : i32
        %scan3A_70 = arith.constant 1 : i32
        scf.for %scan3A_72 = %scan3A_67 to %scan3A_69 step %scan3A_70  : i32 {
          %mul3A_73 = arith.constant 16 : i32
          %mul3A_74 = arith.muli %scan3A_72, %mul3A_73 : i32
          %add3A_75 = vector.broadcast %mul3A_74 : i32 to vector<16xi32>
          %add3A_76 = arith.addi %add3A_75, %iota3A : vector<16xi32>
          %broadcast_in_dim3A_77 = arith.constant 0 : i32
          %broadcast_in_dim3A_78 = vector.broadcast %broadcast_in_dim3A_77 : i32 to vector<16xi32>
          %gather3A = tpu.vector_load_idx %arg20[%add3A_76, %broadcast_in_dim3A_78] : memref<1568x8xf32, #tpu.memory_space<vmem>>[vector<16xi32>, vector<16xi32>], vector<16xf32>,
          %broadcast_in_dim3A_79 = arith.constant 1 : i32
          %broadcast_in_dim3A_80 = vector.broadcast %broadcast_in_dim3A_79 : i32 to vector<16xi32>
          %gather3A_81 = tpu.vector_load_idx %arg20[%add3A_76, %broadcast_in_dim3A_80] : memref<1568x8xf32, #tpu.memory_space<vmem>>[vector<16xi32>, vector<16xi32>], vector<16xf32>,
          %broadcast_in_dim3A_82 = arith.constant 2 : i32
          %broadcast_in_dim3A_83 = vector.broadcast %broadcast_in_dim3A_82 : i32 to vector<16xi32>
          %gather3A_84 = tpu.vector_load_idx %arg20[%add3A_76, %broadcast_in_dim3A_83] : memref<1568x8xf32, #tpu.memory_space<vmem>>[vector<16xi32>, vector<16xi32>], vector<16xf32>,
          %broadcast_in_dim3A_85 = arith.constant 3 : i32
          %broadcast_in_dim3A_86 = vector.broadcast %broadcast_in_dim3A_85 : i32 to vector<16xi32>
          %gather3A_87 = tpu.vector_load_idx %arg20[%add3A_76, %broadcast_in_dim3A_86] : memref<1568x8xf32, #tpu.memory_space<vmem>>[vector<16xi32>, vector<16xi32>], vector<16xf32>,
          %broadcast_in_dim3A_88 = arith.constant 0 : i32
          %broadcast_in_dim3A_89 = vector.broadcast %broadcast_in_dim3A_88 : i32 to vector<16xi32>
          %gather3A_90 = tpu.vector_load_idx %arg21[%add3A_76, %broadcast_in_dim3A_89] : memref<1568x8xf32, #tpu.memory_space<vmem>>[vector<16xi32>, vector<16xi32>], vector<16xf32>,
          %broadcast_in_dim3A_91 = arith.constant 1 : i32
          %broadcast_in_dim3A_92 = vector.broadcast %broadcast_in_dim3A_91 : i32 to vector<16xi32>
          %gather3A_93 = tpu.vector_load_idx %arg21[%add3A_76, %broadcast_in_dim3A_92] : memref<1568x8xf32, #tpu.memory_space<vmem>>[vector<16xi32>, vector<16xi32>], vector<16xf32>,
          %broadcast_in_dim3A_94 = arith.constant 2 : i32
          %broadcast_in_dim3A_95 = vector.broadcast %broadcast_in_dim3A_94 : i32 to vector<16xi32>
          %gather3A_96 = tpu.vector_load_idx %arg21[%add3A_76, %broadcast_in_dim3A_95] : memref<1568x8xf32, #tpu.memory_space<vmem>>[vector<16xi32>, vector<16xi32>], vector<16xf32>,
          %add3A_97 = arith.addf %gather3A_87, %gather3A_87 : vector<16xf32>
          %max3A = arith.constant 1.000000e+00 : f32
          %max3A_98 = vector.broadcast %max3A : f32 to vector<16xf32>
          %max3A_99 = arith.maximumf %add3A_97, %max3A_98 : vector<16xf32>
          %div3A = arith.constant 1.000000e+00 : f32
          %div3A_100 = vector.broadcast %div3A : f32 to vector<16xf32>
          %div3A_101 = arith.divf %div3A_100, %max3A_99 : vector<16xf32>
          %mul3A_102 = arith.mulf %gather3A_87, %gather3A_90 : vector<16xf32>
          %sub3A = arith.subf %gather3A, %mul3A_102 : vector<16xf32>
          %mul3A_103 = arith.mulf %sub3A, %div3A_101 : vector<16xf32>
          %sub3A_104 = arith.subf %mul3A_103, %gather3A_90 : vector<16xf32>
          %mul3A_105 = arith.mulf %gather3A_87, %gather3A_93 : vector<16xf32>
          %sub3A_106 = arith.subf %gather3A_81, %mul3A_105 : vector<16xf32>
          %mul3A_107 = arith.mulf %sub3A_106, %div3A_101 : vector<16xf32>
          %sub3A_108 = arith.subf %mul3A_107, %gather3A_93 : vector<16xf32>
          %mul3A_109 = arith.mulf %gather3A_87, %gather3A_96 : vector<16xf32>
          %sub3A_110 = arith.subf %gather3A_84, %mul3A_109 : vector<16xf32>
          %mul3A_111 = arith.mulf %sub3A_110, %div3A_101 : vector<16xf32>
          %sub3A_112 = arith.subf %mul3A_111, %gather3A_96 : vector<16xf32>
          %mul3A_113 = arith.mulf %sub3A_104, %sub3A_104 : vector<16xf32>
          %mul3A_114 = arith.mulf %sub3A_108, %sub3A_108 : vector<16xf32>
          %add3A_115 = arith.addf %mul3A_113, %mul3A_114 : vector<16xf32>
          %mul3A_116 = arith.mulf %sub3A_112, %sub3A_112 : vector<16xf32>
          %add3A_117 = arith.addf %add3A_115, %mul3A_116 : vector<16xf32>
          %add3A_118 = arith.constant 9.99999996E-13 : f32
          %add3A_119 = vector.broadcast %add3A_118 : f32 to vector<16xf32>
          %add3A_120 = arith.addf %add3A_117, %add3A_119 : vector<16xf32>
          %bitcast3A = vector.bitcast %add3A_120 : vector<16xf32> to vector<16xi32>
          %shift_right_logical3A = arith.constant 1 : i32
          %shift_right_logical3A_121 = vector.broadcast %shift_right_logical3A : i32 to vector<16xi32>
          %shift_right_logical3A_122 = arith.shrui %bitcast3A, %shift_right_logical3A_121 : vector<16xi32>
          %sub3A_123 = arith.constant 1597463007 : i32
          %sub3A_124 = vector.broadcast %sub3A_123 : i32 to vector<16xi32>
          %sub3A_125 = arith.subi %sub3A_124, %shift_right_logical3A_122 : vector<16xi32>
          %bitcast3A_126 = vector.bitcast %sub3A_125 : vector<16xi32> to vector<16xf32>
          %mul3A_127 = arith.constant 5.000000e-01 : f32
          %mul3A_128 = vector.broadcast %mul3A_127 : f32 to vector<16xf32>
          %mul3A_129 = arith.mulf %mul3A_128, %add3A_120 : vector<16xf32>
          %mul3A_130 = arith.mulf %mul3A_129, %bitcast3A_126 : vector<16xf32>
          %mul3A_131 = arith.mulf %mul3A_130, %bitcast3A_126 : vector<16xf32>
          %sub3A_132 = arith.constant 1.500000e+00 : f32
          %sub3A_133 = vector.broadcast %sub3A_132 : f32 to vector<16xf32>
          %sub3A_134 = arith.subf %sub3A_133, %mul3A_131 : vector<16xf32>
          %mul3A_135 = arith.mulf %bitcast3A_126, %sub3A_134 : vector<16xf32>
          %mul3A_136 = arith.constant 5.000000e-01 : f32
          %mul3A_137 = vector.broadcast %mul3A_136 : f32 to vector<16xf32>
          %mul3A_138 = arith.mulf %mul3A_137, %add3A_120 : vector<16xf32>
          %mul3A_139 = arith.mulf %mul3A_138, %mul3A_135 : vector<16xf32>
          %mul3A_140 = arith.mulf %mul3A_139, %mul3A_135 : vector<16xf32>
          %sub3A_141 = arith.constant 1.500000e+00 : f32
          %sub3A_142 = vector.broadcast %sub3A_141 : f32 to vector<16xf32>
          %sub3A_143 = arith.subf %sub3A_142, %mul3A_140 : vector<16xf32>
          %mul3A_144 = arith.mulf %mul3A_135, %sub3A_143 : vector<16xf32>
          %mul3A_145 = arith.constant 5.000000e-01 : f32
          %mul3A_146 = vector.broadcast %mul3A_145 : f32 to vector<16xf32>
          %mul3A_147 = arith.mulf %mul3A_146, %add3A_120 : vector<16xf32>
          %mul3A_148 = arith.mulf %mul3A_147, %mul3A_144 : vector<16xf32>
          %mul3A_149 = arith.mulf %mul3A_148, %mul3A_144 : vector<16xf32>
          %sub3A_150 = arith.constant 1.500000e+00 : f32
          %sub3A_151 = vector.broadcast %sub3A_150 : f32 to vector<16xf32>
          %sub3A_152 = arith.subf %sub3A_151, %mul3A_149 : vector<16xf32>
          %mul3A_153 = arith.mulf %mul3A_144, %sub3A_152 : vector<16xf32>
          %mul3A_154 = arith.mulf %add3A_120, %mul3A_153 : vector<16xf32>
          %add3A_155 = vector.broadcast %add3A_63 : i32 to vector<16xi32>
          %add3A_156 = arith.addi %add3A_155, %add3A_76 : vector<16xi32>
          %lt3A = arith.constant 50000 : i32
          %lt3A_157 = vector.broadcast %lt3A : i32 to vector<16xi32>
          %lt3A_158 = arith.cmpi slt, %add3A_156, %lt3A_157 : vector<16xi32>
          %jit3A = arith.constant 0.000000e+00 : f32
          %broadcast_in_dim3A_159 = vector.broadcast %jit3A : f32 to vector<16xf32>
          %select_n3A = arith.select %lt3A_158, %mul3A_154, %broadcast_in_dim3A_159 : vector<16xi1>, vector<16xf32>
          %swap3A_160 = arith.constant 0 : i32
          %swap3A_161 = arith.index_cast %swap3A_160 : i32 to index
          %swap3A_162 = arith.constant 0 : index
          %swap3A_163 = tpu.vector_load %arg22[%swap3A_161, %swap3A_162] {strides = array<i32>} : memref<2x16xf32, #tpu.memory_space<vmem>>, vector<16xf32>,
          tpu.vector_store %arg22[%swap3A_161, %swap3A_162], %select_n3A {add = true, strides = array<i32>} : memref<2x16xf32, #tpu.memory_space<vmem>>, vector<16xf32>,
        }
        %scan3A_71 = arith.constant 98 : i32
      }
      %scan3A_56 = arith.constant 2 : i32
      %barrier3A_57 = arith.constant 0 : index
      tpu.barrier barrier_id(%barrier3A_57)
    }
    %scan3A_14 = arith.constant 4 : i32
    "tpu.region"() ({
      %run_scoped3A = tpu.sem_alloc : memref<!tpu.dma_semaphore, #tpu.memory_space<semaphore_mem>>
      %dma_start3A = arith.constant 0 : i32
      %dma_start3A_15 = arith.constant 0 : i32
      %dma_start3A_16 = tpu.memref_slice %arg8[%arg0, %arg1, %dma_start3A, %dma_start3A_15] : memref<2x16x2x16xf32, #tpu.memory_space<hbm>> -> memref<1x1x2x16xf32, #tpu.memory_space<hbm>>
      %dma_start3A_17 = tpu.memref_squeeze %dma_start3A_16 : memref<1x1x2x16xf32, #tpu.memory_space<hbm>> -> memref<2x16xf32, #tpu.memory_space<hbm>>
      %dma_start3A_18 = arith.constant 0 : i32
      %dma_start3A_19 = arith.constant 0 : i32
      %dma_start3A_20 = tpu.memref_slice %arg8[%arg0, %arg1, %dma_start3A_18, %dma_start3A_19] : memref<2x16x2x16xf32, #tpu.memory_space<hbm>> -> memref<1x1x2x16xf32, #tpu.memory_space<hbm>>
      %dma_start3A_21 = tpu.memref_squeeze %dma_start3A_20 : memref<1x1x2x16xf32, #tpu.memory_space<hbm>> -> memref<2x16xf32, #tpu.memory_space<hbm>>
      tpu.enqueue_dma source(%arg22 : memref<2x16xf32, #tpu.memory_space<vmem>>) target(%dma_start3A_21 : memref<2x16xf32, #tpu.memory_space<hbm>>) target_semaphore(%run_scoped3A : memref<!tpu.dma_semaphore, #tpu.memory_space<semaphore_mem>>)
      %dma_wait3A = arith.constant 0 : i32
      %dma_wait3A_22 = arith.constant 0 : i32
      %dma_wait3A_23 = tpu.memref_slice %arg8[%arg0, %arg1, %dma_wait3A, %dma_wait3A_22] : memref<2x16x2x16xf32, #tpu.memory_space<hbm>> -> memref<1x1x2x16xf32, #tpu.memory_space<hbm>>
      %dma_wait3A_24 = tpu.memref_squeeze %dma_wait3A_23 : memref<1x1x2x16xf32, #tpu.memory_space<hbm>> -> memref<2x16xf32, #tpu.memory_space<hbm>>
      %dma_wait3A_25 = arith.constant 0 : i32
      %dma_wait3A_26 = arith.constant 0 : i32
      %dma_wait3A_27 = tpu.memref_slice %arg8[%arg0, %arg1, %dma_wait3A_25, %dma_wait3A_26] : memref<2x16x2x16xf32, #tpu.memory_space<hbm>> -> memref<1x1x2x16xf32, #tpu.memory_space<hbm>>
      %dma_wait3A_28 = tpu.memref_squeeze %dma_wait3A_27 : memref<1x1x2x16xf32, #tpu.memory_space<hbm>> -> memref<2x16xf32, #tpu.memory_space<hbm>>
      tpu.wait_dma2 semaphore(%run_scoped3A : memref<!tpu.dma_semaphore, #tpu.memory_space<semaphore_mem>>) src(%arg22 : memref<2x16xf32, #tpu.memory_space<vmem>>) dst(%dma_wait3A_28 : memref<2x16xf32, #tpu.memory_space<hbm>>)
      tpu.yield
    }) : () -> ()
    return
  }
}

</mosaic_0001>

<sc_bundles>
// kernel: kernel.3.cloned.1.call-start
scs
__scs_entry_jumppad:
0x0: {  	(pc) =	sbr.rel $0x88, $3  }
0x1: {  	(tag) =	ssettag $0x0;
	lr =	simm.s32 $0x1  }
0x2: {  	[smem:$0x3F9D] =	sst lr;
	_ =	strace $0xD0000000  }
0x3: {  	_ = 	snop  }
0x4: {  	_ = 	snop  }
0x5: {  	_ = 	snop  }
0x6: {  	_ = 	snop  }
0x7: {  	_ = 	snop  }
__scs_overlays_trampoline_lowered:
0x8: {  	[smem:$0x3FAC] =	sst s0  }
0x9: {  	[smem:$0x3FAD] =	sst s1  }
0xa: {  	[smem:$0x3FAE] =	sst s2  }
0xb: {  	[smem:$0x3FAF] =	sst s3  }
0xc: {  	[smem:$0x3FB0] =	sst s4  }
0xd: {  	[smem:$0x3FB1] =	sst s5  }
0xe: {  	[smem:$0x3FB2] =	sst s6  }
0xf: {  	[smem:$0x3FB3] =	sst s7  }
0x10: {  	[smem:$0x3FB4] =	sst s8  }
0x11: {  	[smem:$0x3FB5] =	sst s9;
	s0 =	simm.s32 @!p0 $0x0  }
0x12: {  	s1 =	sld [smem:$0x3F9B];
	s0 =	simm.s32 @p0 $0x1  }
0x13: {  	[smem:$0x3FB6] =	sst s0;
	s0 =	simm.s32 @!p1 $0x0  }
0x14: {  	s2 =	sld [smem:$0x3F9A];
	s0 =	simm.s32 @p1 $0x1  }
0x15: {  	[smem:$0x3FB7] =	sst s0;
	s0 =	simm.s32 @!p2 $0x0  }
0x16: {  	s3 =	sld [smem:$0x3FDB];
	s0 =	simm.s32 @p2 $0x1  }
0x17: {  	s4 =	simm.s32 $0x1BF5;
	[smem:$0x3FB9] =	sst s0  }
0x18: {  	s0 =	sld [smem:$0x3F9C];
	_ =	swait.ge [sflag:s4], $0x0  }
0x19: {  	s7 =	sld [smem:$0x3F9D]  }
0x1a: {  	s8 =	sadd.s32 $0xFFFFE003, lr  }
0x1b: {  	s9 =	sadd.s32 $0xFFFFFEF7, lr;
	s5 =	simm.s32 $0xFFFFFFFF;
	p2 =	slt.u32 s8, $0xFFFFF086  }
0x1c: {  	p1 =	slt.u32 s9, $0xF7A;
	s5 =	simm.s32 @!p2 $0x0  }
0x1d: {  	s5 =	simm.s32 @p1 $0x1;
	p0 =	seq.s32 s7, s2  }
0x1e: {  	s7 =	smul.u32 @!p0 $0xF7A, s2;
	p2 =	seq.s32 @!p0 s5, $0x0  }
0x1f: {  	s9 =	smul.u32 $0xF7A, s1;
	s8 =	simm.s32 @!p0 $0x1BF5;
	p2 =	por !p2, p0  }
0x20: {  	[sflag:s8] =	ssyncset.s32 @!p0 $0xFFFFF086;
	s6 =	sadd.s32 @!p0 s3, s7;
	s7 =	simm.s32 @!p0 $0x108  }
0x21: {  	s3 =	sadd.s32 s3, s9;
	s6 =	sadd.s32 @!p0 $0x88, s6;
	s7 =	simm.s32 @p2 $0x1082  }
0x22: {  	[simem:s7], [sflag:s8] =	dma.local @!p0 [hbm:s6], $0xF7A  }
0x23: {  	s9 =	sor.u32 $0xD0000000, s2;
	s6 =	simm.s32 $0x108;
	_ =	swait.ge @!p0 [sflag:s8], $0x0  }
0x24: {  	s3 =	sadd.s32 $0x88, s3;
	s6 =	simm.s32 @!p1 $0x1082;
	[sflag:s4] =	ssyncset.s32 $0xFFFFF086  }
0x25: {  	[simem:s6], [sflag:s4] =	dma.local [hbm:s3], $0xF7A  }
0x26: {  	[smem:$0x3F9D] =	sst s1;
	(tag) =	ssettag s2;
	_ =	strace s9  }
0x27: {  	s1 =	sld [smem:$0x3FAD]  }
0x28: {  	s2 =	sld [smem:$0x3FAE]  }
0x29: {  	s4 =	sld [smem:$0x3FB0]  }
0x2a: {  	p0 =	seq.s32 s5, $0x0;
	s5 =	sld [smem:$0x3FB1]  }
0x2b: {  	s6 =	sld [smem:$0x3FB2]  }
0x2c: {  	s7 =	sld [smem:$0x3FB3]  }
0x2d: {  	s3 =	simm.s32 $0x108;
	s8 =	sld [smem:$0x3FB4]  }
0x2e: {  	s3 =	simm.s32 @!p0 $0x1082;
	s9 =	sld [smem:$0x3FB5]  }
0x2f: {  	lr =	sadd.s32 s0, s3;
	s0 =	sld [smem:$0x3FAC]  }
0x30: {  	s3 =	sld [smem:$0x3FAF]  }
0x31: {  	[smem:$0x3FB8] =	sst s10  }
0x32: {  	s10 =	sld [smem:$0x3FB6];
	_ =	sdelay $0x3  }
0x33: {  	p0 =	seq.s32 s10, $0x1;
	s10 =	sld [smem:$0x3FB8];
	_ =	sdelay $0x3  }
0x34: {  	[smem:$0x3FB8] =	sst s10  }
0x35: {  	s10 =	sld [smem:$0x3FB7];
	_ =	sdelay $0x3  }
0x36: {  	p1 =	seq.s32 s10, $0x1;
	s10 =	sld [smem:$0x3FB8];
	_ =	sdelay $0x3  }
0x37: {  	[smem:$0x3FB8] =	sst s10  }
0x38: {  	s10 =	sld [smem:$0x3FB9]  }
0x39: {  	_ = 	snop;
	(pc) =	sbr.ind lr, $3  }
0x3a: {  	_ = 	snop  }
0x3b: {  	_ = 	snop  }
0x3c: {  	p2 =	seq.s32 s10, $0x1;
	s10 =	sld [smem:$0x3FB8]  }
0x3d: {  	_ =	shalt  }
0x3e: {  	_ =	shalt  }
0x3f: {  	_ =	shalt  }
0x40: {  	_ =	shalt  }
0x41: {  	_ =	shalt  }
0x42: {  	_ =	shalt  }
0x43: {  	_ =	shalt  }
0x44: {  	_ =	shalt  }
0x45: {  	_ =	shalt  }
0x46: {  	_ =	shalt  }
0x47: {  	_ =	shalt  }
0x48: {  	_ =	shalt  }
0x49: {  	_ =	shalt  }
0x4a: {  	_ =	shalt  }
0x4b: {  	_ =	shalt  }
0x4c: {  	_ =	shalt  }
0x4d: {  	_ =	shalt  }
0x4e: {  	_ =	shalt  }
0x4f: {  	_ =	shalt  }
0x50: {  	_ =	shalt  }
0x51: {  	_ =	shalt  }
0x52: {  	_ =	shalt  }
0x53: {  	_ =	shalt  }
0x54: {  	_ =	shalt  }
0x55: {  	_ =	shalt  }
0x56: {  	_ =	shalt  }
0x57: {  	_ =	shalt  }
0x58: {  	_ =	shalt  }
0x59: {  	_ =	shalt  }
0x5a: {  	_ =	shalt  }
0x5b: {  	_ =	shalt  }
0x5c: {  	_ =	shalt  }
0x5d: {  	_ =	shalt  }
0x5e: {  	_ =	shalt  }
0x5f: {  	_ =	shalt  }
0x60: {  	_ =	shalt  }
0x61: {  	_ =	shalt  }
0x62: {  	_ =	shalt  }
0x63: {  	_ =	shalt  }
0x64: {  	_ =	shalt  }
0x65: {  	_ =	shalt  }
0x66: {  	_ =	shalt  }
0x67: {  	_ =	shalt  }
0x68: {  	_ =	shalt  }
0x69: {  	_ =	shalt  }
0x6a: {  	_ =	shalt  }
0x6b: {  	_ =	shalt  }
0x6c: {  	_ =	shalt  }
0x6d: {  	_ =	shalt  }
0x6e: {  	_ =	shalt  }
0x6f: {  	_ =	shalt  }
0x70: {  	_ =	shalt  }
0x71: {  	_ =	shalt  }
0x72: {  	_ =	shalt  }
0x73: {  	_ =	shalt  }
0x74: {  	_ =	shalt  }
0x75: {  	_ =	shalt  }
0x76: {  	_ =	shalt  }
0x77: {  	_ =	shalt  }
0x78: {  	_ =	shalt  }
0x79: {  	_ =	shalt  }
0x7a: {  	_ =	shalt  }
0x7b: {  	_ =	shalt  }
0x7c: {  	_ =	shalt  }
0x7d: {  	_ =	shalt  }
0x7e: {  	_ =	shalt  }
0x7f: {  	_ =	shalt  }
0x80: {  	_ =	shalt  }
0x81: {  	_ =	shalt  }
0x82: {  	_ =	shalt  }
0x83: {  	_ =	shalt  }
0x84: {  	_ =	shalt  }
0x85: {  	_ =	shalt  }
0x86: {  	_ =	shalt  }
0x87: {  	_ =	shalt  }
.Lfunc_end0:
.L_simem_size_0:
called_computation_lowered:
.L_overlay_start_0:
0x88: {  	s2 =	sld [smem:$0x3FD9]  }
0x89: {  	s3 =	sld [smem:$0x3FFE];
	_ =	sdelay $0x1  }
0x8a: {  	s1 =	srdreg.scid  }
0x8b: {  	s0 =	sand.u32 $0x1, s1  }
0x8c: {  	s16 =	sshll.u32 s0, $0xA;
	s2 =	sadd.s32 s3, s2  }
0x8d: {  	s2 =	sadd.s32 s2, s16  }
0x8e: {  	[smem:$0x3FC4] =	sst s2  }
0x8f: {  	_ = 	snop  }
0x90: {  	(tm) =	ssettm $0x1  }
0x91: {  	s17 =	sld [smem:$0x3FFB];
	_ =	sdelay $0x3  }
0x92: {  	_ =	strace s17  }
0x93: {  	s2 =	sld [smem:$0x3FFC];
	_ =	sdelay $0x3  }
0x94: {  	_ =	strace s2  }
0x95: {  	s2 =	sld [smem:$0x3FFD];
	_ =	sdelay $0x3  }
0x96: {  	_ =	strace s2  }
0x97: {  	_ =	strace $0x8FFFFFFF  }
0x98: {  	s18 =	sld [smem:$0x3FDB];
	_ =	sdelay $0x1  }
0x99: {  	s19 =	simm.s32 $_scs_section_size  }
0x9a: {  	s4 =	simm.s32 $_size__tile_overlayer_lowered;
	s5 =	simm.s32 $_tile_overlayer_lowered  }
0x9b: {  	s22 =	simm.s32 $0x1BFF;
	s21 =	sshll.u32 s5, $0x1;
	s2 =	sadd.s32 s19, s18  }
0x9c: {  	s6 =	simm.s32 $0x0;
	s20 =	sshll.u32 s4, $0x1;
	s4 =	sadd.s32 s21, s2  }
0x9d: {  	[timem:s6], [sflag:s22] =	dma.local [hbm:s4], s20  }
0x9e: {  	_ =	swait.ge [sflag:s22], s20  }
0x9f: {  	s3 =	ssub.s32 $0x0, s20;
	[sflag:s22] =	ssyncset.done $0x0  }
0xa0: {  	[sflag:s22] =	ssyncadd.s32 s3;
	_ =	sdelay $0x1  }
0xa1: {  	s23 =	simm.s32 $0x1B8B  }
0xa2: {  	_ =	swait.ge [sflag:s23], $0x1  }
0xa3: {  	[sflag:s23] =	ssyncset.done $0x0  }
0xa4: {  	s25 =	simm.s32 $0x1B8E;
	s24 =	sld [smem:$0x3FFE];
	[sflag:s23] =	ssyncadd.s32 $0xFFFFFFFF  }
0xa5: {  	s26 =	simm.s32 $execute0_lowered;
	[smem:$0x3FD2] =	sst s25  }
0xa6: {  	s4 =	sshll.u32 s26, $0x1;
	_ =	strace $0x80000046;
	[dreg:$0x1] =	wrdreg $0xFFFFFFFF  }
0xa7: {  	s28 =	simm.s32 $_size_execute0_lowered;
	s2 =	sadd.s32 s2, s4;
	[dreg:$0x0] =	wrdreg $0x0  }
0xa8: {  	s4 =	sshll.u32 s28, $0x1;
	[dreg:$0x2] =	wrdreg s2  }
0xa9: {  	[dreg:$0x3] =	wrdreg s4  }
0xaa: {  	[dreg:$0x4] =	wrdreg $0xC0  }
0xab: {  	_ =	task [dreg:s6], $0x5FFFF  }
0xac: {  	[dreg:$0x1] =	wrdreg $0xFFFFFFFF  }
0xad: {  	[dreg:$0x0] =	wrdreg $0x60  }
0xae: {  	[dreg:$0x2] =	wrdreg s24  }
0xaf: {  	[dreg:$0x3] =	wrdreg $0x0  }
0xb0: {  	[dreg:$0x4] =	wrdreg $0x9  }
0xb1: {  	_ =	task.clear_ibuf [dreg:s6], $0x5FFFF;
	_ =	strace $0x90000046  }
0xb2: {  	s29 =	simm.s32 $0x9;
	_ =	strace $0x80000048  }
0xb3: {  	_ =	swait.ge [sflag:s29], $0x1  }
0xb4: {  	[sflag:s29] =	ssyncadd.s32 $0xFFFFFFFF  }
0xb5: {  	_ =	strace $0x90000048  }
0xb6: {  	_ =	sfence  }
0xb7: {  	s30 =	sld [smem:$0x0];
	_ =	sdelay $0x2  }
0xb8: {  	s31 =	sshll.u32 s1, $0xD;
	s1 =	sshrl.u32 s1, $0x2  }
0xb9: {  	s3 =	sand.u32 $0x4000, s31;
	s1 =	sadd.s32 s1, s30  }
0xba: {  	s0 =	sor.u32 s3, s0;
	s1 =	sshll.u32 s1, $0x11  }
0xbb: {  	s0 =	sor.u32 s1, s0  }
0xbc: {  	s0 =	sadd.s32 $0x8F2B, s0  }
0xbd: {  	[sflag:s0] =	ssyncadd.remote.s32 $0x1  }
0xbe: {  	_ =	sfence.sel $0xFFFF  }
0xbf: {  	[dreg:$0x0] =	wrdreg $0xFFFFFFFF;
	(pc) =	sbr.abs _section_cstart, $3  }
0xc0: {  	[dreg:$0x1] =	wrdreg $0xFFFFFFFF  }
0xc1: {  	_ =	task.clear_ibuf [dreg:s6], $0x2FFFF;
	_ =	strace $0x9FFFFFFF  }
0xc2: {  	(tm) =	ssettm $0x7FFFFFFF  }
0xc3: {  	_ =	shalt  }
tec
execute0_lowered:
.L_overlay_start_1:
0x0: {  	(tag) =	ssettag $0x1  }
0x1: {  	s0 =	rddreg [dreg:$0x0]  }
0x2: {  	s1 =	rddreg [dreg:$0x1];
	s2 =	simm.s32 $0x0  }
0x3: {  	s19 =	srdreg.scid;
	s13 =	stileid.u32;
	s17 =	simm.s32 $0x3  }
0x4: {  	s28 =	simm.s32 $0x80;
	s29 =	simm.s32 $0x13E80;
	s30 =	simm.s32 $0x14280  }
0x5: {  	s31 =	simm.s32 $0x14680;
	s14 =	simm.s32 $0x1;
	s15 =	simm.s32 $0x15680  }
0x6: {  	v0 =	vlaneseq.u32;
	s18 =	simm.s32 $0x1BC90;
	[smem:$0x7FF] =	sst s2;
	s3 =	sadd.s32 $0x400, s0  }
0x7: {  	s4 =	sadd.s32 $0x62400, s0;
	s5 =	sadd.s32 $0x10DC00, s0;
	s7 =	sadd.s32 $0xC4400, s0;
	v0 =	vmul.u32 $0x8, v0  }
0x8: {  	s8 =	sadd.s32 $0x157400, s0;
	s2 =	sand.u32 $0x1, s19;
	s12 =	smul.u32 $0x18800, s13  }
0x9: {  	v3 =	vimm.f32 $1.000000000e+00;
	s6 =	sadd.s32 $0x1A0C00, s0;
	s9 =	sshll.u32 s13, $0x2;
	s11 =	smul.u32 $0xC40, s13;
	v29 =	vor.u32 $0x1, v0  }
0xa: {  	s23 =	sshll.u32 s13, $0x6;
	s25 =	smul.u32 $0x1880, s13;
	_ =	strace $0x80000047;
	v49 =	vor.u32 $0x2, v0;
	v33 =	vor.u32 $0x3, v0;
	v6 =	vor.u32 $0x80, v0;
	[tilespmem:$0x1FF60] =	vst v29  }
0xb: {  	s19 =	simm.s32 $0x2;
	[dreg:$0x3] =	wrdreg s6;
	s20 =	ssub.s32 $0x2, s2;
	v7 =	vor.u32 $0x81, v0;
	v8 =	vor.u32 $0x82, v0;
	v60 =	vor.u32 $0x83, v0;
	[tilespmem:$0x1FF70] =	vst v33  }
0xc: {  	s0 =	sadd.s32 s9, s0;
	s21 =	sshll.u32 s2, $0x2;
	s2 =	sshll.u32 s2, $0x6;
	v10 =	vor.u32 $0x100, v0;
	v11 =	vor.u32 $0x101, v0;
	v38 =	vor.u32 $0x103, v0;
	[tilespmem:$0x1FF80] =	vst v60  }
0xd: {  	s24 =	sor.u32 $0x1C03, s23;
	s10 =	sshrl.u32 s20, $0x1;
	[dreg:$0x4] =	wrdreg s21;
	v12 =	vor.u32 $0x102, v0;
	v14 =	vor.u32 $0x180, v0;
	v39 =	vor.u32 $0x183, v0;
	[tilespmem:$0x1FF90] =	vst v38  }
0xe: {  	s22 =	sshrl.u32 s12, $0x2;
	s0 =	sadd.s32 s2, s0;
	[dreg:$0x5] =	wrdreg s24;
	v15 =	vor.u32 $0x181, v0;
	v16 =	vor.u32 $0x182, v0;
	v40 =	vor.u32 $0x203, v0;
	[tilespmem:$0x1FFA0] =	vst v39  }
0xf: {  	[dreg:$0x6] =	wrdreg s25;
	v18 =	vor.u32 $0x200, v0;
	v19 =	vor.u32 $0x201, v0;
	v41 =	vor.u32 $0x283, v0;
	s2 =	simm.s32 $0x15280;
	s21 =	simm.s32 $0x18B80;
	[tilespmem:$0x1FFB0] =	vst v40  }
0x10: {  	v20 =	vor.u32 $0x202, v0;
	v22 =	vor.u32 $0x280, v0;
	v42 =	vor.u32 $0x303, v0;
	s6 =	ssub.s32 s20, s10;
	s9 =	sadd.s32 s22, s1;
	s0 =	sadd.s32 $0x1A1A00, s0;
	[tilespmem:$0x1FFC0] =	vst v41  }
0x11: {  	v23 =	vor.u32 $0x281, v0;
	v24 =	vor.u32 $0x282, v0;
	v43 =	vor.u32 $0x383, v0;
	s20 =	simm.s32 $0x15A80;
	s22 =	simm.s32 $0x1BC80;
	s10 =	simm.s32 $0x0;
	[tilespmem:$0x1FFD0] =	vst v42  }
0x12: {  	v26 =	vor.u32 $0x300, v0;
	v27 =	vor.u32 $0x301, v0;
	v28 =	vor.u32 $0x302, v0;
	[tilespmem:$0x1FFE0] =	vst v43;
	[dreg:$0x7] =	wrdreg s0;
	s26 =	smax.u32 s6, $0x1;
	s16 =	sshrl.u32 s9, $0x3  }
0x13: {  	v30 =	vor.u32 $0x380, v0;
	v31 =	vor.u32 $0x381, v0;
	v32 =	vor.u32 $0x382, v0;
	[tilespmem:$0x1FFF0] =	vst v49;
	s0 =	simm.s32 $0x14A80;
	s6 =	simm.s32 $0x14E80;
	[dreg:$0x8] =	wrdreg s26  }
.LBB2_1:
0x14: {  	v1 =	vimm.f32 $0.0e+00  }
0x15: {  	[tilespmem:$0x1BC80] =	vst v1  }
0x16: {  	[dreg:$0x9] =	wrdreg s10;
	s23 =	simm.s32 $0x0;
	[tilespmem:$0x1BC90] =	vst v1  }
.LBB2_2:
0x17: {  	s9 =	rddreg [dreg:$0x4]  }
0x18: {  	s10 =	rddreg [dreg:$0x3]  }
0x19: {  	s12 =	rddreg [dreg:$0x5];
	s24 =	sadd.s32 s9, s23  }
0x1a: {  	[spmem:s16], [sflag:s12] =	dma.local [hbm:s10], $0xC40  }
0x1b: {  	s9 =	smul.u32 $0x49800, s24;
	_ =	swait.ge [sflag:s17], $0xC40  }
0x1c: {  	s12 =	rddreg [dreg:$0x6]  }
0x1d: {  	s9 =	sadd.s32 s12, s9  }
0x1e: {  	s25 =	simm.s32 $0x0;
	[sflag:s17] =	ssyncset.done $0x0;
	s9 =	sshrl.u32 s9, $0x3  }
0x1f: {  	s26 =	simm.s32 $0x6200;
	[sflag:s17] =	ssyncadd.s32 $0xFFFFF3C0;
	s13 =	sadd.s32 s5, s9  }
0x20: {  	[tilespmem:s26], [sflag:$0x3] =	stream.linear.gather [hbm4b:s13+s25], $0x1880, $0x38;
	[tilespmem:$0x1BCA0] =	vst v63  }
0x21: {  	_ =	swait.ge [sflag:s17], $0x1880  }
0x22: {  	[sflag:s17] =	ssyncset.done $0x0  }
0x23: {  	s13 =	sadd.s32 s7, s9;
	s26 =	simm.s32 $0xAB80;
	[sflag:s17] =	ssyncadd.s32 $0xFFFFE780  }
0x24: {  	[tilespmem:s26], [sflag:$0x3] =	stream.linear.gather [hbm4b:s13+s25], $0x1880, $0x38;
	[tilespmem:$0x1BCA0] =	vst v63  }
0x25: {  	_ =	swait.ge [sflag:s17], $0x1880  }
0x26: {  	[sflag:s17] =	ssyncset.done $0x0  }
0x27: {  	s12 =	sadd.s32 s8, s9;
	s13 =	simm.s32 $0xF500;
	[sflag:s17] =	ssyncadd.s32 $0xFFFFE780  }
0x28: {  	[tilespmem:s13], [sflag:$0x3] =	stream.linear.gather [hbm4b:s12+s25], $0x1880, $0x38;
	[tilespmem:$0x1BCA0] =	vst v63  }
0x29: {  	_ =	swait.ge [sflag:s17], $0x1880  }
0x2a: {  	s10 =	sadd.s32 $0x3100, s9;
	[sflag:s17] =	ssyncset.done $0x0  }
0x2b: {  	s26 =	sadd.s32 s5, s10;
	s13 =	simm.s32 $0x7A80;
	[sflag:s17] =	ssyncadd.s32 $0xFFFFE780  }
0x2c: {  	[tilespmem:s13], [sflag:$0x3] =	stream.linear.gather [hbm4b:s26+s25], $0x1880, $0x38;
	[tilespmem:$0x1BCA0] =	vst v63  }
0x2d: {  	_ =	swait.ge [sflag:s17], $0x1880  }
0x2e: {  	[sflag:s17] =	ssyncset.done $0x0  }
0x2f: {  	s13 =	sadd.s32 s7, s10;
	s26 =	simm.s32 $0xC400;
	[sflag:s17] =	ssyncadd.s32 $0xFFFFE780  }
0x30: {  	[tilespmem:s26], [sflag:$0x3] =	stream.linear.gather [hbm4b:s13+s25], $0x1880, $0x38;
	[tilespmem:$0x1BCA0] =	vst v63  }
0x31: {  	_ =	swait.ge [sflag:s17], $0x1880  }
0x32: {  	[sflag:s17] =	ssyncset.done $0x0  }
0x33: {  	s10 =	sadd.s32 s8, s10;
	s26 =	simm.s32 $0x10D80;
	[sflag:s17] =	ssyncadd.s32 $0xFFFFE780  }
0x34: {  	[tilespmem:s26], [sflag:$0x3] =	stream.linear.gather [hbm4b:s10+s25], $0x1880, $0x38;
	[tilespmem:$0x1BCA0] =	vst v63  }
0x35: {  	_ =	swait.ge [sflag:s17], $0x1880  }
0x36: {  	s9 =	sadd.s32 $0x6200, s9;
	[sflag:s17] =	ssyncset.done $0x0  }
0x37: {  	s13 =	sadd.s32 s5, s9;
	s26 =	simm.s32 $0x9300;
	[sflag:s17] =	ssyncadd.s32 $0xFFFFE780  }
0x38: {  	[tilespmem:s26], [sflag:$0x3] =	stream.linear.gather [hbm4b:s13+s25], $0x1880, $0x38;
	[tilespmem:$0x1BCA0] =	vst v63  }
0x39: {  	_ =	swait.ge [sflag:s17], $0x1880  }
0x3a: {  	[sflag:s17] =	ssyncset.done $0x0  }
0x3b: {  	s12 =	sadd.s32 s7, s9;
	s13 =	simm.s32 $0xDC80;
	[sflag:s17] =	ssyncadd.s32 $0xFFFFE780  }
0x3c: {  	[tilespmem:s13], [sflag:$0x3] =	stream.linear.gather [hbm4b:s12+s25], $0x1880, $0x38;
	[tilespmem:$0x1BCA0] =	vst v63  }
0x3d: {  	_ =	swait.ge [sflag:s17], $0x1880  }
0x3e: {  	[sflag:s17] =	ssyncset.done $0x0  }
0x3f: {  	s9 =	sadd.s32 s8, s9;
	s26 =	simm.s32 $0x12600;
	[sflag:s17] =	ssyncadd.s32 $0xFFFFE780  }
0x40: {  	[tilespmem:s26], [sflag:$0x3] =	stream.linear.gather [hbm4b:s9+s25], $0x1880, $0x38;
	[tilespmem:$0x1BCA0] =	vst v63  }
0x41: {  	_ =	swait.ge [sflag:s17], $0x1880  }
0x42: {  	[sflag:s17] =	ssyncset.done $0x0  }
0x43: {  	[sflag:s17] =	ssyncadd.s32 $0xFFFFE780  }
0x44: {  	[bflag:$0x0] =	sbarrier.arrive $0xFFFF  }
.LBB2_3:
0x45: {  	s26 =	sshra.s32 s25, $0x2  }
0x46: {  	s9 =	sadd.s32 $0x6200, s26  }
0x47: {  	[tilespmem:s29], [sflag:$0x1] =	stream.indirect.gather [hbm4b:s3+s28], $0x8, s9, s28, $0xb8;
	[tilespmem:$0x1BCA0] =	vst v63  }
0x48: {  	s13 =	sadd.s32 $0x7A80, s26  }
0x49: {  	[tilespmem:s30], [sflag:$0x1] =	stream.indirect.gather [hbm4b:s3+s28], $0x8, s13, s28, $0xb8;
	[tilespmem:$0x1BCA0] =	vst v63  }
0x4a: {  	s10 =	sadd.s32 $0x9300, s26  }
0x4b: {  	[tilespmem:s31], [sflag:$0x1] =	stream.indirect.gather [hbm4b:s3+s28], $0x8, s10, s28, $0xb8;
	[tilespmem:$0x1BCA0] =	vst v63  }
0x4c: {  	s12 =	sadd.s32 $0xF500, s26  }
0x4d: {  	[tilespmem:s0], [sflag:$0x1] =	stream.indirect.gather [hbm4b:s4+s28], $0x8, s12, s28, $0xb8;
	[tilespmem:$0x1BCA0] =	vst v63  }
0x4e: {  	p0 =	seq.s32 s25, $0x0;
	s13 =	sadd.s32 $0x10D80, s26  }
0x4f: {  	[tilespmem:s6], [sflag:$0x1] =	stream.indirect.gather [hbm4b:s4+s28], $0x8, s13, s28, $0xb8;
	[tilespmem:$0x1BCA0] =	vst v63  }
0x50: {  	s9 =	simm.s32 @!p0 $0x2;
	s10 =	sadd.s32 $0x12600, s26  }
0x51: {  	[tilespmem:s2], [sflag:$0x1] =	stream.indirect.gather [hbm4b:s4+s28], $0x8, s10, s28, $0xb8;
	[tilespmem:$0x1BCA0] =	vst v63  }
0x52: {  	_ =	swait.ge @!p0 [sflag:s9], $0x400  }
0x53: {  	[sflag:s9] =	ssyncset.done @!p0 $0x0  }
0x54: {  	[sflag:s9] =	ssyncadd.s32 @!p0 $0xFFFFFC00  }
0x55: {  	_ =	swait.ge @!p0 [sflag:s9], $0x400  }
0x56: {  	[sflag:s9] =	ssyncset.done @!p0 $0x0  }
0x57: {  	[sflag:s9] =	ssyncadd.s32 @!p0 $0xFFFFFC00  }
0x58: {  	_ =	swait.ge @!p0 [sflag:s9], $0x400  }
0x59: {  	[sflag:s9] =	ssyncset.done @!p0 $0x0  }
0x5a: {  	[sflag:s9] =	ssyncadd.s32 @!p0 $0xFFFFFC00  }
0x5b: {  	_ =	swait.ge [sflag:s14], $0x400  }
0x5c: {  	[sflag:s14] =	ssyncset.done $0x0  }
0x5d: {  	[sflag:s14] =	ssyncadd.s32 $0xFFFFFC00  }
0x5e: {  	_ =	swait.ge [sflag:s14], $0x400  }
0x5f: {  	[sflag:s14] =	ssyncset.done $0x0  }
0x60: {  	[sflag:s14] =	ssyncadd.s32 $0xFFFFFC00  }
0x61: {  	_ =	swait.ge [sflag:s14], $0x400  }
0x62: {  	[sflag:s14] =	ssyncset.done $0x0  }
0x63: {  	[sflag:s14] =	ssyncadd.s32 $0xFFFFFC00  }
0x64: {  	_ =	swait.ge [sflag:s14], $0x400  }
0x65: {  	[sflag:s14] =	ssyncset.done $0x0  }
0x66: {  	[sflag:s14] =	ssyncadd.s32 $0xFFFFFC00  }
0x67: {  	_ =	swait.ge [sflag:s14], $0x400  }
0x68: {  	[sflag:s14] =	ssyncset.done $0x0  }
0x69: {  	[sflag:s14] =	ssyncadd.s32 $0xFFFFFC00  }
0x6a: {  	_ =	swait.ge [sflag:s14], $0x400  }
0x6b: {  	[sflag:s14] =	ssyncset.done $0x0  }
0x6c: {  	[sflag:s14] =	ssyncadd.s32 $0xFFFFFC00  }
0x6d: {  	v34 =	vld.idx.msk [tilespmem:v0+s29+$0x0], $0xffff  }
0x6e: {  	v35 =	vld.idx.msk [tilespmem:v29+s29+$0x0], $0xffff  }
0x6f: {  	v36 =	vld.idx.msk [tilespmem:v49+s29+$0x0], $0xffff  }
0x70: {  	v37 =	vld.idx.msk [tilespmem:v0+s30+$0x0], $0xffff  }
0x71: {  	v38 =	vld.idx.msk [tilespmem:v29+s30+$0x0], $0xffff  }
0x72: {  	v39 =	vld.idx.msk [tilespmem:v49+s30+$0x0], $0xffff  }
0x73: {  	v40 =	vld.idx.msk [tilespmem:v0+s31+$0x0], $0xffff  }
0x74: {  	v41 =	vld.idx.msk [tilespmem:v29+s31+$0x0], $0xffff  }
0x75: {  	v42 =	vld.idx.msk [tilespmem:v49+s31+$0x0], $0xffff  }
0x76: {  	v43 =	vadd.f32 v37, v34  }
0x77: {  	v44 =	vadd.f32 v38, v35  }
0x78: {  	v45 =	vadd.f32 v39, v36;
	v43 =	vadd.f32 v40, v43  }
0x79: {  	v44 =	vadd.f32 v41, v44  }
0x7a: {  	v58 =	vadd.f32 v42, v45;
	[tilespmem:v0+s15+$0x0] =	vst.idx.msk $0xffff, v43  }
0x7b: {  	[tilespmem:v29+s15+$0x0] =	vst.idx.msk $0xffff, v44  }
0x7c: {  	[tilespmem:v49+s15+$0x0] =	vst.idx.msk $0xffff, v58  }
0x7d: {  	[tilespmem:v33+s15+$0x0] =	vst.idx.msk $0xffff, v3  }
0x7e: {  	v43 =	vld.idx.msk [tilespmem:v0+s0+$0x0], $0xffff  }
0x7f: {  	v44 =	vld.idx.msk [tilespmem:v29+s0+$0x0], $0xffff  }
0x80: {  	v59 =	vld.idx.msk [tilespmem:v49+s0+$0x0], $0xffff  }
0x81: {  	v46 =	vld.idx.msk [tilespmem:v0+s6+$0x0], $0xffff  }
0x82: {  	v47 =	vld.idx.msk [tilespmem:v29+s6+$0x0], $0xffff  }
0x83: {  	v38 =	vsub.f32 v38, v35;
	v39 =	vsub.f32 v39, v36;
	v48 =	vld.idx.msk [tilespmem:v49+s6+$0x0], $0xffff  }
0x84: {  	v35 =	vsub.f32 v41, v35;
	v36 =	vsub.f32 v42, v36;
	v61 =	vld.idx.msk [tilespmem:v29+s2+$0x0], $0xffff  }
0x85: {  	v62 =	vld.idx.msk [tilespmem:v49+s2+$0x0], $0xffff  }
0x86: {  	v40 =	vsub.f32 v40, v34;
	v63 =	vmul.f32 v36, v38;
	v50 =	vmul.f32 v35, v39;
	v51 =	vld.idx.msk [tilespmem:v0+s2+$0x0], $0xffff  }
0x87: {  	v34 =	vsub.f32 v37, v34  }
0x88: {  	v53 =	vmul.f32 v40, v39;
	v49 =	vsub.f32 v63, v50;
	v54 =	vsub.f32 v47, v44  }
0x89: {  	v36 =	vmul.f32 v36, v34;
	v55 =	vsub.f32 v48, v59;
	v56 =	vsub.f32 v61, v44  }
0x8a: {  	v34 =	vmul.f32 v35, v34;
	v57 =	vsub.f32 v62, v59;
	v58 =	vsub.f32 v46, v43  }
0x8b: {  	v38 =	vmul.f32 v40, v38;
	v59 =	vsub.f32 v51, v43;
	v43 =	vsub.f32 v53, v36  }
0x8c: {  	v48 =	vmul.f32 v49, v49;
	v61 =	vmul.f32 v57, v54  }
0x8d: {  	v44 =	vsub.f32 v34, v38;
	v62 =	vmul.f32 v56, v55;
	v50 =	vmul.f32 v43, v43  }
0x8e: {  	v63 =	vmul.f32 v59, v55;
	v33 =	vmul.f32 v57, v58  }
0x8f: {  	v42 =	vld.idx.msk [tilespmem:v7+s29+$0x0], $0xffff;
	v52 =	vmul.f32 v59, v54;
	v54 =	vmul.f32 v44, v44;
	v53 =	vadd.f32 v50, v48  }
0x90: {  	v36 =	vld.idx.msk [tilespmem:v6+s29+$0x0], $0xffff;
	v51 =	vmul.f32 v56, v58;
	v46 =	vsub.f32 v61, v62;
	v37 =	vsub.f32 v63, v33  }
0x91: {  	v47 =	vld.idx.msk [tilespmem:v6+s30+$0x0], $0xffff;
	v39 =	vadd.f32 v53, v54  }
0x92: {  	v38 =	vsub.f32 v51, v52;
	v62 =	vld.idx.msk [tilespmem:v7+s30+$0x0], $0xffff;
	v55 =	vmul.f32 v46, v46;
	v56 =	vmul.f32 v37, v37  }
0x93: {  	v52 =	vld.idx.msk [tilespmem:v6+s31+$0x0], $0xffff;
	v58 =	vshrl.u32 v39, $0x1;
	v41 =	vmul.f32 $5.000000000e-01, v39  }
0x94: {  	v57 =	vmul.f32 v38, v38;
	v54 =	vld.idx.msk [tilespmem:v7+s31+$0x0], $0xffff;
	v34 =	vadd.f32 v56, v55;
	v40 =	vsub.s32 $0x5F3759DF, v58  }
0x95: {  	v56 =	vld.idx.msk [tilespmem:v8+s31+$0x0], $0xffff;
	v59 =	vmul.f32 v40, v41  }
0x96: {  	v45 =	vadd.f32 v34, v57;
	v34 =	vld.idx.msk [tilespmem:v8+s29+$0x0], $0xffff  }
0x97: {  	v63 =	vadd.f32 v47, v36;
	v55 =	vld.idx.msk [tilespmem:v8+s30+$0x0], $0xffff;
	v35 =	vmul.f32 v40, v59  }
0x98: {  	v47 =	vsub.f32 v47, v36;
	v61 =	vshrl.u32 v45, $0x1;
	v50 =	vmul.f32 $5.000000000e-01, v45  }
0x99: {  	v57 =	vadd.f32 v62, v42;
	v48 =	vsub.s32 $0x5F3759DF, v61;
	v35 =	vsub.f32 $1.500000000e+00, v35  }
0x9a: {  	v51 =	vsub.f32 v62, v42;
	v42 =	vsub.f32 v54, v42;
	v53 =	vmul.f32 v48, v50  }
0x9b: {  	v57 =	vadd.f32 v54, v57;
	v54 =	vsub.f32 v56, v34;
	v40 =	vmul.f32 v40, v35  }
0x9c: {  	v36 =	vsub.f32 v52, v36;
	v59 =	vsub.f32 v55, v34;
	v53 =	vmul.f32 v48, v53  }
0x9d: {  	v34 =	vadd.f32 v55, v34;
	v33 =	vmul.f32 v54, v51;
	v58 =	vmul.f32 v40, v41  }
0x9e: {  	v35 =	vadd.f32 v52, v63;
	v61 =	vmul.f32 v42, v59;
	v63 =	vmul.f32 v36, v59  }
0x9f: {  	v54 =	vmul.f32 v54, v47;
	v53 =	vsub.f32 $1.500000000e+00, v53;
	v58 =	vmul.f32 v58, v40  }
0xa0: {  	v56 =	vadd.f32 v56, v34;
	v42 =	vmul.f32 v42, v47;
	v36 =	vmul.f32 v36, v51  }
0xa1: {  	[tilespmem:v6+s15+$0x0] =	vst.idx.msk $0xffff, v35;
	v35 =	vsub.f32 v33, v61;
	v48 =	vmul.f32 v48, v53;
	v62 =	vsub.f32 $1.500000000e+00, v58  }
0xa2: {  	[tilespmem:v7+s15+$0x0] =	vst.idx.msk $0xffff, v57;
	v34 =	vsub.f32 v63, v54;
	v36 =	vsub.f32 v42, v36  }
0xa3: {  	[tilespmem:v8+s15+$0x0] =	vst.idx.msk $0xffff, v56;
	v57 =	vmul.f32 v48, v50;
	v40 =	vmul.f32 v62, v40  }
0xa4: {  	v2 =	vld [tilespmem:$0x1FF90];
	v59 =	vmul.f32 v34, v34;
	[tilespmem:v60+s15+$0x0] =	vst.idx.msk $0xffff, v3;
	v58 =	vmul.f32 v35, v35  }
0xa5: {  	v52 =	vld.idx.msk [tilespmem:v6+s0+$0x0], $0xffff;
	v47 =	vmul.f32 v57, v48;
	v41 =	vmul.f32 v40, v41  }
0xa6: {  	v61 =	vmul.f32 v36, v36;
	v53 =	vld.idx.msk [tilespmem:v7+s0+$0x0], $0xffff;
	v42 =	vadd.f32 v59, v58  }
0xa7: {  	v54 =	vld.idx.msk [tilespmem:v6+s6+$0x0], $0xffff;
	v47 =	vsub.f32 $1.500000000e+00, v47;
	v41 =	vmul.f32 v41, v40  }
0xa8: {  	vm0 =	vle.f32 v39, $1.000000020e-24;
	v39 =	vld.idx.msk [tilespmem:v8+s2+$0x0], $0xffff;
	v51 =	vadd.f32 v42, v61  }
0xa9: {  	v42 =	vld.idx.msk [tilespmem:v8+s0+$0x0], $0xffff;
	v47 =	vmul.f32 v47, v48;
	v41 =	vsub.f32 $1.500000000e+00, v41  }
0xaa: {  	v62 =	vshrl.u32 v51, $0x1;
	v55 =	vmul.f32 $5.000000000e-01, v51;
	v48 =	vld.idx.msk [tilespmem:v8+s6+$0x0], $0xffff  }
0xab: {  	v56 =	vld.idx.msk [tilespmem:v7+s6+$0x0], $0xffff;
	v50 =	vmul.f32 v47, v50;
	v40 =	vmul.f32 v41, v40;
	v41 =	vsub.s32 $0x5F3759DF, v62  }
0xac: {  	v58 =	vld.idx.msk [tilespmem:v7+s2+$0x0], $0xffff;
	v63 =	vmul.f32 v41, v55  }
0xad: {  	v33 =	vld.idx.msk [tilespmem:v6+s2+$0x0], $0xffff;
	v50 =	vmul.f32 v50, v47  }
0xae: {  	v60 =	vld.idx.msk [tilespmem:v10+s29+$0x0], $0xffff;
	v39 =	vsub.f32 v39, v42;
	v40 =	vsel vm0, $0x5368D4A5, v40;
	v57 =	vmul.f32 v41, v63  }
0xaf: {  	v59 =	vld.idx.msk [tilespmem:v12+s30+$0x0], $0xffff;
	v48 =	vsub.f32 v48, v42;
	v50 =	vsub.f32 $1.500000000e+00, v50;
	v49 =	vmul.f32 v40, v49  }
0xb0: {  	v61 =	vld.idx.msk [tilespmem:v11+s29+$0x0], $0xffff;
	v43 =	vmul.f32 v40, v43;
	v40 =	vmul.f32 v40, v44;
	v57 =	vsub.f32 $1.500000000e+00, v57  }
0xb1: {  	v62 =	vld.idx.msk [tilespmem:v10+s31+$0x0], $0xffff;
	v44 =	vsub.f32 v56, v53;
	v47 =	vmul.f32 v50, v47;
	v50 =	vsub.f32 v58, v53  }
0xb2: {  	v42 =	vsub.f32 v33, v52;
	v53 =	vld.idx.msk [tilespmem:v10+s30+$0x0], $0xffff;
	v57 =	vmul.f32 v41, v57;
	v41 =	vsub.f32 v54, v52  }
0xb3: {  	v33 =	vmul.f32 v39, v44;
	v58 =	vmul.f32 v50, v48;
	v52 =	vld.idx.msk [tilespmem:v11+s30+$0x0], $0xffff  }
0xb4: {  	v56 =	vld.idx.msk [tilespmem:v12+s29+$0x0], $0xffff;
	v48 =	vmul.f32 v42, v48;
	v39 =	vmul.f32 v39, v41  }
0xb5: {  	vm13 =	vle.f32 v45, $1.000000020e-24;
	v44 =	vmul.f32 v42, v44;
	v41 =	vmul.f32 v50, v41;
	v50 =	vld.idx.msk [tilespmem:v11+s31+$0x0], $0xffff  }
0xb6: {  	v47 =	vsel vm13, $0x5368D4A5, v47;
	v42 =	vsub.f32 v48, v39;
	v39 =	vld.idx.msk [tilespmem:v12+s31+$0x0], $0xffff  }
0xb7: {  	v63 =	vmul.f32 v47, v46;
	v41 =	vsub.f32 v41, v44;
	v44 =	vadd.f32 v53, v60  }
0xb8: {  	v37 =	vmul.f32 v47, v37;
	v45 =	vsub.f32 v33, v58;
	v58 =	vadd.f32 v52, v61  }
0xb9: {  	v1 =	vadd.f32 v59, v56;
	v46 =	vmul.f32 v57, v55;
	v44 =	vadd.f32 v62, v44  }
0xba: {  	v48 =	vmul.f32 v45, v45;
	v33 =	vmul.f32 v42, v42;
	v58 =	vadd.f32 v50, v58  }
0xbb: {  	v46 =	vmul.f32 v46, v57;
	[tilespmem:v10+s15+$0x0] =	vst.idx.msk $0xffff, v44;
	v1 =	vadd.f32 v39, v1  }
0xbc: {  	v48 =	vadd.f32 v33, v48;
	v33 =	vmul.f32 v41, v41;
	[tilespmem:v11+s15+$0x0] =	vst.idx.msk $0xffff, v58  }
0xbd: {  	v44 =	vmul.f32 v47, v38;
	v38 =	vsub.f32 $1.500000000e+00, v46;
	v46 =	vsub.f32 v59, v56;
	[tilespmem:v12+s15+$0x0] =	vst.idx.msk $0xffff, v1  }
0xbe: {  	v39 =	vsub.f32 v39, v56;
	v47 =	vadd.f32 v48, v33;
	[tilespmem:v2+s15+$0x0] =	vst.idx.msk $0xffff, v3  }
0xbf: {  	v48 =	vsub.f32 v50, v61;
	v57 =	vmul.f32 v38, v57;
	v1 =	vsub.f32 v52, v61;
	v54 =	vld.idx.msk [tilespmem:v10+s0+$0x0], $0xffff  }
0xc0: {  	v52 =	vsub.f32 v53, v60;
	v53 =	vsub.f32 v62, v60;
	v50 =	vmul.f32 $5.000000000e-01, v47;
	v60 =	vld.idx.msk [tilespmem:v11+s0+$0x0], $0xffff  }
0xc1: {  	v49 =	vsub.f32 v49, v63;
	v59 =	vmul.f32 v48, v46;
	v58 =	vmul.f32 v39, v1;
	v62 =	vld.idx.msk [tilespmem:v12+s0+$0x0], $0xffff  }
0xc2: {  	v33 =	vshrl.u32 v47, $0x1;
	v39 =	vmul.f32 v39, v52;
	v48 =	vmul.f32 v48, v52;
	v52 =	vld.idx.msk [tilespmem:v11+s6+$0x0], $0xffff  }
0xc3: {  	v56 =	vsub.s32 $0x5F3759DF, v33;
	v61 =	vmul.f32 v53, v46;
	v1 =	vmul.f32 v53, v1;
	v63 =	vld.idx.msk [tilespmem:v10+s2+$0x0], $0xffff  }
0xc4: {  	v53 =	vmul.f32 v57, v55;
	v33 =	vmul.f32 v56, v50;
	v46 =	vsub.f32 v58, v59;
	v59 =	vld.idx.msk [tilespmem:v12+s6+$0x0], $0xffff  }
0xc5: {  	v37 =	vsub.f32 v43, v37;
	v39 =	vsub.f32 v61, v39;
	v61 =	vld.idx.msk [tilespmem:v11+s2+$0x0], $0xffff  }
0xc6: {  	v4 =	vsub.f32 v40, v44;
	v43 =	vmul.f32 v53, v57;
	v53 =	vld.idx.msk [tilespmem:v12+s2+$0x0], $0xffff;
	v55 =	vmul.f32 v56, v33  }
0xc7: {  	v58 =	vld.idx.msk [tilespmem:v10+s6+$0x0], $0xffff;
	v38 =	vsub.f32 v48, v1;
	v1 =	vmul.f32 v46, v46;
	v33 =	vmul.f32 v39, v39  }
0xc8: {  	v9 =	vmul.f32 v37, v37;
	v37 =	vsub.f32 $1.500000000e+00, v43;
	v55 =	vsub.f32 $1.500000000e+00, v55  }
0xc9: {  	v40 =	vsub.f32 v52, v60;
	v1 =	vadd.f32 v33, v1;
	v33 =	vmul.f32 v38, v38  }
0xca: {  	v55 =	vmul.f32 v56, v55;
	v43 =	vsub.f32 v59, v62;
	v48 =	vsub.f32 v61, v60  }
0xcb: {  	v37 =	vmul.f32 v37, v57;
	v1 =	vadd.f32 v1, v33;
	v33 =	vsub.f32 v53, v62  }
0xcc: {  	v53 =	vsub.f32 v58, v54;
	v54 =	vsub.f32 v63, v54;
	v44 =	vmul.f32 v55, v50  }
0xcd: {  	v59 =	vmul.f32 v48, v43;
	v52 =	vmul.f32 $5.000000000e-01, v1  }
0xce: {  	vm14 =	vle.f32 v51, $1.000000020e-24;
	v13 =	vld.idx.msk [tilespmem:v16+s30+$0x0], $0xffff;
	v58 =	vmul.f32 v33, v40;
	v60 =	vmul.f32 v54, v43  }
0xcf: {  	v57 =	vld.idx.msk [tilespmem:v14+s30+$0x0], $0xffff;
	v63 =	vshrl.u32 v1, $0x1;
	v51 =	vmul.f32 v33, v53;
	v48 =	vmul.f32 v48, v53  }
0xd0: {  	v40 =	vmul.f32 v54, v40;
	v56 =	vsub.s32 $0x5F3759DF, v63;
	v43 =	vsub.f32 v58, v59;
	v58 =	vld.idx.msk [tilespmem:v15+s29+$0x0], $0xffff  }
0xd1: {  	v62 =	vmul.f32 v44, v55;
	v33 =	vmul.f32 v56, v52;
	v44 =	vsub.f32 v60, v51;
	v60 =	vld.idx.msk [tilespmem:v15+s30+$0x0], $0xffff  }
0xd2: {  	v49 =	vmul.f32 v49, v49;
	v4 =	vmul.f32 v4, v4;
	v59 =	vld.idx.msk [tilespmem:v15+s31+$0x0], $0xffff  }
0xd3: {  	v61 =	vld.idx.msk [tilespmem:v14+s29+$0x0], $0xffff;
	v40 =	vsub.f32 v48, v40;
	v53 =	vsub.f32 $1.500000000e+00, v62;
	v54 =	vmul.f32 v56, v33  }
0xd4: {  	v62 =	vsel vm14, $0x5368D4A5, v37;
	v37 =	vld.idx.msk [tilespmem:v14+s31+$0x0], $0xffff;
	v48 =	vmul.f32 v43, v43;
	v33 =	vmul.f32 v44, v44  }
0xd5: {  	v51 =	vld.idx.msk [tilespmem:v16+s29+$0x0], $0xffff;
	v17 =	vmul.f32 v62, v34;
	v53 =	vmul.f32 v53, v55;
	v54 =	vsub.f32 $1.500000000e+00, v54  }
0xd6: {  	v34 =	vld.idx.msk [tilespmem:v16+s31+$0x0], $0xffff;
	v55 =	vmul.f32 v40, v40;
	v48 =	vadd.f32 v33, v48;
	v33 =	vadd.f32 v60, v58  }
0xd7: {  	v63 =	vmul.f32 v62, v35;
	v60 =	vsub.f32 v60, v58;
	v58 =	vsub.f32 v59, v58  }
0xd8: {  	v35 =	vmul.f32 v53, v50;
	v50 =	vadd.f32 v48, v55;
	v48 =	vadd.f32 v57, v61  }
0xd9: {  	v54 =	vmul.f32 v56, v54;
	v57 =	vsub.f32 v57, v61;
	v61 =	vsub.f32 v37, v61  }
0xda: {  	v35 =	vmul.f32 v35, v53;
	v55 =	vadd.f32 v59, v33;
	v33 =	vsub.f32 v13, v51  }
0xdb: {  	v59 =	vsub.f32 v34, v51;
	v13 =	vadd.f32 v13, v51;
	v56 =	vmul.f32 v54, v52  }
0xdc: {  	v2 =	vld [tilespmem:$0x1FFA0];
	v21 =	vshrl.u32 v50, $0x1;
	v25 =	vmul.f32 $5.000000000e-01, v50;
	v48 =	vadd.f32 v37, v48  }
0xdd: {  	v21 =	vsub.s32 $0x5F3759DF, v21;
	v37 =	vmul.f32 v59, v60;
	v51 =	vmul.f32 v58, v33  }
0xde: {  	v33 =	vmul.f32 v61, v33;
	v59 =	vmul.f32 v59, v57;
	v13 =	vadd.f32 v34, v13  }
0xdf: {  	v29 =	vmul.f32 v21, v25;
	v56 =	vmul.f32 v56, v54;
	[tilespmem:v14+s15+$0x0] =	vst.idx.msk $0xffff, v48  }
0xe0: {  	v35 =	vsub.f32 $1.500000000e+00, v35;
	[tilespmem:v15+s15+$0x0] =	vst.idx.msk $0xffff, v55;
	v34 =	vsub.f32 v33, v59;
	v59 =	vmul.f32 v58, v57  }
0xe1: {  	v37 =	vsub.f32 v37, v51;
	v55 =	vmul.f32 v61, v60;
	v29 =	vmul.f32 v21, v29  }
0xe2: {  	vm15 =	vle.f32 v47, $1.000000020e-24;
	v57 =	vmul.f32 v35, v53;
	v58 =	vsub.f32 $1.500000000e+00, v56  }
0xe3: {  	[tilespmem:v16+s15+$0x0] =	vst.idx.msk $0xffff, v13;
	v35 =	vsub.f32 v59, v55;
	v13 =	vmul.f32 v37, v37;
	v29 =	vsub.f32 $1.500000000e+00, v29  }
0xe4: {  	v59 =	vmul.f32 v34, v34;
	v48 =	vsel vm15, $0x5368D4A5, v57;
	[tilespmem:v2+s15+$0x0] =	vst.idx.msk $0xffff, v3;
	v2 =	vld [tilespmem:$0x1FFB0];
	v51 =	vmul.f32 v58, v54  }
0xe5: {  	v9 =	vadd.f32 v9, v49;
	v33 =	vld.idx.msk [tilespmem:v14+s0+$0x0], $0xffff;
	v45 =	vmul.f32 v48, v45;
	v21 =	vmul.f32 v21, v29  }
0xe6: {  	v53 =	vld.idx.msk [tilespmem:v15+s0+$0x0], $0xffff;
	v42 =	vmul.f32 v48, v42;
	v13 =	vadd.f32 v59, v13;
	v29 =	vmul.f32 v35, v35  }
0xe7: {  	v4 =	vadd.f32 v9, v4;
	v55 =	vld.idx.msk [tilespmem:v15+s6+$0x0], $0xffff;
	v52 =	vmul.f32 v51, v52;
	v60 =	vmul.f32 v21, v25  }
0xe8: {  	v47 =	vmul.f32 v62, v36;
	v56 =	vld.idx.msk [tilespmem:v16+s6+$0x0], $0xffff;
	v45 =	vsub.f32 v63, v45;
	v36 =	vadd.f32 v13, v29  }
0xe9: {  	v17 =	vsub.f32 v17, v42;
	v63 =	vld.idx.msk [tilespmem:v15+s2+$0x0], $0xffff;
	v61 =	vmul.f32 v52, v51;
	v62 =	vmul.f32 v60, v21  }
0xea: {  	v13 =	vld.idx.msk [tilespmem:v16+s0+$0x0], $0xffff;
	v29 =	vmul.f32 v48, v41;
	v60 =	vshrl.u32 v36, $0x1;
	v54 =	vmul.f32 $5.000000000e-01, v36  }
0xeb: {  	v48 =	vld.idx.msk [tilespmem:v14+s6+$0x0], $0xffff;
	v41 =	vsub.f32 $1.500000000e+00, v61;
	v52 =	vsub.s32 $0x5F3759DF, v60;
	v61 =	vsub.f32 $1.500000000e+00, v62  }
0xec: {  	vm4 =	vle.f32 v1, $1.000000020e-24;
	v45 =	vmul.f32 v45, v45;
	v60 =	vld.idx.msk [tilespmem:v16+s2+$0x0], $0xffff;
	v62 =	vmul.f32 v52, v54  }
0xed: {  	vm5 =	vle.f32 v50, $1.000000020e-24;
	v17 =	vmul.f32 v17, v17;
	v9 =	vmul.f32 v61, v21;
	v61 =	vld.idx.msk [tilespmem:v14+s2+$0x0], $0xffff  }
0xee: {  	v1 =	vld.idx.msk [tilespmem:v18+s29+$0x0], $0xffff;
	v49 =	vsub.f32 v55, v53;
	v29 =	vsub.f32 v47, v29;
	v21 =	vmul.f32 v52, v62  }
0xef: {  	v57 =	vld.idx.msk [tilespmem:v18+s30+$0x0], $0xffff;
	v4 =	vadd.f32 v45, v4;
	v53 =	vsub.f32 v63, v53;
	v41 =	vmul.f32 v41, v51  }
0xf0: {  	v58 =	vld.idx.msk [tilespmem:v18+s31+$0x0], $0xffff;
	v63 =	vsub.f32 v48, v33;
	v25 =	vmul.f32 v9, v25;
	v21 =	vsub.f32 $1.500000000e+00, v21  }
0xf1: {  	v42 =	vld.idx.msk [tilespmem:v19+s30+$0x0], $0xffff;
	v29 =	vmul.f32 v29, v29;
	v62 =	vsub.f32 v56, v13;
	v13 =	vsub.f32 v60, v13  }
0xf2: {  	v51 =	vld.idx.msk [tilespmem:v19+s29+$0x0], $0xffff;
	v25 =	vmul.f32 v25, v9;
	v21 =	vmul.f32 v52, v21;
	v33 =	vsub.f32 v61, v33  }
0xf3: {  	v4 =	vadd.f32 v4, v17;
	v56 =	vld.idx.msk [tilespmem:v20+s29+$0x0], $0xffff;
	v60 =	vmul.f32 v13, v49;
	v13 =	vmul.f32 v13, v63  }
0xf4: {  	v41 =	vsel vm4, $0x5368D4A5, v41;
	v52 =	vld.idx.msk [tilespmem:v20+s30+$0x0], $0xffff;
	v61 =	vmul.f32 v53, v62;
	v55 =	vmul.f32 v33, v62  }
0xf5: {  	v17 =	vmul.f32 v53, v63;
	v53 =	vld.idx.msk [tilespmem:v19+s31+$0x0], $0xffff;
	v25 =	vsub.f32 $1.500000000e+00, v25;
	v33 =	vmul.f32 v33, v49  }
0xf6: {  	v46 =	vmul.f32 v41, v46;
	v49 =	vsub.f32 v60, v61;
	v48 =	vsub.f32 v55, v13;
	v13 =	vld.idx.msk [tilespmem:v20+s31+$0x0], $0xffff  }
0xf7: {  	v39 =	vmul.f32 v41, v39;
	v47 =	vsub.f32 v17, v33;
	v17 =	vadd.f32 v57, v1  }
0xf8: {  	v60 =	vadd.f32 v42, v51;
	v9 =	vmul.f32 v25, v9;
	v25 =	vmul.f32 v21, v54  }
0xf9: {  	v38 =	vmul.f32 v41, v38;
	v61 =	vadd.f32 v52, v56;
	v17 =	vadd.f32 v58, v17  }
0xfa: {  	v62 =	vmul.f32 v49, v49;
	v25 =	vmul.f32 v25, v21;
	v55 =	vadd.f32 v53, v60  }
0xfb: {  	v9 =	vsel vm5, $0x5368D4A5, v9;
	v63 =	vmul.f32 v48, v48;
	[tilespmem:v18+s15+$0x0] =	vst.idx.msk $0xffff, v17;
	v17 =	vadd.f32 v13, v61  }
0xfc: {  	v45 =	vsub.f32 v53, v51;
	v41 =	vmul.f32 v9, v43;
	[tilespmem:v19+s15+$0x0] =	vst.idx.msk $0xffff, v55  }
0xfd: {  	v43 =	vsub.f32 v42, v51;
	v33 =	vadd.f32 v63, v62;
	[tilespmem:v20+s15+$0x0] =	vst.idx.msk $0xffff, v17  }
0xfe: {  	v25 =	vsub.f32 $1.500000000e+00, v25;
	v62 =	vmul.f32 v47, v47;
	v63 =	vsub.f32 v52, v56;
	[tilespmem:v2+s15+$0x0] =	vst.idx.msk $0xffff, v3  }
0xff: {  	v41 =	vsub.f32 v46, v41;
	v13 =	vsub.f32 v13, v56;
	v17 =	vmul.f32 v9, v44;
	v44 =	vld.idx.msk [tilespmem:v18+s0+$0x0], $0xffff  }
0x100: {  	v21 =	vmul.f32 v25, v21;
	v61 =	vsub.f32 v57, v1;
	v1 =	vsub.f32 v58, v1;
	v51 =	vld.idx.msk [tilespmem:v19+s0+$0x0], $0xffff  }
0x101: {  	v33 =	vadd.f32 v33, v62;
	v62 =	vmul.f32 v45, v63;
	v56 =	vmul.f32 v13, v43;
	v55 =	vld.idx.msk [tilespmem:v20+s0+$0x0], $0xffff  }
0x102: {  	v4 =	vadd.f32 v4, v29;
	v29 =	vmul.f32 v1, v63;
	v13 =	vmul.f32 v13, v61;
	v58 =	vld.idx.msk [tilespmem:v18+s6+$0x0], $0xffff  }
0x103: {  	v53 =	vmul.f32 v41, v41;
	v25 =	vshrl.u32 v33, $0x1;
	v50 =	vmul.f32 $5.000000000e-01, v33;
	v59 =	vld.idx.msk [tilespmem:v19+s6+$0x0], $0xffff  }
0x104: {  	v9 =	vmul.f32 v9, v40;
	v25 =	vsub.s32 $0x5F3759DF, v25;
	v63 =	vld.idx.msk [tilespmem:v20+s6+$0x0], $0xffff;
	v40 =	vsub.f32 v29, v13  }
0x105: {  	v1 =	vmul.f32 v1, v43;
	v42 =	vsub.f32 v56, v62;
	v13 =	vld.idx.msk [tilespmem:v19+s2+$0x0], $0xffff;
	v60 =	vmul.f32 v25, v50  }
0x106: {  	v29 =	vmul.f32 v45, v61;
	v57 =	vld.idx.msk [tilespmem:v20+s2+$0x0], $0xffff;
	v61 =	vmul.f32 v40, v40  }
0x107: {  	v4 =	vadd.f32 v53, v4;
	v62 =	vld.idx.msk [tilespmem:v18+s2+$0x0], $0xffff;
	v52 =	vmul.f32 v25, v60;
	v60 =	vmul.f32 v42, v42  }
0x108: {  	v17 =	vsub.f32 v39, v17;
	v41 =	vsub.f32 v29, v1  }
0x109: {  	vm6 =	vle.f32 v36, $1.000000020e-24;
	v52 =	vsub.f32 $1.500000000e+00, v52;
	v1 =	vadd.f32 v61, v60  }
0x10a: {  	v46 =	vmul.f32 v21, v54;
	v29 =	vsub.f32 v59, v51;
	v63 =	vsub.f32 v63, v55  }
0x10b: {  	v56 =	vmul.f32 v41, v41;
	v13 =	vsub.f32 v13, v51;
	v39 =	vsub.f32 v57, v55  }
0x10c: {  	v46 =	vmul.f32 v46, v21;
	v58 =	vsub.f32 v58, v44;
	v45 =	vsub.f32 v62, v44  }
0x10d: {  	v25 =	vmul.f32 v25, v52;
	v43 =	vadd.f32 v1, v56;
	v1 =	vmul.f32 v39, v29  }
0x10e: {  	v9 =	vsub.f32 v38, v9;
	v59 =	vmul.f32 v13, v63;
	v38 =	vmul.f32 v45, v63  }
0x10f: {  	v60 =	vsub.f32 $1.500000000e+00, v46;
	v39 =	vmul.f32 v39, v58;
	v57 =	vmul.f32 v25, v50  }
0x110: {  	v2 =	vld [tilespmem:$0x1FFC0];
	v46 =	vsub.f32 v1, v59;
	v1 =	vmul.f32 v13, v58;
	v13 =	vmul.f32 v45, v29  }
0x111: {  	v54 =	vld.idx.msk [tilespmem:v22+s30+$0x0], $0xffff;
	v17 =	vmul.f32 v17, v17;
	v44 =	vsub.f32 v38, v39;
	v51 =	vmul.f32 v57, v25  }
0x112: {  	v36 =	vld.idx.msk [tilespmem:v24+s30+$0x0], $0xffff;
	v9 =	vmul.f32 v9, v9;
	v61 =	vshrl.u32 v43, $0x1;
	v45 =	vsub.f32 v1, v13  }
0x113: {  	v55 =	vld.idx.msk [tilespmem:v24+s29+$0x0], $0xffff;
	v1 =	vmul.f32 v46, v46;
	v13 =	vmul.f32 v44, v44;
	v62 =	vsub.f32 $1.500000000e+00, v51  }
0x114: {  	v52 =	vld.idx.msk [tilespmem:v23+s29+$0x0], $0xffff;
	v21 =	vmul.f32 v60, v21;
	v63 =	vsub.s32 $0x5F3759DF, v61;
	v51 =	vmul.f32 $5.000000000e-01, v43  }
0x115: {  	v29 =	vld.idx.msk [tilespmem:v22+s29+$0x0], $0xffff;
	v1 =	vadd.f32 v13, v1;
	v13 =	vmul.f32 v45, v45;
	v25 =	vmul.f32 v62, v25  }
0x116: {  	v4 =	vadd.f32 v4, v17;
	v38 =	vld.idx.msk [tilespmem:v23+s30+$0x0], $0xffff;
	v21 =	vsel vm6, $0x5368D4A5, v21;
	v60 =	vmul.f32 v63, v51  }
0x117: {  	v34 =	vmul.f32 v21, v34;
	v61 =	vmul.f32 v25, v50;
	v50 =	vadd.f32 v1, v13;
	v1 =	vld.idx.msk [tilespmem:v22+s31+$0x0], $0xffff  }
0x118: {  	v4 =	vadd.f32 v4, v9;
	v17 =	vmul.f32 v63, v60;
	v13 =	vmul.f32 v21, v37;
	v37 =	vld.idx.msk [tilespmem:v23+s31+$0x0], $0xffff  }
0x119: {  	v58 =	vld.idx.msk [tilespmem:v24+s31+$0x0], $0xffff;
	v53 =	vmul.f32 v61, v25;
	v62 =	vshrl.u32 v50, $0x1;
	v57 =	vmul.f32 $5.000000000e-01, v50  }
0x11a: {  	v56 =	vadd.f32 v54, v29;
	v17 =	vsub.f32 $1.500000000e+00, v17;
	v39 =	vsub.s32 $0x5F3759DF, v62  }
0x11b: {  	v60 =	vadd.f32 v38, v52;
	v53 =	vsub.f32 $1.500000000e+00, v53;
	v59 =	vmul.f32 v39, v57  }
0x11c: {  	v62 =	vadd.f32 v36, v55;
	v17 =	vmul.f32 v63, v17;
	v56 =	vadd.f32 v1, v56  }
0x11d: {  	v25 =	vmul.f32 v53, v25;
	v53 =	vmul.f32 v39, v59;
	v59 =	vadd.f32 v37, v60  }
0x11e: {  	vm7 =	vle.f32 v33, $1.000000020e-24;
	v61 =	vmul.f32 v17, v51;
	v60 =	vadd.f32 v58, v62;
	[tilespmem:v22+s15+$0x0] =	vst.idx.msk $0xffff, v56  }
0x11f: {  	vm8 =	vle.f32 v43, $1.000000020e-24;
	v21 =	vmul.f32 v21, v35;
	v37 =	vsub.f32 v37, v52;
	[tilespmem:v23+s15+$0x0] =	vst.idx.msk $0xffff, v59  }
0x120: {  	v63 =	vmul.f32 v61, v17;
	v25 =	vsel vm7, $0x5368D4A5, v25;
	v59 =	vsub.f32 v58, v55;
	[tilespmem:v24+s15+$0x0] =	vst.idx.msk $0xffff, v60  }
0x121: {  	v53 =	vsub.f32 $1.500000000e+00, v53;
	v61 =	vmul.f32 v25, v49;
	v48 =	vmul.f32 v25, v48;
	[tilespmem:v2+s15+$0x0] =	vst.idx.msk $0xffff, v3  }
0x122: {  	v9 =	vmul.f32 v25, v47;
	v47 =	vsub.f32 v38, v52;
	v60 =	vsub.f32 v54, v29;
	v25 =	vld.idx.msk [tilespmem:v22+s0+$0x0], $0xffff  }
0x123: {  	v33 =	vsub.f32 $1.500000000e+00, v63;
	v39 =	vmul.f32 v39, v53;
	v49 =	vld.idx.msk [tilespmem:v23+s0+$0x0], $0xffff;
	v13 =	vsub.f32 v13, v61  }
0x124: {  	v52 =	vld.idx.msk [tilespmem:v24+s0+$0x0], $0xffff;
	v61 =	vmul.f32 v59, v47;
	v9 =	vsub.f32 v21, v9;
	v21 =	vmul.f32 v37, v60  }
0x125: {  	v1 =	vsub.f32 v1, v29;
	v29 =	vld.idx.msk [tilespmem:v22+s6+$0x0], $0xffff;
	v17 =	vmul.f32 v33, v17;
	v62 =	vmul.f32 v39, v57  }
0x126: {  	v36 =	vsub.f32 v36, v55;
	v58 =	vld.idx.msk [tilespmem:v22+s2+$0x0], $0xffff;
	v13 =	vmul.f32 v13, v13;
	v9 =	vmul.f32 v9, v9  }
0x127: {  	vm9 =	vle.f32 v50, $1.000000020e-24;
	v55 =	vld.idx.msk [tilespmem:v23+s6+$0x0], $0xffff;
	v63 =	vmul.f32 v17, v51;
	v33 =	vmul.f32 v62, v39  }
0x128: {  	v56 =	vld.idx.msk [tilespmem:v24+s6+$0x0], $0xffff;
	v34 =	vsub.f32 v34, v48;
	v62 =	vmul.f32 v37, v36;
	v36 =	vmul.f32 v1, v36  }
0x129: {  	v51 =	vmul.f32 v59, v60;
	v59 =	vld.idx.msk [tilespmem:v23+s2+$0x0], $0xffff;
	v1 =	vmul.f32 v1, v47;
	v33 =	vsub.f32 $1.500000000e+00, v33  }
0x12a: {  	v60 =	vld.idx.msk [tilespmem:v24+s2+$0x0], $0xffff;
	v4 =	vadd.f32 v13, v4;
	v63 =	vmul.f32 v63, v17;
	v38 =	vsub.f32 v61, v62  }
0x12b: {  	v29 =	vsub.f32 v29, v25;
	v25 =	vsub.f32 v58, v25;
	v33 =	vmul.f32 v33, v39  }
0x12c: {  	v53 =	vld.idx.msk [tilespmem:v27+s29+$0x0], $0xffff;
	v39 =	vsub.f32 v36, v51;
	v13 =	vmul.f32 v38, v38;
	v48 =	vsub.f32 $1.500000000e+00, v63  }
0x12d: {  	v47 =	vld.idx.msk [tilespmem:v26+s29+$0x0], $0xffff;
	v51 =	vmul.f32 v34, v34;
	v34 =	vsub.f32 v21, v1;
	v21 =	vsub.f32 v55, v49  }
0x12e: {  	v58 =	vld.idx.msk [tilespmem:v26+s31+$0x0], $0xffff;
	v63 =	vsub.f32 v56, v52;
	v49 =	vsub.f32 v59, v49;
	v62 =	vmul.f32 v33, v57  }
0x12f: {  	v35 =	vsub.f32 v60, v52;
	v61 =	vmul.f32 v39, v39;
	v17 =	vmul.f32 v48, v17;
	v48 =	vld.idx.msk [tilespmem:v26+s30+$0x0], $0xffff  }
0x130: {  	v55 =	vld.idx.msk [tilespmem:v28+s30+$0x0], $0xffff;
	v60 =	vmul.f32 v34, v34;
	v4 =	vadd.f32 v4, v51;
	v54 =	vmul.f32 v62, v33  }
0x131: {  	v52 =	vld.idx.msk [tilespmem:v27+s30+$0x0], $0xffff;
	v1 =	vadd.f32 v61, v13;
	v61 =	vmul.f32 v35, v21;
	v62 =	vmul.f32 v49, v63  }
0x132: {  	v59 =	vld.idx.msk [tilespmem:v27+s31+$0x0], $0xffff;
	v63 =	vmul.f32 v25, v63;
	v21 =	vmul.f32 v25, v21;
	v54 =	vsub.f32 $1.500000000e+00, v54  }
0x133: {  	v13 =	vld.idx.msk [tilespmem:v28+s29+$0x0], $0xffff;
	v1 =	vadd.f32 v1, v60;
	v60 =	vmul.f32 v35, v29;
	v29 =	vmul.f32 v49, v29  }
0x134: {  	v17 =	vsel vm8, $0x5368D4A5, v17;
	v35 =	vsub.f32 v61, v62;
	v61 =	vadd.f32 v48, v47  }
0x135: {  	v25 =	vld.idx.msk [tilespmem:v28+s31+$0x0], $0xffff;
	v36 =	vsub.f32 v63, v60;
	v37 =	vsub.f32 v29, v21;
	v29 =	vmul.f32 v17, v42  }
0x136: {  	v2 =	vld [tilespmem:$0x1FFD0];
	v21 =	vadd.f32 v52, v53;
	v63 =	vmul.f32 v35, v35;
	v33 =	vmul.f32 v54, v33  }
0x137: {  	v57 =	vmul.f32 $5.000000000e-01, v1;
	v42 =	vadd.f32 v58, v61;
	v60 =	vmul.f32 v36, v36  }
0x138: {  	v62 =	vadd.f32 v55, v13;
	v61 =	vshrl.u32 v1, $0x1;
	v21 =	vadd.f32 v59, v21  }
0x139: {  	v56 =	vmul.f32 v37, v37;
	v33 =	vsel vm9, $0x5368D4A5, v33;
	v63 =	vadd.f32 v60, v63  }
0x13a: {  	[tilespmem:v26+s15+$0x0] =	vst.idx.msk $0xffff, v42;
	v62 =	vadd.f32 v25, v62;
	v44 =	vmul.f32 v33, v44;
	v60 =	vsub.s32 $0x5F3759DF, v61  }
0x13b: {  	[tilespmem:v27+s15+$0x0] =	vst.idx.msk $0xffff, v21;
	v61 =	vmul.f32 v60, v57;
	v43 =	vadd.f32 v63, v56  }
0x13c: {  	v21 =	vmul.f32 v17, v40;
	[tilespmem:v28+s15+$0x0] =	vst.idx.msk $0xffff, v62;
	v62 =	vmul.f32 v33, v46  }
0x13d: {  	v42 =	vmul.f32 v60, v61;
	v49 =	vshrl.u32 v43, $0x1;
	v50 =	vmul.f32 $5.000000000e-01, v43  }
0x13e: {  	v17 =	vmul.f32 v17, v41;
	[tilespmem:v2+s15+$0x0] =	vst.idx.msk $0xffff, v3;
	v29 =	vsub.f32 v29, v62;
	v41 =	vsub.s32 $0x5F3759DF, v49  }
0x13f: {  	v33 =	vmul.f32 v33, v45;
	v51 =	vld.idx.msk [tilespmem:v27+s0+$0x0], $0xffff;
	v42 =	vsub.f32 $1.500000000e+00, v42;
	v63 =	vmul.f32 v41, v50  }
0x140: {  	v54 =	vld.idx.msk [tilespmem:v28+s0+$0x0], $0xffff;
	v29 =	vmul.f32 v29, v29;
	v49 =	vsub.f32 v52, v53;
	v52 =	vsub.f32 v55, v13  }
0x141: {  	v5 =	vld.idx.msk [tilespmem:v32+s30+$0x0], $0xffff;
	v53 =	vsub.f32 v59, v53;
	v13 =	vsub.f32 v25, v13;
	v45 =	vmul.f32 v41, v63  }
0x142: {  	v2 =	vld.idx.msk [tilespmem:v30+s31+$0x0], $0xffff;
	v59 =	vmul.f32 v60, v42;
	v42 =	vsub.f32 v48, v47;
	v47 =	vsub.f32 v58, v47  }
0x143: {  	v55 =	vld.idx.msk [tilespmem:v27+s6+$0x0], $0xffff;
	v58 =	vmul.f32 v53, v52;
	v40 =	vsub.f32 $1.500000000e+00, v45;
	v45 =	vmul.f32 v13, v49  }
0x144: {  	v4 =	vadd.f32 v4, v9;
	v25 =	vld.idx.msk [tilespmem:v28+s6+$0x0], $0xffff;
	v9 =	vmul.f32 v47, v52;
	v13 =	vmul.f32 v13, v42  }
0x145: {  	v60 =	vld.idx.msk [tilespmem:v28+s2+$0x0], $0xffff;
	v61 =	vmul.f32 v59, v57;
	v62 =	vmul.f32 v41, v40;
	v41 =	vsub.f32 v45, v58  }
0x146: {  	v63 =	vld.idx.msk [tilespmem:v31+s30+$0x0], $0xffff;
	v40 =	vsub.f32 v9, v13;
	v9 =	vmul.f32 v53, v42;
	v13 =	vmul.f32 v47, v49  }
0x147: {  	v21 =	vsub.f32 v21, v44;
	v52 =	vld.idx.msk [tilespmem:v30+s29+$0x0], $0xffff;
	v44 =	vmul.f32 v61, v59;
	v49 =	vmul.f32 v62, v50  }
0x148: {  	v61 =	vld.idx.msk [tilespmem:v30+s30+$0x0], $0xffff;
	v42 =	vsub.f32 v9, v13;
	v9 =	vmul.f32 v41, v41;
	v13 =	vmul.f32 v40, v40  }
0x149: {  	v21 =	vmul.f32 v21, v21;
	v4 =	vadd.f32 v29, v4;
	v58 =	vld.idx.msk [tilespmem:v31+s29+$0x0], $0xffff;
	v29 =	vsub.f32 $1.500000000e+00, v44  }
0x14a: {  	v53 =	vld.idx.msk [tilespmem:v32+s29+$0x0], $0xffff;
	v44 =	vmul.f32 v49, v62;
	v9 =	vadd.f32 v13, v9;
	v13 =	vmul.f32 v42, v42  }
0x14b: {  	v47 =	vadd.f32 v4, v21;
	v4 =	vld.idx.msk [tilespmem:v31+s31+$0x0], $0xffff  }
0x14c: {  	v21 =	vsub.f32 $1.500000000e+00, v44;
	v44 =	vadd.f32 v9, v13;
	v9 =	vld.idx.msk [tilespmem:v32+s31+$0x0], $0xffff  }
0x14d: {  	v49 =	vsub.f32 v17, v33;
	v17 =	vmul.f32 v29, v59;
	v59 =	vadd.f32 v61, v52  }
0x14e: {  	v46 =	vld.idx.msk [tilespmem:v26+s0+$0x0], $0xffff;
	v29 =	vsub.f32 v55, v51;
	v55 =	vadd.f32 v63, v58  }
0x14f: {  	v56 =	vld.idx.msk [tilespmem:v26+s6+$0x0], $0xffff;
	v33 =	vadd.f32 v2, v59;
	v21 =	vmul.f32 v21, v62;
	v62 =	vadd.f32 v5, v53  }
0x150: {  	v48 =	vld.idx.msk [tilespmem:v27+s2+$0x0], $0xffff;
	v25 =	vsub.f32 v25, v54;
	v59 =	vadd.f32 v4, v55  }
0x151: {  	v54 =	vsub.f32 v60, v54;
	v13 =	vld.idx.msk [tilespmem:v26+s2+$0x0], $0xffff;
	[tilespmem:v30+s15+$0x0] =	vst.idx.msk $0xffff, v33;
	v60 =	vadd.f32 v9, v62  }
0x152: {  	[tilespmem:v31+s15+$0x0] =	vst.idx.msk $0xffff, v59  }
0x153: {  	[tilespmem:v32+s15+$0x0] =	vst.idx.msk $0xffff, v60;
	v60 =	vld [tilespmem:$0x1FFE0];
	_ =	sdelay $0x3  }
0x154: {  	vm10 =	vle.f32 v1, $1.000000020e-24;
	v48 =	vsub.f32 v48, v51;
	v45 =	vmul.f32 v17, v57  }
0x155: {  	v1 =	vmul.f32 v54, v29;
	v49 =	vmul.f32 v49, v49;
	v4 =	vsub.f32 v4, v58  }
0x156: {  	v45 =	vmul.f32 v45, v17;
	v62 =	vsub.f32 v56, v46;
	v13 =	vsub.f32 v13, v46  }
0x157: {  	v5 =	vsub.f32 v5, v53;
	v33 =	vmul.f32 v21, v50;
	v56 =	vmul.f32 v48, v25  }
0x158: {  	v57 =	vsub.f32 $1.500000000e+00, v45;
	v25 =	vmul.f32 v13, v25;
	v59 =	vmul.f32 v54, v62;
	[tilespmem:v60+s15+$0x0] =	vst.idx.msk $0xffff, v3  }
0x159: {  	v45 =	vsub.f32 v1, v56;
	v1 =	vmul.f32 v48, v62;
	v13 =	vmul.f32 v13, v29;
	v29 =	vld.idx.msk [tilespmem:v30+s0+$0x0], $0xffff  }
0x15a: {  	v9 =	vsub.f32 v9, v53;
	v17 =	vmul.f32 v57, v17;
	v48 =	vsub.f32 v25, v59;
	v25 =	vld.idx.msk [tilespmem:v31+s0+$0x0], $0xffff  }
0x15b: {  	v57 =	vmul.f32 $5.000000000e-01, v44;
	v62 =	vshrl.u32 v44, $0x1;
	v46 =	vsub.f32 v1, v13;
	v13 =	vld.idx.msk [tilespmem:v32+s0+$0x0], $0xffff  }
0x15c: {  	v54 =	vsub.f32 v63, v58;
	v1 =	vmul.f32 v45, v45;
	v51 =	vmul.f32 v48, v48;
	v55 =	vld.idx.msk [tilespmem:v30+s6+$0x0], $0xffff  }
0x15d: {  	v33 =	vmul.f32 v33, v21;
	v58 =	vsub.f32 v61, v52;
	v56 =	vsub.s32 $0x5F3759DF, v62;
	v53 =	vld.idx.msk [tilespmem:v31+s6+$0x0], $0xffff  }
0x15e: {  	v59 =	vmul.f32 v9, v54;
	v62 =	vmul.f32 v56, v57;
	v1 =	vadd.f32 v51, v1;
	v51 =	vld.idx.msk [tilespmem:v31+s2+$0x0], $0xffff  }
0x15f: {  	v2 =	vsub.f32 v2, v52;
	v9 =	vmul.f32 v9, v58;
	v50 =	vmul.f32 v46, v46;
	v61 =	vld.idx.msk [tilespmem:v32+s6+$0x0], $0xffff  }
0x160: {  	v60 =	vmul.f32 v4, v5;
	v4 =	vmul.f32 v4, v58;
	v52 =	vld.idx.msk [tilespmem:v32+s2+$0x0], $0xffff  }
0x161: {  	v17 =	vsel vm10, $0x5368D4A5, v17;
	v5 =	vmul.f32 v2, v5;
	v2 =	vmul.f32 v2, v54;
	v58 =	vld.idx.msk [tilespmem:v30+s2+$0x0], $0xffff  }
0x162: {  	v38 =	vmul.f32 v17, v38;
	v1 =	vadd.f32 v1, v50;
	v50 =	vsub.f32 v59, v60  }
0x163: {  	v39 =	vmul.f32 v17, v39;
	v5 =	vsub.f32 v5, v9;
	v2 =	vsub.f32 v4, v2  }
0x164: {  	v63 =	vmul.f32 v56, v62;
	v53 =	vsub.f32 v53, v25;
	v25 =	vsub.f32 v51, v25  }
0x165: {  	v54 =	vmul.f32 $5.000000000e-01, v1;
	v61 =	vsub.f32 v61, v13;
	v13 =	vsub.f32 v52, v13  }
0x166: {  	v4 =	vmul.f32 v50, v50;
	v55 =	vsub.f32 v55, v29;
	v29 =	vsub.f32 v58, v29  }
0x167: {  	v51 =	vsub.f32 $1.500000000e+00, v63;
	v9 =	vmul.f32 v13, v53;
	v63 =	vmul.f32 v25, v61  }
0x168: {  	v59 =	vmul.f32 v29, v61;
	v13 =	vmul.f32 v13, v55  }
0x169: {  	v62 =	vshrl.u32 v1, $0x1;
	v25 =	vmul.f32 v25, v55;
	v29 =	vmul.f32 v29, v53  }
0x16a: {  	v61 =	vmul.f32 v5, v5;
	v9 =	vsub.f32 v9, v63;
	v13 =	vsub.f32 v59, v13  }
0x16b: {  	v52 =	vsub.s32 $0x5F3759DF, v62;
	v25 =	vsub.f32 v25, v29;
	v59 =	vmul.f32 v2, v2  }
0x16c: {  	v4 =	vadd.f32 v61, v4;
	v29 =	vmul.f32 v9, v9;
	v62 =	vmul.f32 v13, v13  }
0x16d: {  	v33 =	vsub.f32 $1.500000000e+00, v33;
	v17 =	vmul.f32 v17, v34;
	v63 =	vmul.f32 v52, v54  }
0x16e: {  	v61 =	vmul.f32 v25, v25;
	v4 =	vadd.f32 v4, v59;
	v29 =	vadd.f32 v62, v29  }
0x16f: {  	vm11 =	vle.f32 v43, $1.000000020e-24;
	v21 =	vmul.f32 v33, v21;
	v51 =	vmul.f32 v56, v51  }
0x170: {  	v62 =	vmul.f32 v52, v63;
	v53 =	vshrl.u32 v4, $0x1;
	v29 =	vadd.f32 v29, v61  }
0x171: {  	v63 =	vmul.f32 v51, v57;
	v55 =	vmul.f32 $5.000000000e-01, v4;
	v53 =	vsub.s32 $0x5F3759DF, v53  }
0x172: {  	v34 =	vsub.f32 $1.500000000e+00, v62;
	v61 =	vshrl.u32 v29, $0x1;
	v58 =	vmul.f32 $5.000000000e-01, v29  }
0x173: {  	v62 =	vmul.f32 v53, v55;
	v33 =	vmul.f32 v63, v51;
	v56 =	vsub.s32 $0x5F3759DF, v61  }
0x174: {  	v21 =	vsel vm11, $0x5368D4A5, v21;
	v34 =	vmul.f32 v52, v34;
	v63 =	vmul.f32 v56, v58  }
0x175: {  	v35 =	vmul.f32 v21, v35;
	v52 =	vmul.f32 v53, v62  }
0x176: {  	v61 =	vmul.f32 v34, v54;
	v43 =	vmul.f32 v56, v63  }
0x177: {  	v36 =	vmul.f32 v21, v36;
	v21 =	vmul.f32 v21, v37;
	v52 =	vsub.f32 $1.500000000e+00, v52  }
0x178: {  	v35 =	vsub.f32 v38, v35;
	v59 =	vmul.f32 v61, v34;
	v62 =	vsub.f32 $1.500000000e+00, v43  }
0x179: {  	v17 =	vsub.f32 v17, v21;
	v33 =	vsub.f32 $1.500000000e+00, v33;
	v43 =	vmul.f32 v53, v52  }
0x17a: {  	v21 =	vmul.f32 v35, v35;
	v63 =	vsub.f32 $1.500000000e+00, v59;
	v37 =	vmul.f32 v56, v62  }
0x17b: {  	v33 =	vmul.f32 v33, v51;
	v61 =	vmul.f32 v43, v55  }
0x17c: {  	v47 =	vadd.f32 v47, v49;
	v34 =	vmul.f32 v63, v34;
	v63 =	vmul.f32 v37, v58  }
0x17d: {  	v36 =	vsub.f32 v39, v36;
	v59 =	vmul.f32 v33, v57;
	v49 =	vmul.f32 v61, v43  }
0x17e: {  	v53 =	vmul.f32 v34, v54;
	v54 =	vmul.f32 v63, v37  }
0x17f: {  	v36 =	vmul.f32 v36, v36;
	v62 =	vmul.f32 v59, v33;
	v49 =	vsub.f32 $1.500000000e+00, v49  }
0x180: {  	vm13 =	vle.f32 v1, $1.000000020e-24;
	v39 =	vmul.f32 v53, v34;
	v35 =	vsub.f32 $1.500000000e+00, v54  }
0x181: {  	v21 =	vadd.f32 v21, v47;
	v38 =	vsub.f32 $1.500000000e+00, v62;
	v56 =	vmul.f32 v49, v43  }
0x182: {  	v1 =	vmul.f32 v17, v17;
	v39 =	vsub.f32 $1.500000000e+00, v39;
	v35 =	vmul.f32 v35, v37  }
0x183: {  	v21 =	vadd.f32 v21, v36;
	v33 =	vmul.f32 v38, v33;
	v57 =	vmul.f32 v56, v55  }
0x184: {  	vm12 =	vle.f32 v44, $1.000000020e-24;
	v34 =	vmul.f32 v39, v34;
	v17 =	vmul.f32 v35, v58  }
0x185: {  	v1 =	vadd.f32 v21, v1;
	vm14 =	vle.f32 v4, $1.000000020e-24;
	v36 =	vmul.f32 v57, v56  }
0x186: {  	v33 =	vsel vm12, $0x5368D4A5, v33;
	v34 =	vsel vm13, $0x5368D4A5, v34;
	v17 =	vmul.f32 v17, v35  }
0x187: {  	v58 =	vmul.f32 v33, v41;
	v21 =	vmul.f32 v34, v45;
	v36 =	vsub.f32 $1.500000000e+00, v36  }
0x188: {  	v59 =	vmul.f32 v33, v40;
	v33 =	vmul.f32 v33, v42;
	v17 =	vsub.f32 $1.500000000e+00, v17  }
0x189: {  	v61 =	vmul.f32 v34, v48;
	v21 =	vsub.f32 v58, v21;
	v36 =	vmul.f32 v36, v56  }
0x18a: {  	vm15 =	vle.f32 v29, $1.000000020e-24;
	v34 =	vmul.f32 v34, v46;
	v4 =	vmul.f32 v17, v35  }
0x18b: {  	v62 =	vsub.f32 v59, v61;
	v17 =	vmul.f32 v21, v21;
	v63 =	vsel vm14, $0x5368D4A5, v36  }
0x18c: {  	v21 =	vsub.f32 v33, v34;
	v29 =	vmul.f32 v63, v50;
	v4 =	vsel vm15, $0x5368D4A5, v4  }
0x18d: {  	v1 =	vadd.f32 v17, v1;
	v17 =	vmul.f32 v62, v62;
	v9 =	vmul.f32 v4, v9  }
0x18e: {  	v5 =	vmul.f32 v63, v5;
	v13 =	vmul.f32 v4, v13  }
0x18f: {  	v1 =	vadd.f32 v1, v17;
	v17 =	vmul.f32 v21, v21;
	v9 =	vsub.f32 v29, v9  }
0x190: {  	v2 =	vmul.f32 v63, v2;
	v4 =	vmul.f32 v4, v25  }
0x191: {  	v5 =	vsub.f32 v5, v13;
	v1 =	vadd.f32 v1, v17;
	v9 =	vmul.f32 v9, v9;
	_ =	sdelay $0x1  }
0x192: {  	v2 =	vsub.f32 v2, v4;
	v4 =	vmul.f32 v5, v5;
	v1 =	vadd.f32 v9, v1;
	_ =	sdelay $0x1  }
0x193: {  	v2 =	vmul.f32 v2, v2;
	v1 =	vadd.f32 v1, v4;
	_ =	sdelay $0x1  }
0x194: {  	v1 =	vadd.f32 v1, v2  }
0x195: {  	s25 =	sadd.s32 $0x200, s25  }
0x196: {  	s12 =	sadd.s32 $0xAB80, s26;
	p0 =	sne.s32 s25, $0x6200;
	[tilespmem:s18+$0x0] =	vst.add.f32.msk $0xffff, v1  }
0x197: {  	[spmem:s1] =	stream.indirect.scatter.add.f32 [tilespmem:s15], [sflag:$0x2], $0x8, s12, s28, $0xb8;
	[tilespmem:$0x1BCA0] =	vst v63  }
.Ltmp0:
0x198: {  	_ = 	snop;
	(pc) =	sbr.rel @p0 .LBB2_3-.Ltmp0, $4  }
0x199: {  	s13 =	sadd.s32 $0xC400, s26;
	v60 =	vld [tilespmem:$0x1FF80]  }
0x19a: {  	v49 =	vld [tilespmem:$0x1FFF0];
	[spmem:s1] =	stream.indirect.scatter.add.f32 [tilespmem:s15], [sflag:$0x2], $0x8, s13, s28, $0xb8  }
0x19b: {  	s26 =	sadd.s32 $0xDC80, s26;
	v33 =	vld [tilespmem:$0x1FF70]  }
0x19c: {  	v29 =	vld [tilespmem:$0x1FF60];
	[spmem:s1] =	stream.indirect.scatter.add.f32 [tilespmem:s15], [sflag:$0x2], $0x8, s26, s28, $0xb8  }
0x19d: {  	_ =	swait.ge [sflag:s19], $0x400  }
0x19e: {  	[sflag:s19] =	ssyncset.done $0x0  }
0x19f: {  	[sflag:s19] =	ssyncadd.s32 $0xFFFFFC00  }
0x1a0: {  	_ =	swait.ge [sflag:s19], $0x400  }
0x1a1: {  	[sflag:s19] =	ssyncset.done $0x0  }
0x1a2: {  	[sflag:s19] =	ssyncadd.s32 $0xFFFFFC00  }
0x1a3: {  	_ =	swait.ge [sflag:s19], $0x400  }
0x1a4: {  	s9 =	smul.u32 $0xC400, s24;
	[sflag:s19] =	ssyncset.done $0x0  }
0x1a5: {  	s25 =	simm.s32 $0x0;
	p1 =	por $0x1, $0x1;
	[sflag:s19] =	ssyncadd.s32 $0xFFFFFC00  }
0x1a6: {  	s24 =	sadd.s32 s3, s9;
	s9 =	simm.s32 $0x0;
	[bflag:$0x0] =	sbarrier.arrive $0xFFFF  }
.LBB2_5:
0x1a7: {  	s26 =	sadd.s32 s11, s9  }
0x1a8: {  	s9 =	sshll.u32 s26, $0x3  }
0x1a9: {  	s9 =	sand.u32 $0x3FFFFFF8, s9  }
0x1aa: {  	s9 =	sadd.s32 s9, s1  }
0x1ab: {  	v1 =	vmov s25;
	[tilespmem:s20], [sflag:$0x3] =	stream.linear.gather [spmem:s9], $0x3100, $0x38;
	[tilespmem:$0x1BCA0] =	vst v63  }
0x1ac: {  	v1 =	vshll.u32 v1, $0x3;
	_ =	swait.ge [sflag:s17], $0x3100  }
0x1ad: {  	v1 =	vor.u32 v0, v1;
	[sflag:s17] =	ssyncset.done $0x0  }
0x1ae: {  	s13 =	sadd.s32 s26, s24;
	v2 =	vor.u32 $0x3, v1;
	[sflag:s17] =	ssyncadd.s32 $0xFFFFCF00  }
0x1af: {  	[tilespmem:s21], [sflag:$0x3] =	stream.linear.gather [hbm4b:s13+s25], $0x3100, $0x38;
	[tilespmem:$0x1BCA0] =	vst v63  }
0x1b0: {  	_ =	swait.ge [sflag:s17], $0x3100  }
0x1b1: {  	[sflag:s17] =	ssyncset.done $0x0  }
0x1b2: {  	[sflag:s17] =	ssyncadd.s32 $0xFFFFCF00  }
0x1b3: {  	v2 =	vld.idx.msk [tilespmem:v2+s20+$0x0], $0xffff;
	_ =	sdelay $0x1  }
0x1b4: {  	v4 =	vor.u32 $0x2, v1;
	_ =	sdelay $0x1  }
0x1b5: {  	v5 =	vor.u32 $0x1, v1  }
0x1b6: {  	v9 =	vadd.f32 v2, v2;
	_ =	sdelay $0x1  }
0x1b7: {  	v13 =	vld.idx.msk [tilespmem:v4+s21+$0x0], $0xffff;
	v9 =	vmax.f32 v9, $1.000000000e+00  }
0x1b8: {  	(erf) = vrcp.f32 v9;
	v9 =	vld.idx.msk [tilespmem:v1+s21+$0x0], $0xffff  }
0x1b9: {  	v17 =	vld.idx.msk [tilespmem:v5+s21+$0x0], $0xffff  }
0x1ba: {  	v5 =	vld.idx.msk [tilespmem:v5+s20+$0x0], $0xffff  }
0x1bb: {  	v1 =	vld.idx.msk [tilespmem:v1+s20+$0x0], $0xffff;
	_ =	sdelay $0x1  }
0x1bc: {  	v4 =	vld.idx.msk [tilespmem:v4+s20+$0x0], $0xffff;
	v21 =	vmul.f32 v9, v2  }
0x1bd: {  	v25 =	vmul.f32 v17, v2;
	_ =	sdelay $0x1  }
0x1be: {  	v5 =	vsub.f32 v5, v25;
	v2 =	vmul.f32 v13, v2;
	v1 =	vsub.f32 v1, v21  }
0x1bf: {  	v21 =	vpop (erf)  }
0x1c0: {  	v2 =	vsub.f32 v4, v2;
	v1 =	vmul.f32 v21, v1;
	v5 =	vmul.f32 v5, v21;
	_ =	sdelay $0x1  }
0x1c1: {  	v2 =	vmul.f32 v2, v21;
	v1 =	vsub.f32 v1, v9;
	v4 =	vsub.f32 v5, v17;
	_ =	sdelay $0x1  }
0x1c2: {  	v2 =	vsub.f32 v2, v13;
	v1 =	vmul.f32 v1, v1;
	v4 =	vmul.f32 v4, v4;
	_ =	sdelay $0x1  }
0x1c3: {  	v2 =	vmul.f32 v2, v2;
	v1 =	vadd.f32 v4, v1;
	_ =	sdelay $0x1  }
0x1c4: {  	v1 =	vadd.f32 v2, v1;
	_ =	sdelay $0x1  }
0x1c5: {  	v34 =	vadd.f32 $9.999999960e-13, v1;
	_ =	sdelay $0x1  }
0x1c6: {  	v1 =	vshrl.u32 v34, $0x1;
	v2 =	vmul.f32 $5.000000000e-01, v34  }
0x1c7: {  	v1 =	vsub.s32 $0x5F3759DF, v1  }
0x1c8: {  	v4 =	vmul.f32 v1, v2;
	_ =	sdelay $0x1  }
0x1c9: {  	v4 =	vmul.f32 v1, v4;
	_ =	sdelay $0x1  }
0x1ca: {  	v4 =	vsub.f32 $1.500000000e+00, v4;
	_ =	sdelay $0x1  }
0x1cb: {  	v1 =	vmul.f32 v1, v4;
	_ =	sdelay $0x1  }
0x1cc: {  	v4 =	vmul.f32 v1, v2;
	_ =	sdelay $0x1  }
0x1cd: {  	v4 =	vmul.f32 v4, v1;
	_ =	sdelay $0x1  }
0x1ce: {  	v4 =	vsub.f32 $1.500000000e+00, v4;
	_ =	sdelay $0x1  }
0x1cf: {  	v35 =	vmul.f32 v4, v1;
	_ =	sdelay $0x1  }
0x1d0: {  	v1 =	vmul.f32 v35, v2;
	_ =	sdelay $0x1  }
0x1d1: {  	v1 =	vmul.f32 v1, v35  }
0x1d2: {  	s9 =	simm.s32 $0x10  }
0x1d3: {  	p0 =	por p1, p1;
	s12 =	simm.s32 $0x20;
	s10 =	simm.s32 $0x0;
	v37 =	vmov s9;
	v36 =	vsub.f32 $1.500000000e+00, v1  }
.LBB2_6:
0x1d4: {  	p1 =	sne.s32 s12, $0x610;
	v1 =	vshll.u32 v37, $0x3  }
0x1d5: {  	v1 =	vor.u32 v0, v1;
	v2 =	vmul.f32 v36, v35  }
0x1d6: {  	v4 =	vor.u32 $0x3, v1  }
0x1d7: {  	s13 =	sadd.s32 s26, s10;
	s10 =	smov.u32 s9;
	s9 =	smov.u32 s12;
	v2 =	vmul.f32 v2, v34  }
0x1d8: {  	p2 =	slt.u32 s13, $0xC350  }
0x1d9: {  	v2 =	vpsel !p2, $0x0, v2  }
0x1da: {  	[tilespmem:s22+$0x0] =	vst.add.f32.msk $0xffff, v2  }
0x1db: {  	v2 =	vld.idx.msk [tilespmem:v4+s20+$0x0], $0xffff;
	_ =	sdelay $0x1  }
0x1dc: {  	v4 =	vor.u32 $0x2, v1  }
0x1dd: {  	v5 =	vor.u32 $0x1, v1;
	_ =	sdelay $0x2  }
0x1de: {  	v9 =	vadd.f32 v2, v2  }
0x1df: {  	v13 =	vld.idx.msk [tilespmem:v4+s21+$0x0], $0xffff  }
0x1e0: {  	v9 =	vmax.f32 v9, $1.000000000e+00;
	v17 =	vld.idx.msk [tilespmem:v5+s21+$0x0], $0xffff  }
0x1e1: {  	v21 =	vld.idx.msk [tilespmem:v1+s21+$0x0], $0xffff;
	(erf) = vrcp.f32 v9  }
0x1e2: {  	v5 =	vld.idx.msk [tilespmem:v5+s20+$0x0], $0xffff  }
0x1e3: {  	v1 =	vld.idx.msk [tilespmem:v1+s20+$0x0], $0xffff;
	_ =	sdelay $0x1  }
0x1e4: {  	v4 =	vld.idx.msk [tilespmem:v4+s20+$0x0], $0xffff;
	_ =	sdelay $0x1  }
0x1e5: {  	v25 =	vmul.f32 v17, v2;
	v34 =	vmul.f32 v21, v2;
	_ =	sdelay $0x1  }
0x1e6: {  	v2 =	vmul.f32 v13, v2;
	v5 =	vsub.f32 v5, v25;
	v1 =	vsub.f32 v1, v34  }
0x1e7: {  	v9 =	vpop (erf)  }
0x1e8: {  	v2 =	vsub.f32 v4, v2;
	v1 =	vmul.f32 v9, v1;
	v5 =	vmul.f32 v5, v9;
	_ =	sdelay $0x1  }
0x1e9: {  	v2 =	vmul.f32 v2, v9;
	v1 =	vsub.f32 v1, v21;
	v4 =	vsub.f32 v5, v17;
	_ =	sdelay $0x1  }
0x1ea: {  	v2 =	vsub.f32 v2, v13;
	v1 =	vmul.f32 v1, v1;
	v4 =	vmul.f32 v4, v4;
	_ =	sdelay $0x1  }
0x1eb: {  	v2 =	vmul.f32 v2, v2;
	v1 =	vadd.f32 v4, v1;
	_ =	sdelay $0x1  }
0x1ec: {  	v1 =	vadd.f32 v2, v1;
	_ =	sdelay $0x1  }
0x1ed: {  	v34 =	vadd.f32 $9.999999960e-13, v1;
	_ =	sdelay $0x1  }
0x1ee: {  	v1 =	vshrl.u32 v34, $0x1;
	v2 =	vmul.f32 $5.000000000e-01, v34  }
0x1ef: {  	v1 =	vsub.s32 $0x5F3759DF, v1  }
0x1f0: {  	v4 =	vmul.f32 v1, v2;
	_ =	sdelay $0x1  }
0x1f1: {  	v4 =	vmul.f32 v1, v4;
	_ =	sdelay $0x1  }
0x1f2: {  	v4 =	vsub.f32 $1.500000000e+00, v4;
	_ =	sdelay $0x1  }
0x1f3: {  	v1 =	vmul.f32 v1, v4;
	_ =	sdelay $0x1  }
0x1f4: {  	v4 =	vmul.f32 v1, v2;
	_ =	sdelay $0x1  }
0x1f5: {  	v4 =	vmul.f32 v4, v1;
	_ =	sdelay $0x1  }
0x1f6: {  	v4 =	vsub.f32 $1.500000000e+00, v4;
	_ =	sdelay $0x1  }
0x1f7: {  	v35 =	vmul.f32 v4, v1;
	_ =	sdelay $0x1  }
.Ltmp1:
0x1f8: {  	v1 =	vmul.f32 v35, v2;
	(pc) =	sbr.rel @p1 .LBB2_6-.Ltmp1, $3  }
0x1f9: {  	_ = 	snop  }
0x1fa: {  	v1 =	vmul.f32 v1, v35;
	_ =	sdelay $0x1  }
0x1fb: {  	s12 =	sadd.s32 $0x10, s12;
	v37 =	vmov s9;
	v36 =	vsub.f32 $1.500000000e+00, v1  }
0x1fc: {  	v1 =	vshll.u32 v37, $0x3  }
0x1fd: {  	v1 =	vor.u32 v0, v1;
	v2 =	vmul.f32 v36, v35  }
0x1fe: {  	v4 =	vor.u32 $0x3, v1  }
0x1ff: {  	s10 =	sadd.s32 s26, s10;
	v2 =	vmul.f32 v2, v34  }
0x200: {  	p1 =	slt.u32 s10, $0xC350  }
0x201: {  	v2 =	vpsel !p1, $0x0, v2  }
0x202: {  	[tilespmem:s22+$0x0] =	vst.add.f32.msk $0xffff, v2  }
0x203: {  	v2 =	vld.idx.msk [tilespmem:v4+s20+$0x0], $0xffff;
	_ =	sdelay $0x1  }
0x204: {  	v5 =	vor.u32 $0x1, v1;
	_ =	sdelay $0x2  }
0x205: {  	v4 =	vor.u32 $0x2, v1;
	v9 =	vadd.f32 v2, v2;
	_ =	sdelay $0x1  }
0x206: {  	v17 =	vld.idx.msk [tilespmem:v5+s21+$0x0], $0xffff;
	v9 =	vmax.f32 v9, $1.000000000e+00  }
0x207: {  	(erf) = vrcp.f32 v9;
	v9 =	vld.idx.msk [tilespmem:v1+s21+$0x0], $0xffff  }
0x208: {  	v5 =	vld.idx.msk [tilespmem:v5+s20+$0x0], $0xffff  }
0x209: {  	v13 =	vld.idx.msk [tilespmem:v4+s21+$0x0], $0xffff  }
0x20a: {  	v1 =	vld.idx.msk [tilespmem:v1+s20+$0x0], $0xffff;
	_ =	sdelay $0x1  }
0x20b: {  	v4 =	vld.idx.msk [tilespmem:v4+s20+$0x0], $0xffff;
	v21 =	vmul.f32 v9, v2  }
0x20c: {  	v25 =	vmul.f32 v17, v2;
	_ =	sdelay $0x1  }
0x20d: {  	v5 =	vsub.f32 v5, v25;
	v2 =	vmul.f32 v13, v2;
	v1 =	vsub.f32 v1, v21  }
0x20e: {  	v21 =	vpop (erf)  }
0x20f: {  	v2 =	vsub.f32 v4, v2;
	v1 =	vmul.f32 v21, v1;
	v5 =	vmul.f32 v5, v21;
	_ =	sdelay $0x1  }
0x210: {  	v2 =	vmul.f32 v2, v21;
	v1 =	vsub.f32 v1, v9;
	v4 =	vsub.f32 v5, v17;
	_ =	sdelay $0x1  }
0x211: {  	v2 =	vsub.f32 v2, v13;
	v1 =	vmul.f32 v1, v1;
	v4 =	vmul.f32 v4, v4;
	_ =	sdelay $0x1  }
0x212: {  	v2 =	vmul.f32 v2, v2;
	v1 =	vadd.f32 v4, v1;
	_ =	sdelay $0x1  }
0x213: {  	v1 =	vadd.f32 v2, v1;
	_ =	sdelay $0x1  }
0x214: {  	v1 =	vadd.f32 $9.999999960e-13, v1;
	_ =	sdelay $0x1  }
0x215: {  	v2 =	vshrl.u32 v1, $0x1;
	v4 =	vmul.f32 $5.000000000e-01, v1  }
0x216: {  	v2 =	vsub.s32 $0x5F3759DF, v2  }
0x217: {  	v5 =	vmul.f32 v2, v4;
	_ =	sdelay $0x1  }
0x218: {  	v5 =	vmul.f32 v2, v5;
	_ =	sdelay $0x1  }
0x219: {  	v5 =	vsub.f32 $1.500000000e+00, v5;
	_ =	sdelay $0x1  }
0x21a: {  	v2 =	vmul.f32 v2, v5;
	_ =	sdelay $0x1  }
0x21b: {  	v5 =	vmul.f32 v2, v4;
	_ =	sdelay $0x1  }
0x21c: {  	v5 =	vmul.f32 v5, v2;
	_ =	sdelay $0x1  }
0x21d: {  	v5 =	vsub.f32 $1.500000000e+00, v5;
	_ =	sdelay $0x1  }
0x21e: {  	v2 =	vmul.f32 v5, v2;
	_ =	sdelay $0x1  }
0x21f: {  	v4 =	vmul.f32 v2, v4;
	_ =	sdelay $0x1  }
0x220: {  	v4 =	vmul.f32 v4, v2;
	_ =	sdelay $0x1  }
0x221: {  	v4 =	vsub.f32 $1.500000000e+00, v4;
	_ =	sdelay $0x1  }
0x222: {  	v2 =	vmul.f32 v4, v2  }
.Ltmp2:
0x223: {  	_ = 	snop;
	(pc) =	sbr.rel @p0 .LBB2_5-.Ltmp2, $4  }
0x224: {  	s9 =	sadd.s32 s26, s9;
	v1 =	vmul.f32 v2, v1  }
0x225: {  	p6 =	slt.u32 s9, $0xC350  }
0x226: {  	v1 =	vpsel !p6, $0x0, v1  }
0x227: {  	s9 =	simm.s32 $0x620;
	p1 =	por $0x0, $0x0;
	[tilespmem:s22+$0x0] =	vst.add.f32.msk $0xffff, v1  }
0x228: {  	s23 =	sadd.s32 $0x1, s23  }
0x229: {  	p0 =	sne.s32 s23, $0x4  }
.Ltmp3:
0x22a: {  	_ = 	snop;
	(pc) =	sbr.rel @p0 .LBB2_2-.Ltmp3, $2  }
0x22b: {  	_ =	sdelay $0x1  }
0x22c: {  	[bflag:$0x0] =	sbarrier.arrive $0xFFFF;
	_ =	sdelay $0x1  }
0x22d: {  	s9 =	simm.s32 $0x0;
	s10 =	rddreg [dreg:$0x7]  }
0x22e: {  	[hbm4b:s10+s9] =	stream.linear.scatter [tilespmem:s22], [sflag:$0x3], $0x20, $0x38;
	[tilespmem:$0x1BCA0] =	vst v63  }
0x22f: {  	_ =	swait.ge [sflag:s17], $0x20  }
0x230: {  	s25 =	rddreg [dreg:$0x9]  }
0x231: {  	s26 =	rddreg [dreg:$0x8];
	s10 =	sadd.s32 $0x1, s25  }
0x232: {  	p0 =	sne.s32 s10, s26  }
.Ltmp4:
0x233: {  	_ = 	snop;
	(pc) =	sbr.rel @p0 .LBB2_1-.Ltmp4, $3  }
0x234: {  	_ =	sdelay $0x1  }
0x235: {  	[sflag:s17] =	ssyncset.done $0x0  }
0x236: {  	[sflag:s17] =	ssyncadd.s32 $0xFFFFFFE0  }
0x237: {  	_ =	sfence.sel $0x180000  }
0x238: {  	[bflag:$0x0] =	sbarrier.arrive $0xFFFF  }
0x239: {  	_ =	strace $0x90000047  }
0x23a: {  	s0 =	stileid.u32;
	[bflag:$0x2] =	sbarrier.arrive $0xFFFF  }
0x23b: {  	p0 =	sne.s32 s0, $0x0;
	s0 =	rddreg [dreg:$0x2]  }
0x23c: {  	s0 =	sadd.s32 @!p0 $0x100000, s0  }
0x23d: {  	[sflag:s0] =	ssyncadd.tile.s32 @!p0 $0x1;
	_ =	shalt  }
.Lfunc_end2:
_tile_overlayer_lowered:
.L_overlay_start_2:
0x23e: {  	(tag) =	ssettag $0x2  }
0x23f: {  	s0 =	rddreg [dreg:$0x0];
	s2 =	stileid.u32  }
0x240: {  	s1 =	rddreg [dreg:$0x1];
	p0 =	sne.s32 s2, $0x0  }
0x241: {  	s3 =	rddreg [dreg:$0x2];
	[bflag:$0x3] =	sbarrier.arrive $0xFFFF;
	s2 =	simm.s32 @!p0 $0x1C03  }
0x242: {  	[timem:s3], [sflag:s2] =	dma.local @!p0 [hbm:s0], s1  }
0x243: {  	s0 =	simm.s32 @!p0 $0x3  }
0x244: {  	_ =	swait.ge @!p0 [sflag:s0], s1  }
0x245: {  	s1 =	ssub.s32 @!p0 $0x0, s1;
	[sflag:s0] =	ssyncset.done @!p0 $0x0  }
0x246: {  	[sflag:s0] =	ssyncadd.s32 @!p0 s1  }
0x247: {  	[bflag:$0x3] =	sbarrier.arrive $0xFFFF  }
0x248: {  	_ =	shalt  }

</sc_bundles>
